<compile_context>
chip_gen: v7x
topology: tpu7x:2x2x1
jax: 0.10.2.dev20260603
libtpu: 0.0.44.dev20260713+nightly
codegen_flags: <defaults>
</compile_context>

<pallas_src>
import functools

import jax
import jax.numpy as jnp
from jax import lax
from jax.experimental import pallas as pl
from jax.experimental.pallas import tpu as pltpu
from jax.experimental.pallas import tpu_sc as plsc

N_NODES = 10000
N_EDGES = 320000
D_FEAT = 128

NUM_CORES = 2
NUM_SUBCORES = 16
NW = NUM_CORES * NUM_SUBCORES
EPW = N_EDGES // NW
CHUNK = 80
NCHUNKS = EPW // CHUNK
LANES = 16
GRPS = CHUNK // LANES
UNROLL = 8


def _edge_scores_kernel(eu_hbm, ev_hbm, src_hbm, dst_hbm, out_hbm,
                        sidx, didx, ua, va, ub, vb, outv, sem_a, sem_b):
    wid = lax.axis_index("s") * NUM_CORES + lax.axis_index("c")
    base = wid * EPW

    pltpu.sync_copy(src_hbm.at[pl.ds(base, EPW)], sidx)
    pltpu.sync_copy(dst_hbm.at[pl.ds(base, EPW)], didx)

    def issue(g, ur, vr, sem):
        off = g * CHUNK
        pltpu.async_copy(eu_hbm.at[sidx.at[pl.ds(off, CHUNK)]], ur, sem)
        pltpu.async_copy(ev_hbm.at[didx.at[pl.ds(off, CHUNK)]], vr, sem)

    def wait(ur, vr, sem):
        pltpu.make_async_copy(eu_hbm.at[sidx.at[pl.ds(0, CHUNK)]],
                              ur, sem).wait()
        pltpu.make_async_copy(ev_hbm.at[didx.at[pl.ds(0, CHUNK)]],
                              vr, sem).wait()

    def compute(g, ur, vr):
        for grp in range(GRPS):
            row0 = jnp.arange(LANES, dtype=jnp.int32) + grp * LANES

            def f_block(_, c):
                a0, a1, col = c
                for j in range(UNROLL):
                    cj = col + j
                    uu = plsc.load_gather(ur, [row0, cj])
                    vv = plsc.load_gather(vr, [row0, cj])
                    if j % 2 == 0:
                        a0 = a0 + uu * vv
                    else:
                        a1 = a1 + uu * vv
                return a0, a1, col + UNROLL

            zf = jnp.zeros((LANES,), jnp.float32)
            zi = jnp.zeros((LANES,), jnp.int32)
            a0, a1, _ = lax.fori_loop(0, D_FEAT // UNROLL, f_block,
                                      (zf, zf, zi))
            acc = a0 + a1
            sig = 1.0 / (1.0 + jnp.exp(-acc))
            outv[pl.ds(g * CHUNK + grp * LANES, LANES)] = sig

    issue(0, ua, va, sem_a)

    def body(i, carry):
        g0 = 2 * i
        issue(g0 + 1, ub, vb, sem_b)
        wait(ua, va, sem_a)
        compute(g0, ua, va)
        issue(g0 + 2, ua, va, sem_a)
        wait(ub, vb, sem_b)
        compute(g0 + 1, ub, vb)
        return carry

    lax.fori_loop(0, (NCHUNKS - 1) // 2, body, 0)
    wait(ua, va, sem_a)
    compute(NCHUNKS - 1, ua, va)

    pltpu.sync_copy(outv, out_hbm.at[pl.ds(base, EPW)])


@jax.jit
def _edge_scores(eu, ev, src, dst):
    mesh = plsc.VectorSubcoreMesh(core_axis_name="c", subcore_axis_name="s")
    run = functools.partial(
        pl.kernel,
        mesh=mesh,
        out_type=jax.ShapeDtypeStruct((N_EDGES,), jnp.float32),
        scratch_types=[
            pltpu.VMEM((EPW,), jnp.int32),
            pltpu.VMEM((EPW,), jnp.int32),
            pltpu.VMEM((CHUNK, D_FEAT), jnp.float32),
            pltpu.VMEM((CHUNK, D_FEAT), jnp.float32),
            pltpu.VMEM((CHUNK, D_FEAT), jnp.float32),
            pltpu.VMEM((CHUNK, D_FEAT), jnp.float32),
            pltpu.VMEM((EPW,), jnp.float32),
            pltpu.SemaphoreType.DMA,
            pltpu.SemaphoreType.DMA,
        ],
        compiler_params=pltpu.CompilerParams(needs_layout_passes=False),
    )(_edge_scores_kernel)
    return run(eu, ev, src, dst)


def kernel(Eu, Ev, edge_index):
    src = edge_index[0].astype(jnp.int32)
    dst = edge_index[1].astype(jnp.int32)
    return _edge_scores(Eu, Ev, src, dst)

# --- scband reference (transcript-rebuilt; emitter-appended) ---
"""Pipeline reference for scband-sav-view-54924041781406 (READ-ONLY COPY).

The authoritative reference and input builder live on the scoring server;
editing this copy changes nothing except your own understanding.
"""

import jax, jax.numpy as jnp
import numpy as np

N_NODES = 10000
N_EDGES = 320000
D_FEAT = 128


def setup_inputs(seed: int = 0) -> dict:
    key = jax.random.key(seed)
    k1, k2, k3 = jax.random.split(key, 3)
    Eu = jax.random.normal(k1, (N_NODES, D_FEAT), dtype=jnp.float32)
    Ev = jax.random.normal(k2, (N_NODES, D_FEAT), dtype=jnp.float32)
    edge_index = jax.random.randint(k3, (2, N_EDGES), 0, N_NODES, dtype=jnp.int64)
    return {"Eu": Eu, "Ev": Ev, "edge_index": edge_index}


def reference(Eu, Ev, edge_index):
    # SAV_view.forward: gather src/dst embeddings, elementwise product,
    # reduce over feature dim, sigmoid -> per-edge adjacency score.
    src = edge_index[0]
    dst = edge_index[1]
    x_u = jnp.take(Eu, src, axis=0)   # gather [E, d]
    x_i = jnp.take(Ev, dst, axis=0)   # gather [E, d]
    edge_logits = jnp.sum(x_u * x_i, axis=1)  # [E]
    Ag = jax.nn.sigmoid(edge_logits)
    return jnp.squeeze(Ag)

if __name__ == "__main__":
    import jax
    _d = setup_inputs()
    print(jax.jit(kernel)(*tuple(_d.values())))

</pallas_src>

<mosaic_0001>
#map = affine_map<(d0, d1) -> (0, 0)>
#map1 = affine_map<(d0, d1) -> (0)>
module attributes {stable_mosaic.version = 14 : i64} {
  func.func @_edge_scores_kernel(%arg0: i32, %arg1: i32, %arg2: memref<10000x128xf32, #tpu.memory_space<hbm>>, %arg3: memref<10000x128xf32, #tpu.memory_space<hbm>>, %arg4: memref<320000xi32, #tpu.memory_space<hbm>>, %arg5: memref<320000xi32, #tpu.memory_space<hbm>>, %arg6: memref<320000xf32, #tpu.memory_space<hbm>>, %arg7: memref<10000xi32, #tpu.memory_space<vmem>>, %arg8: memref<10000xi32, #tpu.memory_space<vmem>>, %arg9: memref<80x128xf32, #tpu.memory_space<vmem>>, %arg10: memref<80x128xf32, #tpu.memory_space<vmem>>, %arg11: memref<80x128xf32, #tpu.memory_space<vmem>>, %arg12: memref<80x128xf32, #tpu.memory_space<vmem>>, %arg13: memref<10000xf32, #tpu.memory_space<vmem>>, %arg14: memref<!tpu.dma_semaphore, #tpu.memory_space<semaphore_mem>>, %arg15: memref<!tpu.dma_semaphore, #tpu.memory_space<semaphore_mem>>) attributes {dimension_semantics = [#tpu.dimension_semantics<core_parallel>, #tpu.dimension_semantics<subcore_parallel>], iteration_bounds = array<i64: 2, 16>, scalar_prefetch = 0 : i64, scratch_operands = 9 : i64, tpu.core_type = #tpu.core_type<sc_vector_subcore>, window_params = [{transform_indices = #map}, {transform_indices = #map}, {transform_indices = #map1}, {transform_indices = #map1}, {transform_indices = #map1}]} {
    %mul3A = arith.constant 2 : i32
    %mul3A_0 = arith.muli %arg1, %mul3A : i32
    %add3A = arith.addi %mul3A_0, %arg0 : i32
    %mul3A_1 = arith.constant 10000 : i32
    %mul3A_2 = arith.muli %add3A, %mul3A_1 : i32
    "tpu.region"() ({
      %run_scoped3A = tpu.sem_alloc : memref<!tpu.dma_semaphore, #tpu.memory_space<semaphore_mem>>
      %dma_start3A_155 = tpu.memref_slice %arg4[%mul3A_2] : memref<320000xi32, #tpu.memory_space<hbm>> -> memref<10000xi32, #tpu.memory_space<hbm>>
      %dma_start3A_156 = tpu.memref_slice %arg4[%mul3A_2] : memref<320000xi32, #tpu.memory_space<hbm>> -> memref<10000xi32, #tpu.memory_space<hbm>>
      tpu.enqueue_dma source(%dma_start3A_156 : memref<10000xi32, #tpu.memory_space<hbm>>) target(%arg7 : memref<10000xi32, #tpu.memory_space<vmem>>) target_semaphore(%run_scoped3A : memref<!tpu.dma_semaphore, #tpu.memory_space<semaphore_mem>>)
      %dma_wait3A_157 = tpu.memref_slice %arg4[%mul3A_2] : memref<320000xi32, #tpu.memory_space<hbm>> -> memref<10000xi32, #tpu.memory_space<hbm>>
      %dma_wait3A_158 = tpu.memref_slice %arg4[%mul3A_2] : memref<320000xi32, #tpu.memory_space<hbm>> -> memref<10000xi32, #tpu.memory_space<hbm>>
      tpu.wait_dma2 semaphore(%run_scoped3A : memref<!tpu.dma_semaphore, #tpu.memory_space<semaphore_mem>>) src(%dma_wait3A_158 : memref<10000xi32, #tpu.memory_space<hbm>>) dst(%arg7 : memref<10000xi32, #tpu.memory_space<vmem>>)
      tpu.yield
    }) : () -> ()
    "tpu.region"() ({
      %run_scoped3A = tpu.sem_alloc : memref<!tpu.dma_semaphore, #tpu.memory_space<semaphore_mem>>
      %dma_start3A_155 = tpu.memref_slice %arg5[%mul3A_2] : memref<320000xi32, #tpu.memory_space<hbm>> -> memref<10000xi32, #tpu.memory_space<hbm>>
      %dma_start3A_156 = tpu.memref_slice %arg5[%mul3A_2] : memref<320000xi32, #tpu.memory_space<hbm>> -> memref<10000xi32, #tpu.memory_space<hbm>>
      tpu.enqueue_dma source(%dma_start3A_156 : memref<10000xi32, #tpu.memory_space<hbm>>) target(%arg8 : memref<10000xi32, #tpu.memory_space<vmem>>) target_semaphore(%run_scoped3A : memref<!tpu.dma_semaphore, #tpu.memory_space<semaphore_mem>>)
      %dma_wait3A_157 = tpu.memref_slice %arg5[%mul3A_2] : memref<320000xi32, #tpu.memory_space<hbm>> -> memref<10000xi32, #tpu.memory_space<hbm>>
      %dma_wait3A_158 = tpu.memref_slice %arg5[%mul3A_2] : memref<320000xi32, #tpu.memory_space<hbm>> -> memref<10000xi32, #tpu.memory_space<hbm>>
      tpu.wait_dma2 semaphore(%run_scoped3A : memref<!tpu.dma_semaphore, #tpu.memory_space<semaphore_mem>>) src(%dma_wait3A_158 : memref<10000xi32, #tpu.memory_space<hbm>>) dst(%arg8 : memref<10000xi32, #tpu.memory_space<vmem>>)
      tpu.yield
    }) : () -> ()
    %dma_start3A = arith.constant 0 : i32
    %dma_start3A_3 = tpu.memref_slice %arg7[%dma_start3A] : memref<10000xi32, #tpu.memory_space<vmem>> -> memref<80xi32, #tpu.memory_space<vmem>>
    %dma_start3A_4 = arith.constant 0 : i32
    %dma_start3A_5 = arith.constant 0 : i32
    %dma_start3A_6 = tpu.memref_slice %arg2[%dma_start3A_4, %dma_start3A_5] : memref<10000x128xf32, #tpu.memory_space<hbm>> -> memref<10000x128xf32, #tpu.memory_space<hbm>>
    tpu.enqueue_indirect_dma source(%dma_start3A_6 : memref<10000x128xf32, #tpu.memory_space<hbm>>) target(%arg9 : memref<80x128xf32, #tpu.memory_space<vmem>>) offsets(%dma_start3A_3 : memref<80xi32, #tpu.memory_space<vmem>>) semaphore(%arg14 : memref<!tpu.dma_semaphore, #tpu.memory_space<semaphore_mem>>)
    %dma_start3A_7 = arith.constant 0 : i32
    %dma_start3A_8 = tpu.memref_slice %arg8[%dma_start3A_7] : memref<10000xi32, #tpu.memory_space<vmem>> -> memref<80xi32, #tpu.memory_space<vmem>>
    %dma_start3A_9 = arith.constant 0 : i32
    %dma_start3A_10 = arith.constant 0 : i32
    %dma_start3A_11 = tpu.memref_slice %arg3[%dma_start3A_9, %dma_start3A_10] : memref<10000x128xf32, #tpu.memory_space<hbm>> -> memref<10000x128xf32, #tpu.memory_space<hbm>>
    tpu.enqueue_indirect_dma source(%dma_start3A_11 : memref<10000x128xf32, #tpu.memory_space<hbm>>) target(%arg10 : memref<80x128xf32, #tpu.memory_space<vmem>>) offsets(%dma_start3A_8 : memref<80xi32, #tpu.memory_space<vmem>>) semaphore(%arg14 : memref<!tpu.dma_semaphore, #tpu.memory_space<semaphore_mem>>)
    %scan3A = arith.constant 0 : i32
    %scan3A_12 = arith.constant 0 : i32
    %scan3A_13 = arith.constant 62 : i32
    %scan3A_14 = arith.addi %scan3A_12, %scan3A_13 : i32
    %scan3A_15 = arith.constant 1 : i32
    scf.for %scan3A_155 = %scan3A_12 to %scan3A_14 step %scan3A_15  : i32 {
      %mul3A_156 = arith.constant 2 : i32
      %mul3A_157 = arith.muli %mul3A_156, %scan3A_155 : i32
      %add3A_158 = arith.constant 1 : i32
      %add3A_159 = arith.addi %mul3A_157, %add3A_158 : i32
      %mul3A_160 = arith.constant 80 : i32
      %mul3A_161 = arith.muli %add3A_159, %mul3A_160 : i32
      %dma_start3A_162 = tpu.memref_slice %arg7[%mul3A_161] : memref<10000xi32, #tpu.memory_space<vmem>> -> memref<80xi32, #tpu.memory_space<vmem>>
      %dma_start3A_163 = arith.constant 0 : i32
      %dma_start3A_164 = arith.constant 0 : i32
      %dma_start3A_165 = tpu.memref_slice %arg2[%dma_start3A_163, %dma_start3A_164] : memref<10000x128xf32, #tpu.memory_space<hbm>> -> memref<10000x128xf32, #tpu.memory_space<hbm>>
      tpu.enqueue_indirect_dma source(%dma_start3A_165 : memref<10000x128xf32, #tpu.memory_space<hbm>>) target(%arg11 : memref<80x128xf32, #tpu.memory_space<vmem>>) offsets(%dma_start3A_162 : memref<80xi32, #tpu.memory_space<vmem>>) semaphore(%arg15 : memref<!tpu.dma_semaphore, #tpu.memory_space<semaphore_mem>>)
      %dma_start3A_166 = tpu.memref_slice %arg8[%mul3A_161] : memref<10000xi32, #tpu.memory_space<vmem>> -> memref<80xi32, #tpu.memory_space<vmem>>
      %dma_start3A_167 = arith.constant 0 : i32
      %dma_start3A_168 = arith.constant 0 : i32
      %dma_start3A_169 = tpu.memref_slice %arg3[%dma_start3A_167, %dma_start3A_168] : memref<10000x128xf32, #tpu.memory_space<hbm>> -> memref<10000x128xf32, #tpu.memory_space<hbm>>
      tpu.enqueue_indirect_dma source(%dma_start3A_169 : memref<10000x128xf32, #tpu.memory_space<hbm>>) target(%arg12 : memref<80x128xf32, #tpu.memory_space<vmem>>) offsets(%dma_start3A_166 : memref<80xi32, #tpu.memory_space<vmem>>) semaphore(%arg15 : memref<!tpu.dma_semaphore, #tpu.memory_space<semaphore_mem>>)
      %dma_wait3A_170 = arith.constant 0 : i32
      %dma_wait3A_171 = tpu.memref_slice %arg7[%dma_wait3A_170] : memref<10000xi32, #tpu.memory_space<vmem>> -> memref<80xi32, #tpu.memory_space<vmem>>
      %dma_wait3A_172 = arith.constant 0 : i32
      %dma_wait3A_173 = arith.constant 0 : i32
      %dma_wait3A_174 = tpu.memref_slice %arg2[%dma_wait3A_172, %dma_wait3A_173] : memref<10000x128xf32, #tpu.memory_space<hbm>> -> memref<10000x128xf32, #tpu.memory_space<hbm>>
      tpu.wait_indirect_dma semaphore(%arg14 : memref<!tpu.dma_semaphore, #tpu.memory_space<semaphore_mem>>) src(%dma_wait3A_174 : memref<10000x128xf32, #tpu.memory_space<hbm>>) dst(%arg9 : memref<80x128xf32, #tpu.memory_space<vmem>>)
      %dma_wait3A_175 = arith.constant 0 : i32
      %dma_wait3A_176 = tpu.memref_slice %arg8[%dma_wait3A_175] : memref<10000xi32, #tpu.memory_space<vmem>> -> memref<80xi32, #tpu.memory_space<vmem>>
      %dma_wait3A_177 = arith.constant 0 : i32
      %dma_wait3A_178 = arith.constant 0 : i32
      %dma_wait3A_179 = tpu.memref_slice %arg3[%dma_wait3A_177, %dma_wait3A_178] : memref<10000x128xf32, #tpu.memory_space<hbm>> -> memref<10000x128xf32, #tpu.memory_space<hbm>>
      tpu.wait_indirect_dma semaphore(%arg14 : memref<!tpu.dma_semaphore, #tpu.memory_space<semaphore_mem>>) src(%dma_wait3A_179 : memref<10000x128xf32, #tpu.memory_space<hbm>>) dst(%arg10 : memref<80x128xf32, #tpu.memory_space<vmem>>)
      %iota3A_180 = tpu.iota {dimensions = array<i32: 0>} : vector<16xi32>
      %add3A_181 = arith.constant 0 : i32
      %add3A_182 = vector.broadcast %add3A_181 : i32 to vector<16xi32>
      %add3A_183 = arith.addi %iota3A_180, %add3A_182 : vector<16xi32>
      %broadcast_in_dim3A_184 = arith.constant 0.000000e+00 : f32
      %broadcast_in_dim3A_185 = vector.broadcast %broadcast_in_dim3A_184 : f32 to vector<16xf32>
      %broadcast_in_dim3A_186 = arith.constant 0 : i32
      %broadcast_in_dim3A_187 = vector.broadcast %broadcast_in_dim3A_186 : i32 to vector<16xi32>
      %scan3A_188 = arith.constant 0 : i32
      %scan3A_189 = arith.constant 16 : i32
      %scan3A_190 = arith.addi %scan3A_188, %scan3A_189 : i32
      %scan3A_191 = arith.constant 1 : i32
      %scan3A_192:3 = scf.for %scan3A_514 = %scan3A_188 to %scan3A_190 step %scan3A_191 iter_args(%scan3A_515 = %broadcast_in_dim3A_185, %scan3A_516 = %broadcast_in_dim3A_185, %scan3A_517 = %broadcast_in_dim3A_187) -> (vector<16xf32>, vector<16xf32>, vector<16xi32>)  : i32 {
        %add3A_518 = arith.constant 0 : i32
        %add3A_519 = vector.broadcast %add3A_518 : i32 to vector<16xi32>
        %add3A_520 = arith.addi %scan3A_517, %add3A_519 : vector<16xi32>
        %gather3A = tpu.vector_load_idx %arg9[%add3A_183, %add3A_520] : memref<80x128xf32, #tpu.memory_space<vmem>>[vector<16xi32>, vector<16xi32>], vector<16xf32>,
        %gather3A_521 = tpu.vector_load_idx %arg10[%add3A_183, %add3A_520] : memref<80x128xf32, #tpu.memory_space<vmem>>[vector<16xi32>, vector<16xi32>], vector<16xf32>,
        %mul3A_522 = arith.mulf %gather3A, %gather3A_521 : vector<16xf32>
        %add3A_523 = arith.addf %scan3A_515, %mul3A_522 : vector<16xf32>
        %add3A_524 = arith.constant 1 : i32
        %add3A_525 = vector.broadcast %add3A_524 : i32 to vector<16xi32>
        %add3A_526 = arith.addi %scan3A_517, %add3A_525 : vector<16xi32>
        %gather3A_527 = tpu.vector_load_idx %arg9[%add3A_183, %add3A_526] : memref<80x128xf32, #tpu.memory_space<vmem>>[vector<16xi32>, vector<16xi32>], vector<16xf32>,
        %gather3A_528 = tpu.vector_load_idx %arg10[%add3A_183, %add3A_526] : memref<80x128xf32, #tpu.memory_space<vmem>>[vector<16xi32>, vector<16xi32>], vector<16xf32>,
        %mul3A_529 = arith.mulf %gather3A_527, %gather3A_528 : vector<16xf32>
        %add3A_530 = arith.addf %scan3A_516, %mul3A_529 : vector<16xf32>
        %add3A_531 = arith.constant 2 : i32
        %add3A_532 = vector.broadcast %add3A_531 : i32 to vector<16xi32>
        %add3A_533 = arith.addi %scan3A_517, %add3A_532 : vector<16xi32>
        %gather3A_534 = tpu.vector_load_idx %arg9[%add3A_183, %add3A_533] : memref<80x128xf32, #tpu.memory_space<vmem>>[vector<16xi32>, vector<16xi32>], vector<16xf32>,
        %gather3A_535 = tpu.vector_load_idx %arg10[%add3A_183, %add3A_533] : memref<80x128xf32, #tpu.memory_space<vmem>>[vector<16xi32>, vector<16xi32>], vector<16xf32>,
        %mul3A_536 = arith.mulf %gather3A_534, %gather3A_535 : vector<16xf32>
        %add3A_537 = arith.addf %add3A_523, %mul3A_536 : vector<16xf32>
        %add3A_538 = arith.constant 3 : i32
        %add3A_539 = vector.broadcast %add3A_538 : i32 to vector<16xi32>
        %add3A_540 = arith.addi %scan3A_517, %add3A_539 : vector<16xi32>
        %gather3A_541 = tpu.vector_load_idx %arg9[%add3A_183, %add3A_540] : memref<80x128xf32, #tpu.memory_space<vmem>>[vector<16xi32>, vector<16xi32>], vector<16xf32>,
        %gather3A_542 = tpu.vector_load_idx %arg10[%add3A_183, %add3A_540] : memref<80x128xf32, #tpu.memory_space<vmem>>[vector<16xi32>, vector<16xi32>], vector<16xf32>,
        %mul3A_543 = arith.mulf %gather3A_541, %gather3A_542 : vector<16xf32>
        %add3A_544 = arith.addf %add3A_530, %mul3A_543 : vector<16xf32>
        %add3A_545 = arith.constant 4 : i32
        %add3A_546 = vector.broadcast %add3A_545 : i32 to vector<16xi32>
        %add3A_547 = arith.addi %scan3A_517, %add3A_546 : vector<16xi32>
        %gather3A_548 = tpu.vector_load_idx %arg9[%add3A_183, %add3A_547] : memref<80x128xf32, #tpu.memory_space<vmem>>[vector<16xi32>, vector<16xi32>], vector<16xf32>,
        %gather3A_549 = tpu.vector_load_idx %arg10[%add3A_183, %add3A_547] : memref<80x128xf32, #tpu.memory_space<vmem>>[vector<16xi32>, vector<16xi32>], vector<16xf32>,
        %mul3A_550 = arith.mulf %gather3A_548, %gather3A_549 : vector<16xf32>
        %add3A_551 = arith.addf %add3A_537, %mul3A_550 : vector<16xf32>
        %add3A_552 = arith.constant 5 : i32
        %add3A_553 = vector.broadcast %add3A_552 : i32 to vector<16xi32>
        %add3A_554 = arith.addi %scan3A_517, %add3A_553 : vector<16xi32>
        %gather3A_555 = tpu.vector_load_idx %arg9[%add3A_183, %add3A_554] : memref<80x128xf32, #tpu.memory_space<vmem>>[vector<16xi32>, vector<16xi32>], vector<16xf32>,
        %gather3A_556 = tpu.vector_load_idx %arg10[%add3A_183, %add3A_554] : memref<80x128xf32, #tpu.memory_space<vmem>>[vector<16xi32>, vector<16xi32>], vector<16xf32>,
        %mul3A_557 = arith.mulf %gather3A_555, %gather3A_556 : vector<16xf32>
        %add3A_558 = arith.addf %add3A_544, %mul3A_557 : vector<16xf32>
        %add3A_559 = arith.constant 6 : i32
        %add3A_560 = vector.broadcast %add3A_559 : i32 to vector<16xi32>
        %add3A_561 = arith.addi %scan3A_517, %add3A_560 : vector<16xi32>
        %gather3A_562 = tpu.vector_load_idx %arg9[%add3A_183, %add3A_561] : memref<80x128xf32, #tpu.memory_space<vmem>>[vector<16xi32>, vector<16xi32>], vector<16xf32>,
        %gather3A_563 = tpu.vector_load_idx %arg10[%add3A_183, %add3A_561] : memref<80x128xf32, #tpu.memory_space<vmem>>[vector<16xi32>, vector<16xi32>], vector<16xf32>,
        %mul3A_564 = arith.mulf %gather3A_562, %gather3A_563 : vector<16xf32>
        %add3A_565 = arith.addf %add3A_551, %mul3A_564 : vector<16xf32>
        %add3A_566 = arith.constant 7 : i32
        %add3A_567 = vector.broadcast %add3A_566 : i32 to vector<16xi32>
        %add3A_568 = arith.addi %scan3A_517, %add3A_567 : vector<16xi32>
        %gather3A_569 = tpu.vector_load_idx %arg9[%add3A_183, %add3A_568] : memref<80x128xf32, #tpu.memory_space<vmem>>[vector<16xi32>, vector<16xi32>], vector<16xf32>,
        %gather3A_570 = tpu.vector_load_idx %arg10[%add3A_183, %add3A_568] : memref<80x128xf32, #tpu.memory_space<vmem>>[vector<16xi32>, vector<16xi32>], vector<16xf32>,
        %mul3A_571 = arith.mulf %gather3A_569, %gather3A_570 : vector<16xf32>
        %add3A_572 = arith.addf %add3A_558, %mul3A_571 : vector<16xf32>
        %add3A_573 = arith.constant 8 : i32
        %add3A_574 = vector.broadcast %add3A_573 : i32 to vector<16xi32>
        %add3A_575 = arith.addi %scan3A_517, %add3A_574 : vector<16xi32>
        scf.yield %add3A_565, %add3A_572, %add3A_575 : vector<16xf32>, vector<16xf32>, vector<16xi32>
      }
      %scan3A_193 = arith.constant 16 : i32
      %add3A_194 = arith.addf %scan3A_192#0, %scan3A_192#1 : vector<16xf32>
      %neg3A_195 = arith.constant 0.000000e+00 : f32
      %neg3A_196 = vector.broadcast %neg3A_195 : f32 to vector<16xf32>
      %neg3A_197 = arith.subf %neg3A_196, %add3A_194 : vector<16xf32>
      %exp3A_198 = math.exp %neg3A_197 : vector<16xf32>
      %add3A_199 = arith.constant 1.000000e+00 : f32
      %add3A_200 = vector.broadcast %add3A_199 : f32 to vector<16xf32>
      %add3A_201 = arith.addf %add3A_200, %exp3A_198 : vector<16xf32>
      %div3A_202 = arith.constant 1.000000e+00 : f32
      %div3A_203 = vector.broadcast %div3A_202 : f32 to vector<16xf32>
      %div3A_204 = arith.divf %div3A_203, %add3A_201 : vector<16xf32>
      %mul3A_205 = arith.constant 80 : i32
      %mul3A_206 = arith.muli %mul3A_157, %mul3A_205 : i32
      %add3A_207 = arith.constant 0 : i32
      %add3A_208 = arith.addi %mul3A_206, %add3A_207 : i32
      %swap3A_209 = arith.index_cast %add3A_208 : i32 to index
      %swap3A_210 = tpu.vector_load %arg13[%swap3A_209] {strides = array<i32>} : memref<10000xf32, #tpu.memory_space<vmem>>, vector<16xf32>,
      tpu.vector_store %arg13[%swap3A_209], %div3A_204 {strides = array<i32>} : memref<10000xf32, #tpu.memory_space<vmem>>, vector<16xf32>,
      %iota3A_211 = tpu.iota {dimensions = array<i32: 0>} : vector<16xi32>
      %add3A_212 = arith.constant 16 : i32
      %add3A_213 = vector.broadcast %add3A_212 : i32 to vector<16xi32>
      %add3A_214 = arith.addi %iota3A_211, %add3A_213 : vector<16xi32>
      %broadcast_in_dim3A_215 = arith.constant 0.000000e+00 : f32
      %broadcast_in_dim3A_216 = vector.broadcast %broadcast_in_dim3A_215 : f32 to vector<16xf32>
      %broadcast_in_dim3A_217 = arith.constant 0 : i32
      %broadcast_in_dim3A_218 = vector.broadcast %broadcast_in_dim3A_217 : i32 to vector<16xi32>
      %scan3A_219 = arith.constant 0 : i32
      %scan3A_220 = arith.constant 16 : i32
      %scan3A_221 = arith.addi %scan3A_219, %scan3A_220 : i32
      %scan3A_222 = arith.constant 1 : i32
      %scan3A_223:3 = scf.for %scan3A_514 = %scan3A_219 to %scan3A_221 step %scan3A_222 iter_args(%scan3A_515 = %broadcast_in_dim3A_216, %scan3A_516 = %broadcast_in_dim3A_216, %scan3A_517 = %broadcast_in_dim3A_218) -> (vector<16xf32>, vector<16xf32>, vector<16xi32>)  : i32 {
        %add3A_518 = arith.constant 0 : i32
        %add3A_519 = vector.broadcast %add3A_518 : i32 to vector<16xi32>
        %add3A_520 = arith.addi %scan3A_517, %add3A_519 : vector<16xi32>
        %gather3A = tpu.vector_load_idx %arg9[%add3A_214, %add3A_520] : memref<80x128xf32, #tpu.memory_space<vmem>>[vector<16xi32>, vector<16xi32>], vector<16xf32>,
        %gather3A_521 = tpu.vector_load_idx %arg10[%add3A_214, %add3A_520] : memref<80x128xf32, #tpu.memory_space<vmem>>[vector<16xi32>, vector<16xi32>], vector<16xf32>,
        %mul3A_522 = arith.mulf %gather3A, %gather3A_521 : vector<16xf32>
        %add3A_523 = arith.addf %scan3A_515, %mul3A_522 : vector<16xf32>
        %add3A_524 = arith.constant 1 : i32
        %add3A_525 = vector.broadcast %add3A_524 : i32 to vector<16xi32>
        %add3A_526 = arith.addi %scan3A_517, %add3A_525 : vector<16xi32>
        %gather3A_527 = tpu.vector_load_idx %arg9[%add3A_214, %add3A_526] : memref<80x128xf32, #tpu.memory_space<vmem>>[vector<16xi32>, vector<16xi32>], vector<16xf32>,
        %gather3A_528 = tpu.vector_load_idx %arg10[%add3A_214, %add3A_526] : memref<80x128xf32, #tpu.memory_space<vmem>>[vector<16xi32>, vector<16xi32>], vector<16xf32>,
        %mul3A_529 = arith.mulf %gather3A_527, %gather3A_528 : vector<16xf32>
        %add3A_530 = arith.addf %scan3A_516, %mul3A_529 : vector<16xf32>
        %add3A_531 = arith.constant 2 : i32
        %add3A_532 = vector.broadcast %add3A_531 : i32 to vector<16xi32>
        %add3A_533 = arith.addi %scan3A_517, %add3A_532 : vector<16xi32>
        %gather3A_534 = tpu.vector_load_idx %arg9[%add3A_214, %add3A_533] : memref<80x128xf32, #tpu.memory_space<vmem>>[vector<16xi32>, vector<16xi32>], vector<16xf32>,
        %gather3A_535 = tpu.vector_load_idx %arg10[%add3A_214, %add3A_533] : memref<80x128xf32, #tpu.memory_space<vmem>>[vector<16xi32>, vector<16xi32>], vector<16xf32>,
        %mul3A_536 = arith.mulf %gather3A_534, %gather3A_535 : vector<16xf32>
        %add3A_537 = arith.addf %add3A_523, %mul3A_536 : vector<16xf32>
        %add3A_538 = arith.constant 3 : i32
        %add3A_539 = vector.broadcast %add3A_538 : i32 to vector<16xi32>
        %add3A_540 = arith.addi %scan3A_517, %add3A_539 : vector<16xi32>
        %gather3A_541 = tpu.vector_load_idx %arg9[%add3A_214, %add3A_540] : memref<80x128xf32, #tpu.memory_space<vmem>>[vector<16xi32>, vector<16xi32>], vector<16xf32>,
        %gather3A_542 = tpu.vector_load_idx %arg10[%add3A_214, %add3A_540] : memref<80x128xf32, #tpu.memory_space<vmem>>[vector<16xi32>, vector<16xi32>], vector<16xf32>,
        %mul3A_543 = arith.mulf %gather3A_541, %gather3A_542 : vector<16xf32>
        %add3A_544 = arith.addf %add3A_530, %mul3A_543 : vector<16xf32>
        %add3A_545 = arith.constant 4 : i32
        %add3A_546 = vector.broadcast %add3A_545 : i32 to vector<16xi32>
        %add3A_547 = arith.addi %scan3A_517, %add3A_546 : vector<16xi32>
        %gather3A_548 = tpu.vector_load_idx %arg9[%add3A_214, %add3A_547] : memref<80x128xf32, #tpu.memory_space<vmem>>[vector<16xi32>, vector<16xi32>], vector<16xf32>,
        %gather3A_549 = tpu.vector_load_idx %arg10[%add3A_214, %add3A_547] : memref<80x128xf32, #tpu.memory_space<vmem>>[vector<16xi32>, vector<16xi32>], vector<16xf32>,
        %mul3A_550 = arith.mulf %gather3A_548, %gather3A_549 : vector<16xf32>
        %add3A_551 = arith.addf %add3A_537, %mul3A_550 : vector<16xf32>
        %add3A_552 = arith.constant 5 : i32
        %add3A_553 = vector.broadcast %add3A_552 : i32 to vector<16xi32>
        %add3A_554 = arith.addi %scan3A_517, %add3A_553 : vector<16xi32>
        %gather3A_555 = tpu.vector_load_idx %arg9[%add3A_214, %add3A_554] : memref<80x128xf32, #tpu.memory_space<vmem>>[vector<16xi32>, vector<16xi32>], vector<16xf32>,
        %gather3A_556 = tpu.vector_load_idx %arg10[%add3A_214, %add3A_554] : memref<80x128xf32, #tpu.memory_space<vmem>>[vector<16xi32>, vector<16xi32>], vector<16xf32>,
        %mul3A_557 = arith.mulf %gather3A_555, %gather3A_556 : vector<16xf32>
        %add3A_558 = arith.addf %add3A_544, %mul3A_557 : vector<16xf32>
        %add3A_559 = arith.constant 6 : i32
        %add3A_560 = vector.broadcast %add3A_559 : i32 to vector<16xi32>
        %add3A_561 = arith.addi %scan3A_517, %add3A_560 : vector<16xi32>
        %gather3A_562 = tpu.vector_load_idx %arg9[%add3A_214, %add3A_561] : memref<80x128xf32, #tpu.memory_space<vmem>>[vector<16xi32>, vector<16xi32>], vector<16xf32>,
        %gather3A_563 = tpu.vector_load_idx %arg10[%add3A_214, %add3A_561] : memref<80x128xf32, #tpu.memory_space<vmem>>[vector<16xi32>, vector<16xi32>], vector<16xf32>,
        %mul3A_564 = arith.mulf %gather3A_562, %gather3A_563 : vector<16xf32>
        %add3A_565 = arith.addf %add3A_551, %mul3A_564 : vector<16xf32>
        %add3A_566 = arith.constant 7 : i32
        %add3A_567 = vector.broadcast %add3A_566 : i32 to vector<16xi32>
        %add3A_568 = arith.addi %scan3A_517, %add3A_567 : vector<16xi32>
        %gather3A_569 = tpu.vector_load_idx %arg9[%add3A_214, %add3A_568] : memref<80x128xf32, #tpu.memory_space<vmem>>[vector<16xi32>, vector<16xi32>], vector<16xf32>,
        %gather3A_570 = tpu.vector_load_idx %arg10[%add3A_214, %add3A_568] : memref<80x128xf32, #tpu.memory_space<vmem>>[vector<16xi32>, vector<16xi32>], vector<16xf32>,
        %mul3A_571 = arith.mulf %gather3A_569, %gather3A_570 : vector<16xf32>
        %add3A_572 = arith.addf %add3A_558, %mul3A_571 : vector<16xf32>
        %add3A_573 = arith.constant 8 : i32
        %add3A_574 = vector.broadcast %add3A_573 : i32 to vector<16xi32>
        %add3A_575 = arith.addi %scan3A_517, %add3A_574 : vector<16xi32>
        scf.yield %add3A_565, %add3A_572, %add3A_575 : vector<16xf32>, vector<16xf32>, vector<16xi32>
      }
      %scan3A_224 = arith.constant 16 : i32
      %add3A_225 = arith.addf %scan3A_223#0, %scan3A_223#1 : vector<16xf32>
      %neg3A_226 = arith.constant 0.000000e+00 : f32
      %neg3A_227 = vector.broadcast %neg3A_226 : f32 to vector<16xf32>
      %neg3A_228 = arith.subf %neg3A_227, %add3A_225 : vector<16xf32>
      %exp3A_229 = math.exp %neg3A_228 : vector<16xf32>
      %add3A_230 = arith.constant 1.000000e+00 : f32
      %add3A_231 = vector.broadcast %add3A_230 : f32 to vector<16xf32>
      %add3A_232 = arith.addf %add3A_231, %exp3A_229 : vector<16xf32>
      %div3A_233 = arith.constant 1.000000e+00 : f32
      %div3A_234 = vector.broadcast %div3A_233 : f32 to vector<16xf32>
      %div3A_235 = arith.divf %div3A_234, %add3A_232 : vector<16xf32>
      %mul3A_236 = arith.constant 80 : i32
      %mul3A_237 = arith.muli %mul3A_157, %mul3A_236 : i32
      %add3A_238 = arith.constant 16 : i32
      %add3A_239 = arith.addi %mul3A_237, %add3A_238 : i32
      %swap3A_240 = arith.index_cast %add3A_239 : i32 to index
      %swap3A_241 = tpu.vector_load %arg13[%swap3A_240] {strides = array<i32>} : memref<10000xf32, #tpu.memory_space<vmem>>, vector<16xf32>,
      tpu.vector_store %arg13[%swap3A_240], %div3A_235 {strides = array<i32>} : memref<10000xf32, #tpu.memory_space<vmem>>, vector<16xf32>,
      %iota3A_242 = tpu.iota {dimensions = array<i32: 0>} : vector<16xi32>
      %add3A_243 = arith.constant 32 : i32
      %add3A_244 = vector.broadcast %add3A_243 : i32 to vector<16xi32>
      %add3A_245 = arith.addi %iota3A_242, %add3A_244 : vector<16xi32>
      %broadcast_in_dim3A_246 = arith.constant 0.000000e+00 : f32
      %broadcast_in_dim3A_247 = vector.broadcast %broadcast_in_dim3A_246 : f32 to vector<16xf32>
      %broadcast_in_dim3A_248 = arith.constant 0 : i32
      %broadcast_in_dim3A_249 = vector.broadcast %broadcast_in_dim3A_248 : i32 to vector<16xi32>
      %scan3A_250 = arith.constant 0 : i32
      %scan3A_251 = arith.constant 16 : i32
      %scan3A_252 = arith.addi %scan3A_250, %scan3A_251 : i32
      %scan3A_253 = arith.constant 1 : i32
      %scan3A_254:3 = scf.for %scan3A_514 = %scan3A_250 to %scan3A_252 step %scan3A_253 iter_args(%scan3A_515 = %broadcast_in_dim3A_247, %scan3A_516 = %broadcast_in_dim3A_247, %scan3A_517 = %broadcast_in_dim3A_249) -> (vector<16xf32>, vector<16xf32>, vector<16xi32>)  : i32 {
        %add3A_518 = arith.constant 0 : i32
        %add3A_519 = vector.broadcast %add3A_518 : i32 to vector<16xi32>
        %add3A_520 = arith.addi %scan3A_517, %add3A_519 : vector<16xi32>
        %gather3A = tpu.vector_load_idx %arg9[%add3A_245, %add3A_520] : memref<80x128xf32, #tpu.memory_space<vmem>>[vector<16xi32>, vector<16xi32>], vector<16xf32>,
        %gather3A_521 = tpu.vector_load_idx %arg10[%add3A_245, %add3A_520] : memref<80x128xf32, #tpu.memory_space<vmem>>[vector<16xi32>, vector<16xi32>], vector<16xf32>,
        %mul3A_522 = arith.mulf %gather3A, %gather3A_521 : vector<16xf32>
        %add3A_523 = arith.addf %scan3A_515, %mul3A_522 : vector<16xf32>
        %add3A_524 = arith.constant 1 : i32
        %add3A_525 = vector.broadcast %add3A_524 : i32 to vector<16xi32>
        %add3A_526 = arith.addi %scan3A_517, %add3A_525 : vector<16xi32>
        %gather3A_527 = tpu.vector_load_idx %arg9[%add3A_245, %add3A_526] : memref<80x128xf32, #tpu.memory_space<vmem>>[vector<16xi32>, vector<16xi32>], vector<16xf32>,
        %gather3A_528 = tpu.vector_load_idx %arg10[%add3A_245, %add3A_526] : memref<80x128xf32, #tpu.memory_space<vmem>>[vector<16xi32>, vector<16xi32>], vector<16xf32>,
        %mul3A_529 = arith.mulf %gather3A_527, %gather3A_528 : vector<16xf32>
        %add3A_530 = arith.addf %scan3A_516, %mul3A_529 : vector<16xf32>
        %add3A_531 = arith.constant 2 : i32
        %add3A_532 = vector.broadcast %add3A_531 : i32 to vector<16xi32>
        %add3A_533 = arith.addi %scan3A_517, %add3A_532 : vector<16xi32>
        %gather3A_534 = tpu.vector_load_idx %arg9[%add3A_245, %add3A_533] : memref<80x128xf32, #tpu.memory_space<vmem>>[vector<16xi32>, vector<16xi32>], vector<16xf32>,
        %gather3A_535 = tpu.vector_load_idx %arg10[%add3A_245, %add3A_533] : memref<80x128xf32, #tpu.memory_space<vmem>>[vector<16xi32>, vector<16xi32>], vector<16xf32>,
        %mul3A_536 = arith.mulf %gather3A_534, %gather3A_535 : vector<16xf32>
        %add3A_537 = arith.addf %add3A_523, %mul3A_536 : vector<16xf32>
        %add3A_538 = arith.constant 3 : i32
        %add3A_539 = vector.broadcast %add3A_538 : i32 to vector<16xi32>
        %add3A_540 = arith.addi %scan3A_517, %add3A_539 : vector<16xi32>
        %gather3A_541 = tpu.vector_load_idx %arg9[%add3A_245, %add3A_540] : memref<80x128xf32, #tpu.memory_space<vmem>>[vector<16xi32>, vector<16xi32>], vector<16xf32>,
        %gather3A_542 = tpu.vector_load_idx %arg10[%add3A_245, %add3A_540] : memref<80x128xf32, #tpu.memory_space<vmem>>[vector<16xi32>, vector<16xi32>], vector<16xf32>,
        %mul3A_543 = arith.mulf %gather3A_541, %gather3A_542 : vector<16xf32>
        %add3A_544 = arith.addf %add3A_530, %mul3A_543 : vector<16xf32>
        %add3A_545 = arith.constant 4 : i32
        %add3A_546 = vector.broadcast %add3A_545 : i32 to vector<16xi32>
        %add3A_547 = arith.addi %scan3A_517, %add3A_546 : vector<16xi32>
        %gather3A_548 = tpu.vector_load_idx %arg9[%add3A_245, %add3A_547] : memref<80x128xf32, #tpu.memory_space<vmem>>[vector<16xi32>, vector<16xi32>], vector<16xf32>,
        %gather3A_549 = tpu.vector_load_idx %arg10[%add3A_245, %add3A_547] : memref<80x128xf32, #tpu.memory_space<vmem>>[vector<16xi32>, vector<16xi32>], vector<16xf32>,
        %mul3A_550 = arith.mulf %gather3A_548, %gather3A_549 : vector<16xf32>
        %add3A_551 = arith.addf %add3A_537, %mul3A_550 : vector<16xf32>
        %add3A_552 = arith.constant 5 : i32
        %add3A_553 = vector.broadcast %add3A_552 : i32 to vector<16xi32>
        %add3A_554 = arith.addi %scan3A_517, %add3A_553 : vector<16xi32>
        %gather3A_555 = tpu.vector_load_idx %arg9[%add3A_245, %add3A_554] : memref<80x128xf32, #tpu.memory_space<vmem>>[vector<16xi32>, vector<16xi32>], vector<16xf32>,
        %gather3A_556 = tpu.vector_load_idx %arg10[%add3A_245, %add3A_554] : memref<80x128xf32, #tpu.memory_space<vmem>>[vector<16xi32>, vector<16xi32>], vector<16xf32>,
        %mul3A_557 = arith.mulf %gather3A_555, %gather3A_556 : vector<16xf32>
        %add3A_558 = arith.addf %add3A_544, %mul3A_557 : vector<16xf32>
        %add3A_559 = arith.constant 6 : i32
        %add3A_560 = vector.broadcast %add3A_559 : i32 to vector<16xi32>
        %add3A_561 = arith.addi %scan3A_517, %add3A_560 : vector<16xi32>
        %gather3A_562 = tpu.vector_load_idx %arg9[%add3A_245, %add3A_561] : memref<80x128xf32, #tpu.memory_space<vmem>>[vector<16xi32>, vector<16xi32>], vector<16xf32>,
        %gather3A_563 = tpu.vector_load_idx %arg10[%add3A_245, %add3A_561] : memref<80x128xf32, #tpu.memory_space<vmem>>[vector<16xi32>, vector<16xi32>], vector<16xf32>,
        %mul3A_564 = arith.mulf %gather3A_562, %gather3A_563 : vector<16xf32>
        %add3A_565 = arith.addf %add3A_551, %mul3A_564 : vector<16xf32>
        %add3A_566 = arith.constant 7 : i32
        %add3A_567 = vector.broadcast %add3A_566 : i32 to vector<16xi32>
        %add3A_568 = arith.addi %scan3A_517, %add3A_567 : vector<16xi32>
        %gather3A_569 = tpu.vector_load_idx %arg9[%add3A_245, %add3A_568] : memref<80x128xf32, #tpu.memory_space<vmem>>[vector<16xi32>, vector<16xi32>], vector<16xf32>,
        %gather3A_570 = tpu.vector_load_idx %arg10[%add3A_245, %add3A_568] : memref<80x128xf32, #tpu.memory_space<vmem>>[vector<16xi32>, vector<16xi32>], vector<16xf32>,
        %mul3A_571 = arith.mulf %gather3A_569, %gather3A_570 : vector<16xf32>
        %add3A_572 = arith.addf %add3A_558, %mul3A_571 : vector<16xf32>
        %add3A_573 = arith.constant 8 : i32
        %add3A_574 = vector.broadcast %add3A_573 : i32 to vector<16xi32>
        %add3A_575 = arith.addi %scan3A_517, %add3A_574 : vector<16xi32>
        scf.yield %add3A_565, %add3A_572, %add3A_575 : vector<16xf32>, vector<16xf32>, vector<16xi32>
      }
      %scan3A_255 = arith.constant 16 : i32
      %add3A_256 = arith.addf %scan3A_254#0, %scan3A_254#1 : vector<16xf32>
      %neg3A_257 = arith.constant 0.000000e+00 : f32
      %neg3A_258 = vector.broadcast %neg3A_257 : f32 to vector<16xf32>
      %neg3A_259 = arith.subf %neg3A_258, %add3A_256 : vector<16xf32>
      %exp3A_260 = math.exp %neg3A_259 : vector<16xf32>
      %add3A_261 = arith.constant 1.000000e+00 : f32
      %add3A_262 = vector.broadcast %add3A_261 : f32 to vector<16xf32>
      %add3A_263 = arith.addf %add3A_262, %exp3A_260 : vector<16xf32>
      %div3A_264 = arith.constant 1.000000e+00 : f32
      %div3A_265 = vector.broadcast %div3A_264 : f32 to vector<16xf32>
      %div3A_266 = arith.divf %div3A_265, %add3A_263 : vector<16xf32>
      %mul3A_267 = arith.constant 80 : i32
      %mul3A_268 = arith.muli %mul3A_157, %mul3A_267 : i32
      %add3A_269 = arith.constant 32 : i32
      %add3A_270 = arith.addi %mul3A_268, %add3A_269 : i32
      %swap3A_271 = arith.index_cast %add3A_270 : i32 to index
      %swap3A_272 = tpu.vector_load %arg13[%swap3A_271] {strides = array<i32>} : memref<10000xf32, #tpu.memory_space<vmem>>, vector<16xf32>,
      tpu.vector_store %arg13[%swap3A_271], %div3A_266 {strides = array<i32>} : memref<10000xf32, #tpu.memory_space<vmem>>, vector<16xf32>,
      %iota3A_273 = tpu.iota {dimensions = array<i32: 0>} : vector<16xi32>
      %add3A_274 = arith.constant 48 : i32
      %add3A_275 = vector.broadcast %add3A_274 : i32 to vector<16xi32>
      %add3A_276 = arith.addi %iota3A_273, %add3A_275 : vector<16xi32>
      %broadcast_in_dim3A_277 = arith.constant 0.000000e+00 : f32
      %broadcast_in_dim3A_278 = vector.broadcast %broadcast_in_dim3A_277 : f32 to vector<16xf32>
      %broadcast_in_dim3A_279 = arith.constant 0 : i32
      %broadcast_in_dim3A_280 = vector.broadcast %broadcast_in_dim3A_279 : i32 to vector<16xi32>
      %scan3A_281 = arith.constant 0 : i32
      %scan3A_282 = arith.constant 16 : i32
      %scan3A_283 = arith.addi %scan3A_281, %scan3A_282 : i32
      %scan3A_284 = arith.constant 1 : i32
      %scan3A_285:3 = scf.for %scan3A_514 = %scan3A_281 to %scan3A_283 step %scan3A_284 iter_args(%scan3A_515 = %broadcast_in_dim3A_278, %scan3A_516 = %broadcast_in_dim3A_278, %scan3A_517 = %broadcast_in_dim3A_280) -> (vector<16xf32>, vector<16xf32>, vector<16xi32>)  : i32 {
        %add3A_518 = arith.constant 0 : i32
        %add3A_519 = vector.broadcast %add3A_518 : i32 to vector<16xi32>
        %add3A_520 = arith.addi %scan3A_517, %add3A_519 : vector<16xi32>
        %gather3A = tpu.vector_load_idx %arg9[%add3A_276, %add3A_520] : memref<80x128xf32, #tpu.memory_space<vmem>>[vector<16xi32>, vector<16xi32>], vector<16xf32>,
        %gather3A_521 = tpu.vector_load_idx %arg10[%add3A_276, %add3A_520] : memref<80x128xf32, #tpu.memory_space<vmem>>[vector<16xi32>, vector<16xi32>], vector<16xf32>,
        %mul3A_522 = arith.mulf %gather3A, %gather3A_521 : vector<16xf32>
        %add3A_523 = arith.addf %scan3A_515, %mul3A_522 : vector<16xf32>
        %add3A_524 = arith.constant 1 : i32
        %add3A_525 = vector.broadcast %add3A_524 : i32 to vector<16xi32>
        %add3A_526 = arith.addi %scan3A_517, %add3A_525 : vector<16xi32>
        %gather3A_527 = tpu.vector_load_idx %arg9[%add3A_276, %add3A_526] : memref<80x128xf32, #tpu.memory_space<vmem>>[vector<16xi32>, vector<16xi32>], vector<16xf32>,
        %gather3A_528 = tpu.vector_load_idx %arg10[%add3A_276, %add3A_526] : memref<80x128xf32, #tpu.memory_space<vmem>>[vector<16xi32>, vector<16xi32>], vector<16xf32>,
        %mul3A_529 = arith.mulf %gather3A_527, %gather3A_528 : vector<16xf32>
        %add3A_530 = arith.addf %scan3A_516, %mul3A_529 : vector<16xf32>
        %add3A_531 = arith.constant 2 : i32
        %add3A_532 = vector.broadcast %add3A_531 : i32 to vector<16xi32>
        %add3A_533 = arith.addi %scan3A_517, %add3A_532 : vector<16xi32>
        %gather3A_534 = tpu.vector_load_idx %arg9[%add3A_276, %add3A_533] : memref<80x128xf32, #tpu.memory_space<vmem>>[vector<16xi32>, vector<16xi32>], vector<16xf32>,
        %gather3A_535 = tpu.vector_load_idx %arg10[%add3A_276, %add3A_533] : memref<80x128xf32, #tpu.memory_space<vmem>>[vector<16xi32>, vector<16xi32>], vector<16xf32>,
        %mul3A_536 = arith.mulf %gather3A_534, %gather3A_535 : vector<16xf32>
        %add3A_537 = arith.addf %add3A_523, %mul3A_536 : vector<16xf32>
        %add3A_538 = arith.constant 3 : i32
        %add3A_539 = vector.broadcast %add3A_538 : i32 to vector<16xi32>
        %add3A_540 = arith.addi %scan3A_517, %add3A_539 : vector<16xi32>
        %gather3A_541 = tpu.vector_load_idx %arg9[%add3A_276, %add3A_540] : memref<80x128xf32, #tpu.memory_space<vmem>>[vector<16xi32>, vector<16xi32>], vector<16xf32>,
        %gather3A_542 = tpu.vector_load_idx %arg10[%add3A_276, %add3A_540] : memref<80x128xf32, #tpu.memory_space<vmem>>[vector<16xi32>, vector<16xi32>], vector<16xf32>,
        %mul3A_543 = arith.mulf %gather3A_541, %gather3A_542 : vector<16xf32>
        %add3A_544 = arith.addf %add3A_530, %mul3A_543 : vector<16xf32>
        %add3A_545 = arith.constant 4 : i32
        %add3A_546 = vector.broadcast %add3A_545 : i32 to vector<16xi32>
        %add3A_547 = arith.addi %scan3A_517, %add3A_546 : vector<16xi32>
        %gather3A_548 = tpu.vector_load_idx %arg9[%add3A_276, %add3A_547] : memref<80x128xf32, #tpu.memory_space<vmem>>[vector<16xi32>, vector<16xi32>], vector<16xf32>,
        %gather3A_549 = tpu.vector_load_idx %arg10[%add3A_276, %add3A_547] : memref<80x128xf32, #tpu.memory_space<vmem>>[vector<16xi32>, vector<16xi32>], vector<16xf32>,
        %mul3A_550 = arith.mulf %gather3A_548, %gather3A_549 : vector<16xf32>
        %add3A_551 = arith.addf %add3A_537, %mul3A_550 : vector<16xf32>
        %add3A_552 = arith.constant 5 : i32
        %add3A_553 = vector.broadcast %add3A_552 : i32 to vector<16xi32>
        %add3A_554 = arith.addi %scan3A_517, %add3A_553 : vector<16xi32>
        %gather3A_555 = tpu.vector_load_idx %arg9[%add3A_276, %add3A_554] : memref<80x128xf32, #tpu.memory_space<vmem>>[vector<16xi32>, vector<16xi32>], vector<16xf32>,
        %gather3A_556 = tpu.vector_load_idx %arg10[%add3A_276, %add3A_554] : memref<80x128xf32, #tpu.memory_space<vmem>>[vector<16xi32>, vector<16xi32>], vector<16xf32>,
        %mul3A_557 = arith.mulf %gather3A_555, %gather3A_556 : vector<16xf32>
        %add3A_558 = arith.addf %add3A_544, %mul3A_557 : vector<16xf32>
        %add3A_559 = arith.constant 6 : i32
        %add3A_560 = vector.broadcast %add3A_559 : i32 to vector<16xi32>
        %add3A_561 = arith.addi %scan3A_517, %add3A_560 : vector<16xi32>
        %gather3A_562 = tpu.vector_load_idx %arg9[%add3A_276, %add3A_561] : memref<80x128xf32, #tpu.memory_space<vmem>>[vector<16xi32>, vector<16xi32>], vector<16xf32>,
        %gather3A_563 = tpu.vector_load_idx %arg10[%add3A_276, %add3A_561] : memref<80x128xf32, #tpu.memory_space<vmem>>[vector<16xi32>, vector<16xi32>], vector<16xf32>,
        %mul3A_564 = arith.mulf %gather3A_562, %gather3A_563 : vector<16xf32>
        %add3A_565 = arith.addf %add3A_551, %mul3A_564 : vector<16xf32>
        %add3A_566 = arith.constant 7 : i32
        %add3A_567 = vector.broadcast %add3A_566 : i32 to vector<16xi32>
        %add3A_568 = arith.addi %scan3A_517, %add3A_567 : vector<16xi32>
        %gather3A_569 = tpu.vector_load_idx %arg9[%add3A_276, %add3A_568] : memref<80x128xf32, #tpu.memory_space<vmem>>[vector<16xi32>, vector<16xi32>], vector<16xf32>,
        %gather3A_570 = tpu.vector_load_idx %arg10[%add3A_276, %add3A_568] : memref<80x128xf32, #tpu.memory_space<vmem>>[vector<16xi32>, vector<16xi32>], vector<16xf32>,
        %mul3A_571 = arith.mulf %gather3A_569, %gather3A_570 : vector<16xf32>
        %add3A_572 = arith.addf %add3A_558, %mul3A_571 : vector<16xf32>
        %add3A_573 = arith.constant 8 : i32
        %add3A_574 = vector.broadcast %add3A_573 : i32 to vector<16xi32>
        %add3A_575 = arith.addi %scan3A_517, %add3A_574 : vector<16xi32>
        scf.yield %add3A_565, %add3A_572, %add3A_575 : vector<16xf32>, vector<16xf32>, vector<16xi32>
      }
      %scan3A_286 = arith.constant 16 : i32
      %add3A_287 = arith.addf %scan3A_285#0, %scan3A_285#1 : vector<16xf32>
      %neg3A_288 = arith.constant 0.000000e+00 : f32
      %neg3A_289 = vector.broadcast %neg3A_288 : f32 to vector<16xf32>
      %neg3A_290 = arith.subf %neg3A_289, %add3A_287 : vector<16xf32>
      %exp3A_291 = math.exp %neg3A_290 : vector<16xf32>
      %add3A_292 = arith.constant 1.000000e+00 : f32
      %add3A_293 = vector.broadcast %add3A_292 : f32 to vector<16xf32>
      %add3A_294 = arith.addf %add3A_293, %exp3A_291 : vector<16xf32>
      %div3A_295 = arith.constant 1.000000e+00 : f32
      %div3A_296 = vector.broadcast %div3A_295 : f32 to vector<16xf32>
      %div3A_297 = arith.divf %div3A_296, %add3A_294 : vector<16xf32>
      %mul3A_298 = arith.constant 80 : i32
      %mul3A_299 = arith.muli %mul3A_157, %mul3A_298 : i32
      %add3A_300 = arith.constant 48 : i32
      %add3A_301 = arith.addi %mul3A_299, %add3A_300 : i32
      %swap3A_302 = arith.index_cast %add3A_301 : i32 to index
      %swap3A_303 = tpu.vector_load %arg13[%swap3A_302] {strides = array<i32>} : memref<10000xf32, #tpu.memory_space<vmem>>, vector<16xf32>,
      tpu.vector_store %arg13[%swap3A_302], %div3A_297 {strides = array<i32>} : memref<10000xf32, #tpu.memory_space<vmem>>, vector<16xf32>,
      %iota3A_304 = tpu.iota {dimensions = array<i32: 0>} : vector<16xi32>
      %add3A_305 = arith.constant 64 : i32
      %add3A_306 = vector.broadcast %add3A_305 : i32 to vector<16xi32>
      %add3A_307 = arith.addi %iota3A_304, %add3A_306 : vector<16xi32>
      %broadcast_in_dim3A_308 = arith.constant 0.000000e+00 : f32
      %broadcast_in_dim3A_309 = vector.broadcast %broadcast_in_dim3A_308 : f32 to vector<16xf32>
      %broadcast_in_dim3A_310 = arith.constant 0 : i32
      %broadcast_in_dim3A_311 = vector.broadcast %broadcast_in_dim3A_310 : i32 to vector<16xi32>
      %scan3A_312 = arith.constant 0 : i32
      %scan3A_313 = arith.constant 16 : i32
      %scan3A_314 = arith.addi %scan3A_312, %scan3A_313 : i32
      %scan3A_315 = arith.constant 1 : i32
      %scan3A_316:3 = scf.for %scan3A_514 = %scan3A_312 to %scan3A_314 step %scan3A_315 iter_args(%scan3A_515 = %broadcast_in_dim3A_309, %scan3A_516 = %broadcast_in_dim3A_309, %scan3A_517 = %broadcast_in_dim3A_311) -> (vector<16xf32>, vector<16xf32>, vector<16xi32>)  : i32 {
        %add3A_518 = arith.constant 0 : i32
        %add3A_519 = vector.broadcast %add3A_518 : i32 to vector<16xi32>
        %add3A_520 = arith.addi %scan3A_517, %add3A_519 : vector<16xi32>
        %gather3A = tpu.vector_load_idx %arg9[%add3A_307, %add3A_520] : memref<80x128xf32, #tpu.memory_space<vmem>>[vector<16xi32>, vector<16xi32>], vector<16xf32>,
        %gather3A_521 = tpu.vector_load_idx %arg10[%add3A_307, %add3A_520] : memref<80x128xf32, #tpu.memory_space<vmem>>[vector<16xi32>, vector<16xi32>], vector<16xf32>,
        %mul3A_522 = arith.mulf %gather3A, %gather3A_521 : vector<16xf32>
        %add3A_523 = arith.addf %scan3A_515, %mul3A_522 : vector<16xf32>
        %add3A_524 = arith.constant 1 : i32
        %add3A_525 = vector.broadcast %add3A_524 : i32 to vector<16xi32>
        %add3A_526 = arith.addi %scan3A_517, %add3A_525 : vector<16xi32>
        %gather3A_527 = tpu.vector_load_idx %arg9[%add3A_307, %add3A_526] : memref<80x128xf32, #tpu.memory_space<vmem>>[vector<16xi32>, vector<16xi32>], vector<16xf32>,
        %gather3A_528 = tpu.vector_load_idx %arg10[%add3A_307, %add3A_526] : memref<80x128xf32, #tpu.memory_space<vmem>>[vector<16xi32>, vector<16xi32>], vector<16xf32>,
        %mul3A_529 = arith.mulf %gather3A_527, %gather3A_528 : vector<16xf32>
        %add3A_530 = arith.addf %scan3A_516, %mul3A_529 : vector<16xf32>
        %add3A_531 = arith.constant 2 : i32
        %add3A_532 = vector.broadcast %add3A_531 : i32 to vector<16xi32>
        %add3A_533 = arith.addi %scan3A_517, %add3A_532 : vector<16xi32>
        %gather3A_534 = tpu.vector_load_idx %arg9[%add3A_307, %add3A_533] : memref<80x128xf32, #tpu.memory_space<vmem>>[vector<16xi32>, vector<16xi32>], vector<16xf32>,
        %gather3A_535 = tpu.vector_load_idx %arg10[%add3A_307, %add3A_533] : memref<80x128xf32, #tpu.memory_space<vmem>>[vector<16xi32>, vector<16xi32>], vector<16xf32>,
        %mul3A_536 = arith.mulf %gather3A_534, %gather3A_535 : vector<16xf32>
        %add3A_537 = arith.addf %add3A_523, %mul3A_536 : vector<16xf32>
        %add3A_538 = arith.constant 3 : i32
        %add3A_539 = vector.broadcast %add3A_538 : i32 to vector<16xi32>
        %add3A_540 = arith.addi %scan3A_517, %add3A_539 : vector<16xi32>
        %gather3A_541 = tpu.vector_load_idx %arg9[%add3A_307, %add3A_540] : memref<80x128xf32, #tpu.memory_space<vmem>>[vector<16xi32>, vector<16xi32>], vector<16xf32>,
        %gather3A_542 = tpu.vector_load_idx %arg10[%add3A_307, %add3A_540] : memref<80x128xf32, #tpu.memory_space<vmem>>[vector<16xi32>, vector<16xi32>], vector<16xf32>,
        %mul3A_543 = arith.mulf %gather3A_541, %gather3A_542 : vector<16xf32>
        %add3A_544 = arith.addf %add3A_530, %mul3A_543 : vector<16xf32>
        %add3A_545 = arith.constant 4 : i32
        %add3A_546 = vector.broadcast %add3A_545 : i32 to vector<16xi32>
        %add3A_547 = arith.addi %scan3A_517, %add3A_546 : vector<16xi32>
        %gather3A_548 = tpu.vector_load_idx %arg9[%add3A_307, %add3A_547] : memref<80x128xf32, #tpu.memory_space<vmem>>[vector<16xi32>, vector<16xi32>], vector<16xf32>,
        %gather3A_549 = tpu.vector_load_idx %arg10[%add3A_307, %add3A_547] : memref<80x128xf32, #tpu.memory_space<vmem>>[vector<16xi32>, vector<16xi32>], vector<16xf32>,
        %mul3A_550 = arith.mulf %gather3A_548, %gather3A_549 : vector<16xf32>
        %add3A_551 = arith.addf %add3A_537, %mul3A_550 : vector<16xf32>
        %add3A_552 = arith.constant 5 : i32
        %add3A_553 = vector.broadcast %add3A_552 : i32 to vector<16xi32>
        %add3A_554 = arith.addi %scan3A_517, %add3A_553 : vector<16xi32>
        %gather3A_555 = tpu.vector_load_idx %arg9[%add3A_307, %add3A_554] : memref<80x128xf32, #tpu.memory_space<vmem>>[vector<16xi32>, vector<16xi32>], vector<16xf32>,
        %gather3A_556 = tpu.vector_load_idx %arg10[%add3A_307, %add3A_554] : memref<80x128xf32, #tpu.memory_space<vmem>>[vector<16xi32>, vector<16xi32>], vector<16xf32>,
        %mul3A_557 = arith.mulf %gather3A_555, %gather3A_556 : vector<16xf32>
        %add3A_558 = arith.addf %add3A_544, %mul3A_557 : vector<16xf32>
        %add3A_559 = arith.constant 6 : i32
        %add3A_560 = vector.broadcast %add3A_559 : i32 to vector<16xi32>
        %add3A_561 = arith.addi %scan3A_517, %add3A_560 : vector<16xi32>
        %gather3A_562 = tpu.vector_load_idx %arg9[%add3A_307, %add3A_561] : memref<80x128xf32, #tpu.memory_space<vmem>>[vector<16xi32>, vector<16xi32>], vector<16xf32>,
        %gather3A_563 = tpu.vector_load_idx %arg10[%add3A_307, %add3A_561] : memref<80x128xf32, #tpu.memory_space<vmem>>[vector<16xi32>, vector<16xi32>], vector<16xf32>,
        %mul3A_564 = arith.mulf %gather3A_562, %gather3A_563 : vector<16xf32>
        %add3A_565 = arith.addf %add3A_551, %mul3A_564 : vector<16xf32>
        %add3A_566 = arith.constant 7 : i32
        %add3A_567 = vector.broadcast %add3A_566 : i32 to vector<16xi32>
        %add3A_568 = arith.addi %scan3A_517, %add3A_567 : vector<16xi32>
        %gather3A_569 = tpu.vector_load_idx %arg9[%add3A_307, %add3A_568] : memref<80x128xf32, #tpu.memory_space<vmem>>[vector<16xi32>, vector<16xi32>], vector<16xf32>,
        %gather3A_570 = tpu.vector_load_idx %arg10[%add3A_307, %add3A_568] : memref<80x128xf32, #tpu.memory_space<vmem>>[vector<16xi32>, vector<16xi32>], vector<16xf32>,
        %mul3A_571 = arith.mulf %gather3A_569, %gather3A_570 : vector<16xf32>
        %add3A_572 = arith.addf %add3A_558, %mul3A_571 : vector<16xf32>
        %add3A_573 = arith.constant 8 : i32
        %add3A_574 = vector.broadcast %add3A_573 : i32 to vector<16xi32>
        %add3A_575 = arith.addi %scan3A_517, %add3A_574 : vector<16xi32>
        scf.yield %add3A_565, %add3A_572, %add3A_575 : vector<16xf32>, vector<16xf32>, vector<16xi32>
      }
      %scan3A_317 = arith.constant 16 : i32
      %add3A_318 = arith.addf %scan3A_316#0, %scan3A_316#1 : vector<16xf32>
      %neg3A_319 = arith.constant 0.000000e+00 : f32
      %neg3A_320 = vector.broadcast %neg3A_319 : f32 to vector<16xf32>
      %neg3A_321 = arith.subf %neg3A_320, %add3A_318 : vector<16xf32>
      %exp3A_322 = math.exp %neg3A_321 : vector<16xf32>
      %add3A_323 = arith.constant 1.000000e+00 : f32
      %add3A_324 = vector.broadcast %add3A_323 : f32 to vector<16xf32>
      %add3A_325 = arith.addf %add3A_324, %exp3A_322 : vector<16xf32>
      %div3A_326 = arith.constant 1.000000e+00 : f32
      %div3A_327 = vector.broadcast %div3A_326 : f32 to vector<16xf32>
      %div3A_328 = arith.divf %div3A_327, %add3A_325 : vector<16xf32>
      %mul3A_329 = arith.constant 80 : i32
      %mul3A_330 = arith.muli %mul3A_157, %mul3A_329 : i32
      %add3A_331 = arith.constant 64 : i32
      %add3A_332 = arith.addi %mul3A_330, %add3A_331 : i32
      %swap3A_333 = arith.index_cast %add3A_332 : i32 to index
      %swap3A_334 = tpu.vector_load %arg13[%swap3A_333] {strides = array<i32>} : memref<10000xf32, #tpu.memory_space<vmem>>, vector<16xf32>,
      tpu.vector_store %arg13[%swap3A_333], %div3A_328 {strides = array<i32>} : memref<10000xf32, #tpu.memory_space<vmem>>, vector<16xf32>,
      %add3A_335 = arith.constant 2 : i32
      %add3A_336 = arith.addi %mul3A_157, %add3A_335 : i32
      %mul3A_337 = arith.constant 80 : i32
      %mul3A_338 = arith.muli %add3A_336, %mul3A_337 : i32
      %dma_start3A_339 = tpu.memref_slice %arg7[%mul3A_338] : memref<10000xi32, #tpu.memory_space<vmem>> -> memref<80xi32, #tpu.memory_space<vmem>>
      %dma_start3A_340 = arith.constant 0 : i32
      %dma_start3A_341 = arith.constant 0 : i32
      %dma_start3A_342 = tpu.memref_slice %arg2[%dma_start3A_340, %dma_start3A_341] : memref<10000x128xf32, #tpu.memory_space<hbm>> -> memref<10000x128xf32, #tpu.memory_space<hbm>>
      tpu.enqueue_indirect_dma source(%dma_start3A_342 : memref<10000x128xf32, #tpu.memory_space<hbm>>) target(%arg9 : memref<80x128xf32, #tpu.memory_space<vmem>>) offsets(%dma_start3A_339 : memref<80xi32, #tpu.memory_space<vmem>>) semaphore(%arg14 : memref<!tpu.dma_semaphore, #tpu.memory_space<semaphore_mem>>)
      %dma_start3A_343 = tpu.memref_slice %arg8[%mul3A_338] : memref<10000xi32, #tpu.memory_space<vmem>> -> memref<80xi32, #tpu.memory_space<vmem>>
      %dma_start3A_344 = arith.constant 0 : i32
      %dma_start3A_345 = arith.constant 0 : i32
      %dma_start3A_346 = tpu.memref_slice %arg3[%dma_start3A_344, %dma_start3A_345] : memref<10000x128xf32, #tpu.memory_space<hbm>> -> memref<10000x128xf32, #tpu.memory_space<hbm>>
      tpu.enqueue_indirect_dma source(%dma_start3A_346 : memref<10000x128xf32, #tpu.memory_space<hbm>>) target(%arg10 : memref<80x128xf32, #tpu.memory_space<vmem>>) offsets(%dma_start3A_343 : memref<80xi32, #tpu.memory_space<vmem>>) semaphore(%arg14 : memref<!tpu.dma_semaphore, #tpu.memory_space<semaphore_mem>>)
      %dma_wait3A_347 = arith.constant 0 : i32
      %dma_wait3A_348 = tpu.memref_slice %arg7[%dma_wait3A_347] : memref<10000xi32, #tpu.memory_space<vmem>> -> memref<80xi32, #tpu.memory_space<vmem>>
      %dma_wait3A_349 = arith.constant 0 : i32
      %dma_wait3A_350 = arith.constant 0 : i32
      %dma_wait3A_351 = tpu.memref_slice %arg2[%dma_wait3A_349, %dma_wait3A_350] : memref<10000x128xf32, #tpu.memory_space<hbm>> -> memref<10000x128xf32, #tpu.memory_space<hbm>>
      tpu.wait_indirect_dma semaphore(%arg15 : memref<!tpu.dma_semaphore, #tpu.memory_space<semaphore_mem>>) src(%dma_wait3A_351 : memref<10000x128xf32, #tpu.memory_space<hbm>>) dst(%arg11 : memref<80x128xf32, #tpu.memory_space<vmem>>)
      %dma_wait3A_352 = arith.constant 0 : i32
      %dma_wait3A_353 = tpu.memref_slice %arg8[%dma_wait3A_352] : memref<10000xi32, #tpu.memory_space<vmem>> -> memref<80xi32, #tpu.memory_space<vmem>>
      %dma_wait3A_354 = arith.constant 0 : i32
      %dma_wait3A_355 = arith.constant 0 : i32
      %dma_wait3A_356 = tpu.memref_slice %arg3[%dma_wait3A_354, %dma_wait3A_355] : memref<10000x128xf32, #tpu.memory_space<hbm>> -> memref<10000x128xf32, #tpu.memory_space<hbm>>
      tpu.wait_indirect_dma semaphore(%arg15 : memref<!tpu.dma_semaphore, #tpu.memory_space<semaphore_mem>>) src(%dma_wait3A_356 : memref<10000x128xf32, #tpu.memory_space<hbm>>) dst(%arg12 : memref<80x128xf32, #tpu.memory_space<vmem>>)
      %add3A_357 = arith.constant 1 : i32
      %add3A_358 = arith.addi %mul3A_157, %add3A_357 : i32
      %iota3A_359 = tpu.iota {dimensions = array<i32: 0>} : vector<16xi32>
      %add3A_360 = arith.constant 0 : i32
      %add3A_361 = vector.broadcast %add3A_360 : i32 to vector<16xi32>
      %add3A_362 = arith.addi %iota3A_359, %add3A_361 : vector<16xi32>
      %broadcast_in_dim3A_363 = arith.constant 0.000000e+00 : f32
      %broadcast_in_dim3A_364 = vector.broadcast %broadcast_in_dim3A_363 : f32 to vector<16xf32>
      %broadcast_in_dim3A_365 = arith.constant 0 : i32
      %broadcast_in_dim3A_366 = vector.broadcast %broadcast_in_dim3A_365 : i32 to vector<16xi32>
      %scan3A_367 = arith.constant 0 : i32
      %scan3A_368 = arith.constant 16 : i32
      %scan3A_369 = arith.addi %scan3A_367, %scan3A_368 : i32
      %scan3A_370 = arith.constant 1 : i32
      %scan3A_371:3 = scf.for %scan3A_514 = %scan3A_367 to %scan3A_369 step %scan3A_370 iter_args(%scan3A_515 = %broadcast_in_dim3A_364, %scan3A_516 = %broadcast_in_dim3A_364, %scan3A_517 = %broadcast_in_dim3A_366) -> (vector<16xf32>, vector<16xf32>, vector<16xi32>)  : i32 {
        %add3A_518 = arith.constant 0 : i32
        %add3A_519 = vector.broadcast %add3A_518 : i32 to vector<16xi32>
        %add3A_520 = arith.addi %scan3A_517, %add3A_519 : vector<16xi32>
        %gather3A = tpu.vector_load_idx %arg11[%add3A_362, %add3A_520] : memref<80x128xf32, #tpu.memory_space<vmem>>[vector<16xi32>, vector<16xi32>], vector<16xf32>,
        %gather3A_521 = tpu.vector_load_idx %arg12[%add3A_362, %add3A_520] : memref<80x128xf32, #tpu.memory_space<vmem>>[vector<16xi32>, vector<16xi32>], vector<16xf32>,
        %mul3A_522 = arith.mulf %gather3A, %gather3A_521 : vector<16xf32>
        %add3A_523 = arith.addf %scan3A_515, %mul3A_522 : vector<16xf32>
        %add3A_524 = arith.constant 1 : i32
        %add3A_525 = vector.broadcast %add3A_524 : i32 to vector<16xi32>
        %add3A_526 = arith.addi %scan3A_517, %add3A_525 : vector<16xi32>
        %gather3A_527 = tpu.vector_load_idx %arg11[%add3A_362, %add3A_526] : memref<80x128xf32, #tpu.memory_space<vmem>>[vector<16xi32>, vector<16xi32>], vector<16xf32>,
        %gather3A_528 = tpu.vector_load_idx %arg12[%add3A_362, %add3A_526] : memref<80x128xf32, #tpu.memory_space<vmem>>[vector<16xi32>, vector<16xi32>], vector<16xf32>,
        %mul3A_529 = arith.mulf %gather3A_527, %gather3A_528 : vector<16xf32>
        %add3A_530 = arith.addf %scan3A_516, %mul3A_529 : vector<16xf32>
        %add3A_531 = arith.constant 2 : i32
        %add3A_532 = vector.broadcast %add3A_531 : i32 to vector<16xi32>
        %add3A_533 = arith.addi %scan3A_517, %add3A_532 : vector<16xi32>
        %gather3A_534 = tpu.vector_load_idx %arg11[%add3A_362, %add3A_533] : memref<80x128xf32, #tpu.memory_space<vmem>>[vector<16xi32>, vector<16xi32>], vector<16xf32>,
        %gather3A_535 = tpu.vector_load_idx %arg12[%add3A_362, %add3A_533] : memref<80x128xf32, #tpu.memory_space<vmem>>[vector<16xi32>, vector<16xi32>], vector<16xf32>,
        %mul3A_536 = arith.mulf %gather3A_534, %gather3A_535 : vector<16xf32>
        %add3A_537 = arith.addf %add3A_523, %mul3A_536 : vector<16xf32>
        %add3A_538 = arith.constant 3 : i32
        %add3A_539 = vector.broadcast %add3A_538 : i32 to vector<16xi32>
        %add3A_540 = arith.addi %scan3A_517, %add3A_539 : vector<16xi32>
        %gather3A_541 = tpu.vector_load_idx %arg11[%add3A_362, %add3A_540] : memref<80x128xf32, #tpu.memory_space<vmem>>[vector<16xi32>, vector<16xi32>], vector<16xf32>,
        %gather3A_542 = tpu.vector_load_idx %arg12[%add3A_362, %add3A_540] : memref<80x128xf32, #tpu.memory_space<vmem>>[vector<16xi32>, vector<16xi32>], vector<16xf32>,
        %mul3A_543 = arith.mulf %gather3A_541, %gather3A_542 : vector<16xf32>
        %add3A_544 = arith.addf %add3A_530, %mul3A_543 : vector<16xf32>
        %add3A_545 = arith.constant 4 : i32
        %add3A_546 = vector.broadcast %add3A_545 : i32 to vector<16xi32>
        %add3A_547 = arith.addi %scan3A_517, %add3A_546 : vector<16xi32>
        %gather3A_548 = tpu.vector_load_idx %arg11[%add3A_362, %add3A_547] : memref<80x128xf32, #tpu.memory_space<vmem>>[vector<16xi32>, vector<16xi32>], vector<16xf32>,
        %gather3A_549 = tpu.vector_load_idx %arg12[%add3A_362, %add3A_547] : memref<80x128xf32, #tpu.memory_space<vmem>>[vector<16xi32>, vector<16xi32>], vector<16xf32>,
        %mul3A_550 = arith.mulf %gather3A_548, %gather3A_549 : vector<16xf32>
        %add3A_551 = arith.addf %add3A_537, %mul3A_550 : vector<16xf32>
        %add3A_552 = arith.constant 5 : i32
        %add3A_553 = vector.broadcast %add3A_552 : i32 to vector<16xi32>
        %add3A_554 = arith.addi %scan3A_517, %add3A_553 : vector<16xi32>
        %gather3A_555 = tpu.vector_load_idx %arg11[%add3A_362, %add3A_554] : memref<80x128xf32, #tpu.memory_space<vmem>>[vector<16xi32>, vector<16xi32>], vector<16xf32>,
        %gather3A_556 = tpu.vector_load_idx %arg12[%add3A_362, %add3A_554] : memref<80x128xf32, #tpu.memory_space<vmem>>[vector<16xi32>, vector<16xi32>], vector<16xf32>,
        %mul3A_557 = arith.mulf %gather3A_555, %gather3A_556 : vector<16xf32>
        %add3A_558 = arith.addf %add3A_544, %mul3A_557 : vector<16xf32>
        %add3A_559 = arith.constant 6 : i32
        %add3A_560 = vector.broadcast %add3A_559 : i32 to vector<16xi32>
        %add3A_561 = arith.addi %scan3A_517, %add3A_560 : vector<16xi32>
        %gather3A_562 = tpu.vector_load_idx %arg11[%add3A_362, %add3A_561] : memref<80x128xf32, #tpu.memory_space<vmem>>[vector<16xi32>, vector<16xi32>], vector<16xf32>,
        %gather3A_563 = tpu.vector_load_idx %arg12[%add3A_362, %add3A_561] : memref<80x128xf32, #tpu.memory_space<vmem>>[vector<16xi32>, vector<16xi32>], vector<16xf32>,
        %mul3A_564 = arith.mulf %gather3A_562, %gather3A_563 : vector<16xf32>
        %add3A_565 = arith.addf %add3A_551, %mul3A_564 : vector<16xf32>
        %add3A_566 = arith.constant 7 : i32
        %add3A_567 = vector.broadcast %add3A_566 : i32 to vector<16xi32>
        %add3A_568 = arith.addi %scan3A_517, %add3A_567 : vector<16xi32>
        %gather3A_569 = tpu.vector_load_idx %arg11[%add3A_362, %add3A_568] : memref<80x128xf32, #tpu.memory_space<vmem>>[vector<16xi32>, vector<16xi32>], vector<16xf32>,
        %gather3A_570 = tpu.vector_load_idx %arg12[%add3A_362, %add3A_568] : memref<80x128xf32, #tpu.memory_space<vmem>>[vector<16xi32>, vector<16xi32>], vector<16xf32>,
        %mul3A_571 = arith.mulf %gather3A_569, %gather3A_570 : vector<16xf32>
        %add3A_572 = arith.addf %add3A_558, %mul3A_571 : vector<16xf32>
        %add3A_573 = arith.constant 8 : i32
        %add3A_574 = vector.broadcast %add3A_573 : i32 to vector<16xi32>
        %add3A_575 = arith.addi %scan3A_517, %add3A_574 : vector<16xi32>
        scf.yield %add3A_565, %add3A_572, %add3A_575 : vector<16xf32>, vector<16xf32>, vector<16xi32>
      }
      %scan3A_372 = arith.constant 16 : i32
      %add3A_373 = arith.addf %scan3A_371#0, %scan3A_371#1 : vector<16xf32>
      %neg3A_374 = arith.constant 0.000000e+00 : f32
      %neg3A_375 = vector.broadcast %neg3A_374 : f32 to vector<16xf32>
      %neg3A_376 = arith.subf %neg3A_375, %add3A_373 : vector<16xf32>
      %exp3A_377 = math.exp %neg3A_376 : vector<16xf32>
      %add3A_378 = arith.constant 1.000000e+00 : f32
      %add3A_379 = vector.broadcast %add3A_378 : f32 to vector<16xf32>
      %add3A_380 = arith.addf %add3A_379, %exp3A_377 : vector<16xf32>
      %div3A_381 = arith.constant 1.000000e+00 : f32
      %div3A_382 = vector.broadcast %div3A_381 : f32 to vector<16xf32>
      %div3A_383 = arith.divf %div3A_382, %add3A_380 : vector<16xf32>
      %mul3A_384 = arith.constant 80 : i32
      %mul3A_385 = arith.muli %add3A_358, %mul3A_384 : i32
      %add3A_386 = arith.constant 0 : i32
      %add3A_387 = arith.addi %mul3A_385, %add3A_386 : i32
      %swap3A_388 = arith.index_cast %add3A_387 : i32 to index
      %swap3A_389 = tpu.vector_load %arg13[%swap3A_388] {strides = array<i32>} : memref<10000xf32, #tpu.memory_space<vmem>>, vector<16xf32>,
      tpu.vector_store %arg13[%swap3A_388], %div3A_383 {strides = array<i32>} : memref<10000xf32, #tpu.memory_space<vmem>>, vector<16xf32>,
      %iota3A_390 = tpu.iota {dimensions = array<i32: 0>} : vector<16xi32>
      %add3A_391 = arith.constant 16 : i32
      %add3A_392 = vector.broadcast %add3A_391 : i32 to vector<16xi32>
      %add3A_393 = arith.addi %iota3A_390, %add3A_392 : vector<16xi32>
      %broadcast_in_dim3A_394 = arith.constant 0.000000e+00 : f32
      %broadcast_in_dim3A_395 = vector.broadcast %broadcast_in_dim3A_394 : f32 to vector<16xf32>
      %broadcast_in_dim3A_396 = arith.constant 0 : i32
      %broadcast_in_dim3A_397 = vector.broadcast %broadcast_in_dim3A_396 : i32 to vector<16xi32>
      %scan3A_398 = arith.constant 0 : i32
      %scan3A_399 = arith.constant 16 : i32
      %scan3A_400 = arith.addi %scan3A_398, %scan3A_399 : i32
      %scan3A_401 = arith.constant 1 : i32
      %scan3A_402:3 = scf.for %scan3A_514 = %scan3A_398 to %scan3A_400 step %scan3A_401 iter_args(%scan3A_515 = %broadcast_in_dim3A_395, %scan3A_516 = %broadcast_in_dim3A_395, %scan3A_517 = %broadcast_in_dim3A_397) -> (vector<16xf32>, vector<16xf32>, vector<16xi32>)  : i32 {
        %add3A_518 = arith.constant 0 : i32
        %add3A_519 = vector.broadcast %add3A_518 : i32 to vector<16xi32>
        %add3A_520 = arith.addi %scan3A_517, %add3A_519 : vector<16xi32>
        %gather3A = tpu.vector_load_idx %arg11[%add3A_393, %add3A_520] : memref<80x128xf32, #tpu.memory_space<vmem>>[vector<16xi32>, vector<16xi32>], vector<16xf32>,
        %gather3A_521 = tpu.vector_load_idx %arg12[%add3A_393, %add3A_520] : memref<80x128xf32, #tpu.memory_space<vmem>>[vector<16xi32>, vector<16xi32>], vector<16xf32>,
        %mul3A_522 = arith.mulf %gather3A, %gather3A_521 : vector<16xf32>
        %add3A_523 = arith.addf %scan3A_515, %mul3A_522 : vector<16xf32>
        %add3A_524 = arith.constant 1 : i32
        %add3A_525 = vector.broadcast %add3A_524 : i32 to vector<16xi32>
        %add3A_526 = arith.addi %scan3A_517, %add3A_525 : vector<16xi32>
        %gather3A_527 = tpu.vector_load_idx %arg11[%add3A_393, %add3A_526] : memref<80x128xf32, #tpu.memory_space<vmem>>[vector<16xi32>, vector<16xi32>], vector<16xf32>,
        %gather3A_528 = tpu.vector_load_idx %arg12[%add3A_393, %add3A_526] : memref<80x128xf32, #tpu.memory_space<vmem>>[vector<16xi32>, vector<16xi32>], vector<16xf32>,
        %mul3A_529 = arith.mulf %gather3A_527, %gather3A_528 : vector<16xf32>
        %add3A_530 = arith.addf %scan3A_516, %mul3A_529 : vector<16xf32>
        %add3A_531 = arith.constant 2 : i32
        %add3A_532 = vector.broadcast %add3A_531 : i32 to vector<16xi32>
        %add3A_533 = arith.addi %scan3A_517, %add3A_532 : vector<16xi32>
        %gather3A_534 = tpu.vector_load_idx %arg11[%add3A_393, %add3A_533] : memref<80x128xf32, #tpu.memory_space<vmem>>[vector<16xi32>, vector<16xi32>], vector<16xf32>,
        %gather3A_535 = tpu.vector_load_idx %arg12[%add3A_393, %add3A_533] : memref<80x128xf32, #tpu.memory_space<vmem>>[vector<16xi32>, vector<16xi32>], vector<16xf32>,
        %mul3A_536 = arith.mulf %gather3A_534, %gather3A_535 : vector<16xf32>
        %add3A_537 = arith.addf %add3A_523, %mul3A_536 : vector<16xf32>
        %add3A_538 = arith.constant 3 : i32
        %add3A_539 = vector.broadcast %add3A_538 : i32 to vector<16xi32>
        %add3A_540 = arith.addi %scan3A_517, %add3A_539 : vector<16xi32>
        %gather3A_541 = tpu.vector_load_idx %arg11[%add3A_393, %add3A_540] : memref<80x128xf32, #tpu.memory_space<vmem>>[vector<16xi32>, vector<16xi32>], vector<16xf32>,
        %gather3A_542 = tpu.vector_load_idx %arg12[%add3A_393, %add3A_540] : memref<80x128xf32, #tpu.memory_space<vmem>>[vector<16xi32>, vector<16xi32>], vector<16xf32>,
        %mul3A_543 = arith.mulf %gather3A_541, %gather3A_542 : vector<16xf32>
        %add3A_544 = arith.addf %add3A_530, %mul3A_543 : vector<16xf32>
        %add3A_545 = arith.constant 4 : i32
        %add3A_546 = vector.broadcast %add3A_545 : i32 to vector<16xi32>
        %add3A_547 = arith.addi %scan3A_517, %add3A_546 : vector<16xi32>
        %gather3A_548 = tpu.vector_load_idx %arg11[%add3A_393, %add3A_547] : memref<80x128xf32, #tpu.memory_space<vmem>>[vector<16xi32>, vector<16xi32>], vector<16xf32>,
        %gather3A_549 = tpu.vector_load_idx %arg12[%add3A_393, %add3A_547] : memref<80x128xf32, #tpu.memory_space<vmem>>[vector<16xi32>, vector<16xi32>], vector<16xf32>,
        %mul3A_550 = arith.mulf %gather3A_548, %gather3A_549 : vector<16xf32>
        %add3A_551 = arith.addf %add3A_537, %mul3A_550 : vector<16xf32>
        %add3A_552 = arith.constant 5 : i32
        %add3A_553 = vector.broadcast %add3A_552 : i32 to vector<16xi32>
        %add3A_554 = arith.addi %scan3A_517, %add3A_553 : vector<16xi32>
        %gather3A_555 = tpu.vector_load_idx %arg11[%add3A_393, %add3A_554] : memref<80x128xf32, #tpu.memory_space<vmem>>[vector<16xi32>, vector<16xi32>], vector<16xf32>,
        %gather3A_556 = tpu.vector_load_idx %arg12[%add3A_393, %add3A_554] : memref<80x128xf32, #tpu.memory_space<vmem>>[vector<16xi32>, vector<16xi32>], vector<16xf32>,
        %mul3A_557 = arith.mulf %gather3A_555, %gather3A_556 : vector<16xf32>
        %add3A_558 = arith.addf %add3A_544, %mul3A_557 : vector<16xf32>
        %add3A_559 = arith.constant 6 : i32
        %add3A_560 = vector.broadcast %add3A_559 : i32 to vector<16xi32>
        %add3A_561 = arith.addi %scan3A_517, %add3A_560 : vector<16xi32>
        %gather3A_562 = tpu.vector_load_idx %arg11[%add3A_393, %add3A_561] : memref<80x128xf32, #tpu.memory_space<vmem>>[vector<16xi32>, vector<16xi32>], vector<16xf32>,
        %gather3A_563 = tpu.vector_load_idx %arg12[%add3A_393, %add3A_561] : memref<80x128xf32, #tpu.memory_space<vmem>>[vector<16xi32>, vector<16xi32>], vector<16xf32>,
        %mul3A_564 = arith.mulf %gather3A_562, %gather3A_563 : vector<16xf32>
        %add3A_565 = arith.addf %add3A_551, %mul3A_564 : vector<16xf32>
        %add3A_566 = arith.constant 7 : i32
        %add3A_567 = vector.broadcast %add3A_566 : i32 to vector<16xi32>
        %add3A_568 = arith.addi %scan3A_517, %add3A_567 : vector<16xi32>
        %gather3A_569 = tpu.vector_load_idx %arg11[%add3A_393, %add3A_568] : memref<80x128xf32, #tpu.memory_space<vmem>>[vector<16xi32>, vector<16xi32>], vector<16xf32>,
        %gather3A_570 = tpu.vector_load_idx %arg12[%add3A_393, %add3A_568] : memref<80x128xf32, #tpu.memory_space<vmem>>[vector<16xi32>, vector<16xi32>], vector<16xf32>,
        %mul3A_571 = arith.mulf %gather3A_569, %gather3A_570 : vector<16xf32>
        %add3A_572 = arith.addf %add3A_558, %mul3A_571 : vector<16xf32>
        %add3A_573 = arith.constant 8 : i32
        %add3A_574 = vector.broadcast %add3A_573 : i32 to vector<16xi32>
        %add3A_575 = arith.addi %scan3A_517, %add3A_574 : vector<16xi32>
        scf.yield %add3A_565, %add3A_572, %add3A_575 : vector<16xf32>, vector<16xf32>, vector<16xi32>
      }
      %scan3A_403 = arith.constant 16 : i32
      %add3A_404 = arith.addf %scan3A_402#0, %scan3A_402#1 : vector<16xf32>
      %neg3A_405 = arith.constant 0.000000e+00 : f32
      %neg3A_406 = vector.broadcast %neg3A_405 : f32 to vector<16xf32>
      %neg3A_407 = arith.subf %neg3A_406, %add3A_404 : vector<16xf32>
      %exp3A_408 = math.exp %neg3A_407 : vector<16xf32>
      %add3A_409 = arith.constant 1.000000e+00 : f32
      %add3A_410 = vector.broadcast %add3A_409 : f32 to vector<16xf32>
      %add3A_411 = arith.addf %add3A_410, %exp3A_408 : vector<16xf32>
      %div3A_412 = arith.constant 1.000000e+00 : f32
      %div3A_413 = vector.broadcast %div3A_412 : f32 to vector<16xf32>
      %div3A_414 = arith.divf %div3A_413, %add3A_411 : vector<16xf32>
      %mul3A_415 = arith.constant 80 : i32
      %mul3A_416 = arith.muli %add3A_358, %mul3A_415 : i32
      %add3A_417 = arith.constant 16 : i32
      %add3A_418 = arith.addi %mul3A_416, %add3A_417 : i32
      %swap3A_419 = arith.index_cast %add3A_418 : i32 to index
      %swap3A_420 = tpu.vector_load %arg13[%swap3A_419] {strides = array<i32>} : memref<10000xf32, #tpu.memory_space<vmem>>, vector<16xf32>,
      tpu.vector_store %arg13[%swap3A_419], %div3A_414 {strides = array<i32>} : memref<10000xf32, #tpu.memory_space<vmem>>, vector<16xf32>,
      %iota3A_421 = tpu.iota {dimensions = array<i32: 0>} : vector<16xi32>
      %add3A_422 = arith.constant 32 : i32
      %add3A_423 = vector.broadcast %add3A_422 : i32 to vector<16xi32>
      %add3A_424 = arith.addi %iota3A_421, %add3A_423 : vector<16xi32>
      %broadcast_in_dim3A_425 = arith.constant 0.000000e+00 : f32
      %broadcast_in_dim3A_426 = vector.broadcast %broadcast_in_dim3A_425 : f32 to vector<16xf32>
      %broadcast_in_dim3A_427 = arith.constant 0 : i32
      %broadcast_in_dim3A_428 = vector.broadcast %broadcast_in_dim3A_427 : i32 to vector<16xi32>
      %scan3A_429 = arith.constant 0 : i32
      %scan3A_430 = arith.constant 16 : i32
      %scan3A_431 = arith.addi %scan3A_429, %scan3A_430 : i32
      %scan3A_432 = arith.constant 1 : i32
      %scan3A_433:3 = scf.for %scan3A_514 = %scan3A_429 to %scan3A_431 step %scan3A_432 iter_args(%scan3A_515 = %broadcast_in_dim3A_426, %scan3A_516 = %broadcast_in_dim3A_426, %scan3A_517 = %broadcast_in_dim3A_428) -> (vector<16xf32>, vector<16xf32>, vector<16xi32>)  : i32 {
        %add3A_518 = arith.constant 0 : i32
        %add3A_519 = vector.broadcast %add3A_518 : i32 to vector<16xi32>
        %add3A_520 = arith.addi %scan3A_517, %add3A_519 : vector<16xi32>
        %gather3A = tpu.vector_load_idx %arg11[%add3A_424, %add3A_520] : memref<80x128xf32, #tpu.memory_space<vmem>>[vector<16xi32>, vector<16xi32>], vector<16xf32>,
        %gather3A_521 = tpu.vector_load_idx %arg12[%add3A_424, %add3A_520] : memref<80x128xf32, #tpu.memory_space<vmem>>[vector<16xi32>, vector<16xi32>], vector<16xf32>,
        %mul3A_522 = arith.mulf %gather3A, %gather3A_521 : vector<16xf32>
        %add3A_523 = arith.addf %scan3A_515, %mul3A_522 : vector<16xf32>
        %add3A_524 = arith.constant 1 : i32
        %add3A_525 = vector.broadcast %add3A_524 : i32 to vector<16xi32>
        %add3A_526 = arith.addi %scan3A_517, %add3A_525 : vector<16xi32>
        %gather3A_527 = tpu.vector_load_idx %arg11[%add3A_424, %add3A_526] : memref<80x128xf32, #tpu.memory_space<vmem>>[vector<16xi32>, vector<16xi32>], vector<16xf32>,
        %gather3A_528 = tpu.vector_load_idx %arg12[%add3A_424, %add3A_526] : memref<80x128xf32, #tpu.memory_space<vmem>>[vector<16xi32>, vector<16xi32>], vector<16xf32>,
        %mul3A_529 = arith.mulf %gather3A_527, %gather3A_528 : vector<16xf32>
        %add3A_530 = arith.addf %scan3A_516, %mul3A_529 : vector<16xf32>
        %add3A_531 = arith.constant 2 : i32
        %add3A_532 = vector.broadcast %add3A_531 : i32 to vector<16xi32>
        %add3A_533 = arith.addi %scan3A_517, %add3A_532 : vector<16xi32>
        %gather3A_534 = tpu.vector_load_idx %arg11[%add3A_424, %add3A_533] : memref<80x128xf32, #tpu.memory_space<vmem>>[vector<16xi32>, vector<16xi32>], vector<16xf32>,
        %gather3A_535 = tpu.vector_load_idx %arg12[%add3A_424, %add3A_533] : memref<80x128xf32, #tpu.memory_space<vmem>>[vector<16xi32>, vector<16xi32>], vector<16xf32>,
        %mul3A_536 = arith.mulf %gather3A_534, %gather3A_535 : vector<16xf32>
        %add3A_537 = arith.addf %add3A_523, %mul3A_536 : vector<16xf32>
        %add3A_538 = arith.constant 3 : i32
        %add3A_539 = vector.broadcast %add3A_538 : i32 to vector<16xi32>
        %add3A_540 = arith.addi %scan3A_517, %add3A_539 : vector<16xi32>
        %gather3A_541 = tpu.vector_load_idx %arg11[%add3A_424, %add3A_540] : memref<80x128xf32, #tpu.memory_space<vmem>>[vector<16xi32>, vector<16xi32>], vector<16xf32>,
        %gather3A_542 = tpu.vector_load_idx %arg12[%add3A_424, %add3A_540] : memref<80x128xf32, #tpu.memory_space<vmem>>[vector<16xi32>, vector<16xi32>], vector<16xf32>,
        %mul3A_543 = arith.mulf %gather3A_541, %gather3A_542 : vector<16xf32>
        %add3A_544 = arith.addf %add3A_530, %mul3A_543 : vector<16xf32>
        %add3A_545 = arith.constant 4 : i32
        %add3A_546 = vector.broadcast %add3A_545 : i32 to vector<16xi32>
        %add3A_547 = arith.addi %scan3A_517, %add3A_546 : vector<16xi32>
        %gather3A_548 = tpu.vector_load_idx %arg11[%add3A_424, %add3A_547] : memref<80x128xf32, #tpu.memory_space<vmem>>[vector<16xi32>, vector<16xi32>], vector<16xf32>,
        %gather3A_549 = tpu.vector_load_idx %arg12[%add3A_424, %add3A_547] : memref<80x128xf32, #tpu.memory_space<vmem>>[vector<16xi32>, vector<16xi32>], vector<16xf32>,
        %mul3A_550 = arith.mulf %gather3A_548, %gather3A_549 : vector<16xf32>
        %add3A_551 = arith.addf %add3A_537, %mul3A_550 : vector<16xf32>
        %add3A_552 = arith.constant 5 : i32
        %add3A_553 = vector.broadcast %add3A_552 : i32 to vector<16xi32>
        %add3A_554 = arith.addi %scan3A_517, %add3A_553 : vector<16xi32>
        %gather3A_555 = tpu.vector_load_idx %arg11[%add3A_424, %add3A_554] : memref<80x128xf32, #tpu.memory_space<vmem>>[vector<16xi32>, vector<16xi32>], vector<16xf32>,
        %gather3A_556 = tpu.vector_load_idx %arg12[%add3A_424, %add3A_554] : memref<80x128xf32, #tpu.memory_space<vmem>>[vector<16xi32>, vector<16xi32>], vector<16xf32>,
        %mul3A_557 = arith.mulf %gather3A_555, %gather3A_556 : vector<16xf32>
        %add3A_558 = arith.addf %add3A_544, %mul3A_557 : vector<16xf32>
        %add3A_559 = arith.constant 6 : i32
        %add3A_560 = vector.broadcast %add3A_559 : i32 to vector<16xi32>
        %add3A_561 = arith.addi %scan3A_517, %add3A_560 : vector<16xi32>
        %gather3A_562 = tpu.vector_load_idx %arg11[%add3A_424, %add3A_561] : memref<80x128xf32, #tpu.memory_space<vmem>>[vector<16xi32>, vector<16xi32>], vector<16xf32>,
        %gather3A_563 = tpu.vector_load_idx %arg12[%add3A_424, %add3A_561] : memref<80x128xf32, #tpu.memory_space<vmem>>[vector<16xi32>, vector<16xi32>], vector<16xf32>,
        %mul3A_564 = arith.mulf %gather3A_562, %gather3A_563 : vector<16xf32>
        %add3A_565 = arith.addf %add3A_551, %mul3A_564 : vector<16xf32>
        %add3A_566 = arith.constant 7 : i32
        %add3A_567 = vector.broadcast %add3A_566 : i32 to vector<16xi32>
        %add3A_568 = arith.addi %scan3A_517, %add3A_567 : vector<16xi32>
        %gather3A_569 = tpu.vector_load_idx %arg11[%add3A_424, %add3A_568] : memref<80x128xf32, #tpu.memory_space<vmem>>[vector<16xi32>, vector<16xi32>], vector<16xf32>,
        %gather3A_570 = tpu.vector_load_idx %arg12[%add3A_424, %add3A_568] : memref<80x128xf32, #tpu.memory_space<vmem>>[vector<16xi32>, vector<16xi32>], vector<16xf32>,
        %mul3A_571 = arith.mulf %gather3A_569, %gather3A_570 : vector<16xf32>
        %add3A_572 = arith.addf %add3A_558, %mul3A_571 : vector<16xf32>
        %add3A_573 = arith.constant 8 : i32
        %add3A_574 = vector.broadcast %add3A_573 : i32 to vector<16xi32>
        %add3A_575 = arith.addi %scan3A_517, %add3A_574 : vector<16xi32>
        scf.yield %add3A_565, %add3A_572, %add3A_575 : vector<16xf32>, vector<16xf32>, vector<16xi32>
      }
      %scan3A_434 = arith.constant 16 : i32
      %add3A_435 = arith.addf %scan3A_433#0, %scan3A_433#1 : vector<16xf32>
      %neg3A_436 = arith.constant 0.000000e+00 : f32
      %neg3A_437 = vector.broadcast %neg3A_436 : f32 to vector<16xf32>
      %neg3A_438 = arith.subf %neg3A_437, %add3A_435 : vector<16xf32>
      %exp3A_439 = math.exp %neg3A_438 : vector<16xf32>
      %add3A_440 = arith.constant 1.000000e+00 : f32
      %add3A_441 = vector.broadcast %add3A_440 : f32 to vector<16xf32>
      %add3A_442 = arith.addf %add3A_441, %exp3A_439 : vector<16xf32>
      %div3A_443 = arith.constant 1.000000e+00 : f32
      %div3A_444 = vector.broadcast %div3A_443 : f32 to vector<16xf32>
      %div3A_445 = arith.divf %div3A_444, %add3A_442 : vector<16xf32>
      %mul3A_446 = arith.constant 80 : i32
      %mul3A_447 = arith.muli %add3A_358, %mul3A_446 : i32
      %add3A_448 = arith.constant 32 : i32
      %add3A_449 = arith.addi %mul3A_447, %add3A_448 : i32
      %swap3A_450 = arith.index_cast %add3A_449 : i32 to index
      %swap3A_451 = tpu.vector_load %arg13[%swap3A_450] {strides = array<i32>} : memref<10000xf32, #tpu.memory_space<vmem>>, vector<16xf32>,
      tpu.vector_store %arg13[%swap3A_450], %div3A_445 {strides = array<i32>} : memref<10000xf32, #tpu.memory_space<vmem>>, vector<16xf32>,
      %iota3A_452 = tpu.iota {dimensions = array<i32: 0>} : vector<16xi32>
      %add3A_453 = arith.constant 48 : i32
      %add3A_454 = vector.broadcast %add3A_453 : i32 to vector<16xi32>
      %add3A_455 = arith.addi %iota3A_452, %add3A_454 : vector<16xi32>
      %broadcast_in_dim3A_456 = arith.constant 0.000000e+00 : f32
      %broadcast_in_dim3A_457 = vector.broadcast %broadcast_in_dim3A_456 : f32 to vector<16xf32>
      %broadcast_in_dim3A_458 = arith.constant 0 : i32
      %broadcast_in_dim3A_459 = vector.broadcast %broadcast_in_dim3A_458 : i32 to vector<16xi32>
      %scan3A_460 = arith.constant 0 : i32
      %scan3A_461 = arith.constant 16 : i32
      %scan3A_462 = arith.addi %scan3A_460, %scan3A_461 : i32
      %scan3A_463 = arith.constant 1 : i32
      %scan3A_464:3 = scf.for %scan3A_514 = %scan3A_460 to %scan3A_462 step %scan3A_463 iter_args(%scan3A_515 = %broadcast_in_dim3A_457, %scan3A_516 = %broadcast_in_dim3A_457, %scan3A_517 = %broadcast_in_dim3A_459) -> (vector<16xf32>, vector<16xf32>, vector<16xi32>)  : i32 {
        %add3A_518 = arith.constant 0 : i32
        %add3A_519 = vector.broadcast %add3A_518 : i32 to vector<16xi32>
        %add3A_520 = arith.addi %scan3A_517, %add3A_519 : vector<16xi32>
        %gather3A = tpu.vector_load_idx %arg11[%add3A_455, %add3A_520] : memref<80x128xf32, #tpu.memory_space<vmem>>[vector<16xi32>, vector<16xi32>], vector<16xf32>,
        %gather3A_521 = tpu.vector_load_idx %arg12[%add3A_455, %add3A_520] : memref<80x128xf32, #tpu.memory_space<vmem>>[vector<16xi32>, vector<16xi32>], vector<16xf32>,
        %mul3A_522 = arith.mulf %gather3A, %gather3A_521 : vector<16xf32>
        %add3A_523 = arith.addf %scan3A_515, %mul3A_522 : vector<16xf32>
        %add3A_524 = arith.constant 1 : i32
        %add3A_525 = vector.broadcast %add3A_524 : i32 to vector<16xi32>
        %add3A_526 = arith.addi %scan3A_517, %add3A_525 : vector<16xi32>
        %gather3A_527 = tpu.vector_load_idx %arg11[%add3A_455, %add3A_526] : memref<80x128xf32, #tpu.memory_space<vmem>>[vector<16xi32>, vector<16xi32>], vector<16xf32>,
        %gather3A_528 = tpu.vector_load_idx %arg12[%add3A_455, %add3A_526] : memref<80x128xf32, #tpu.memory_space<vmem>>[vector<16xi32>, vector<16xi32>], vector<16xf32>,
        %mul3A_529 = arith.mulf %gather3A_527, %gather3A_528 : vector<16xf32>
        %add3A_530 = arith.addf %scan3A_516, %mul3A_529 : vector<16xf32>
        %add3A_531 = arith.constant 2 : i32
        %add3A_532 = vector.broadcast %add3A_531 : i32 to vector<16xi32>
        %add3A_533 = arith.addi %scan3A_517, %add3A_532 : vector<16xi32>
        %gather3A_534 = tpu.vector_load_idx %arg11[%add3A_455, %add3A_533] : memref<80x128xf32, #tpu.memory_space<vmem>>[vector<16xi32>, vector<16xi32>], vector<16xf32>,
        %gather3A_535 = tpu.vector_load_idx %arg12[%add3A_455, %add3A_533] : memref<80x128xf32, #tpu.memory_space<vmem>>[vector<16xi32>, vector<16xi32>], vector<16xf32>,
        %mul3A_536 = arith.mulf %gather3A_534, %gather3A_535 : vector<16xf32>
        %add3A_537 = arith.addf %add3A_523, %mul3A_536 : vector<16xf32>
        %add3A_538 = arith.constant 3 : i32
        %add3A_539 = vector.broadcast %add3A_538 : i32 to vector<16xi32>
        %add3A_540 = arith.addi %scan3A_517, %add3A_539 : vector<16xi32>
        %gather3A_541 = tpu.vector_load_idx %arg11[%add3A_455, %add3A_540] : memref<80x128xf32, #tpu.memory_space<vmem>>[vector<16xi32>, vector<16xi32>], vector<16xf32>,
        %gather3A_542 = tpu.vector_load_idx %arg12[%add3A_455, %add3A_540] : memref<80x128xf32, #tpu.memory_space<vmem>>[vector<16xi32>, vector<16xi32>], vector<16xf32>,
        %mul3A_543 = arith.mulf %gather3A_541, %gather3A_542 : vector<16xf32>
        %add3A_544 = arith.addf %add3A_530, %mul3A_543 : vector<16xf32>
        %add3A_545 = arith.constant 4 : i32
        %add3A_546 = vector.broadcast %add3A_545 : i32 to vector<16xi32>
        %add3A_547 = arith.addi %scan3A_517, %add3A_546 : vector<16xi32>
        %gather3A_548 = tpu.vector_load_idx %arg11[%add3A_455, %add3A_547] : memref<80x128xf32, #tpu.memory_space<vmem>>[vector<16xi32>, vector<16xi32>], vector<16xf32>,
        %gather3A_549 = tpu.vector_load_idx %arg12[%add3A_455, %add3A_547] : memref<80x128xf32, #tpu.memory_space<vmem>>[vector<16xi32>, vector<16xi32>], vector<16xf32>,
        %mul3A_550 = arith.mulf %gather3A_548, %gather3A_549 : vector<16xf32>
        %add3A_551 = arith.addf %add3A_537, %mul3A_550 : vector<16xf32>
        %add3A_552 = arith.constant 5 : i32
        %add3A_553 = vector.broadcast %add3A_552 : i32 to vector<16xi32>
        %add3A_554 = arith.addi %scan3A_517, %add3A_553 : vector<16xi32>
        %gather3A_555 = tpu.vector_load_idx %arg11[%add3A_455, %add3A_554] : memref<80x128xf32, #tpu.memory_space<vmem>>[vector<16xi32>, vector<16xi32>], vector<16xf32>,
        %gather3A_556 = tpu.vector_load_idx %arg12[%add3A_455, %add3A_554] : memref<80x128xf32, #tpu.memory_space<vmem>>[vector<16xi32>, vector<16xi32>], vector<16xf32>,
        %mul3A_557 = arith.mulf %gather3A_555, %gather3A_556 : vector<16xf32>
        %add3A_558 = arith.addf %add3A_544, %mul3A_557 : vector<16xf32>
        %add3A_559 = arith.constant 6 : i32
        %add3A_560 = vector.broadcast %add3A_559 : i32 to vector<16xi32>
        %add3A_561 = arith.addi %scan3A_517, %add3A_560 : vector<16xi32>
        %gather3A_562 = tpu.vector_load_idx %arg11[%add3A_455, %add3A_561] : memref<80x128xf32, #tpu.memory_space<vmem>>[vector<16xi32>, vector<16xi32>], vector<16xf32>,
        %gather3A_563 = tpu.vector_load_idx %arg12[%add3A_455, %add3A_561] : memref<80x128xf32, #tpu.memory_space<vmem>>[vector<16xi32>, vector<16xi32>], vector<16xf32>,
        %mul3A_564 = arith.mulf %gather3A_562, %gather3A_563 : vector<16xf32>
        %add3A_565 = arith.addf %add3A_551, %mul3A_564 : vector<16xf32>
        %add3A_566 = arith.constant 7 : i32
        %add3A_567 = vector.broadcast %add3A_566 : i32 to vector<16xi32>
        %add3A_568 = arith.addi %scan3A_517, %add3A_567 : vector<16xi32>
        %gather3A_569 = tpu.vector_load_idx %arg11[%add3A_455, %add3A_568] : memref<80x128xf32, #tpu.memory_space<vmem>>[vector<16xi32>, vector<16xi32>], vector<16xf32>,
        %gather3A_570 = tpu.vector_load_idx %arg12[%add3A_455, %add3A_568] : memref<80x128xf32, #tpu.memory_space<vmem>>[vector<16xi32>, vector<16xi32>], vector<16xf32>,
        %mul3A_571 = arith.mulf %gather3A_569, %gather3A_570 : vector<16xf32>
        %add3A_572 = arith.addf %add3A_558, %mul3A_571 : vector<16xf32>
        %add3A_573 = arith.constant 8 : i32
        %add3A_574 = vector.broadcast %add3A_573 : i32 to vector<16xi32>
        %add3A_575 = arith.addi %scan3A_517, %add3A_574 : vector<16xi32>
        scf.yield %add3A_565, %add3A_572, %add3A_575 : vector<16xf32>, vector<16xf32>, vector<16xi32>
      }
      %scan3A_465 = arith.constant 16 : i32
      %add3A_466 = arith.addf %scan3A_464#0, %scan3A_464#1 : vector<16xf32>
      %neg3A_467 = arith.constant 0.000000e+00 : f32
      %neg3A_468 = vector.broadcast %neg3A_467 : f32 to vector<16xf32>
      %neg3A_469 = arith.subf %neg3A_468, %add3A_466 : vector<16xf32>
      %exp3A_470 = math.exp %neg3A_469 : vector<16xf32>
      %add3A_471 = arith.constant 1.000000e+00 : f32
      %add3A_472 = vector.broadcast %add3A_471 : f32 to vector<16xf32>
      %add3A_473 = arith.addf %add3A_472, %exp3A_470 : vector<16xf32>
      %div3A_474 = arith.constant 1.000000e+00 : f32
      %div3A_475 = vector.broadcast %div3A_474 : f32 to vector<16xf32>
      %div3A_476 = arith.divf %div3A_475, %add3A_473 : vector<16xf32>
      %mul3A_477 = arith.constant 80 : i32
      %mul3A_478 = arith.muli %add3A_358, %mul3A_477 : i32
      %add3A_479 = arith.constant 48 : i32
      %add3A_480 = arith.addi %mul3A_478, %add3A_479 : i32
      %swap3A_481 = arith.index_cast %add3A_480 : i32 to index
      %swap3A_482 = tpu.vector_load %arg13[%swap3A_481] {strides = array<i32>} : memref<10000xf32, #tpu.memory_space<vmem>>, vector<16xf32>,
      tpu.vector_store %arg13[%swap3A_481], %div3A_476 {strides = array<i32>} : memref<10000xf32, #tpu.memory_space<vmem>>, vector<16xf32>,
      %iota3A_483 = tpu.iota {dimensions = array<i32: 0>} : vector<16xi32>
      %add3A_484 = arith.constant 64 : i32
      %add3A_485 = vector.broadcast %add3A_484 : i32 to vector<16xi32>
      %add3A_486 = arith.addi %iota3A_483, %add3A_485 : vector<16xi32>
      %broadcast_in_dim3A_487 = arith.constant 0.000000e+00 : f32
      %broadcast_in_dim3A_488 = vector.broadcast %broadcast_in_dim3A_487 : f32 to vector<16xf32>
      %broadcast_in_dim3A_489 = arith.constant 0 : i32
      %broadcast_in_dim3A_490 = vector.broadcast %broadcast_in_dim3A_489 : i32 to vector<16xi32>
      %scan3A_491 = arith.constant 0 : i32
      %scan3A_492 = arith.constant 16 : i32
      %scan3A_493 = arith.addi %scan3A_491, %scan3A_492 : i32
      %scan3A_494 = arith.constant 1 : i32
      %scan3A_495:3 = scf.for %scan3A_514 = %scan3A_491 to %scan3A_493 step %scan3A_494 iter_args(%scan3A_515 = %broadcast_in_dim3A_488, %scan3A_516 = %broadcast_in_dim3A_488, %scan3A_517 = %broadcast_in_dim3A_490) -> (vector<16xf32>, vector<16xf32>, vector<16xi32>)  : i32 {
        %add3A_518 = arith.constant 0 : i32
        %add3A_519 = vector.broadcast %add3A_518 : i32 to vector<16xi32>
        %add3A_520 = arith.addi %scan3A_517, %add3A_519 : vector<16xi32>
        %gather3A = tpu.vector_load_idx %arg11[%add3A_486, %add3A_520] : memref<80x128xf32, #tpu.memory_space<vmem>>[vector<16xi32>, vector<16xi32>], vector<16xf32>,
        %gather3A_521 = tpu.vector_load_idx %arg12[%add3A_486, %add3A_520] : memref<80x128xf32, #tpu.memory_space<vmem>>[vector<16xi32>, vector<16xi32>], vector<16xf32>,
        %mul3A_522 = arith.mulf %gather3A, %gather3A_521 : vector<16xf32>
        %add3A_523 = arith.addf %scan3A_515, %mul3A_522 : vector<16xf32>
        %add3A_524 = arith.constant 1 : i32
        %add3A_525 = vector.broadcast %add3A_524 : i32 to vector<16xi32>
        %add3A_526 = arith.addi %scan3A_517, %add3A_525 : vector<16xi32>
        %gather3A_527 = tpu.vector_load_idx %arg11[%add3A_486, %add3A_526] : memref<80x128xf32, #tpu.memory_space<vmem>>[vector<16xi32>, vector<16xi32>], vector<16xf32>,
        %gather3A_528 = tpu.vector_load_idx %arg12[%add3A_486, %add3A_526] : memref<80x128xf32, #tpu.memory_space<vmem>>[vector<16xi32>, vector<16xi32>], vector<16xf32>,
        %mul3A_529 = arith.mulf %gather3A_527, %gather3A_528 : vector<16xf32>
        %add3A_530 = arith.addf %scan3A_516, %mul3A_529 : vector<16xf32>
        %add3A_531 = arith.constant 2 : i32
        %add3A_532 = vector.broadcast %add3A_531 : i32 to vector<16xi32>
        %add3A_533 = arith.addi %scan3A_517, %add3A_532 : vector<16xi32>
        %gather3A_534 = tpu.vector_load_idx %arg11[%add3A_486, %add3A_533] : memref<80x128xf32, #tpu.memory_space<vmem>>[vector<16xi32>, vector<16xi32>], vector<16xf32>,
        %gather3A_535 = tpu.vector_load_idx %arg12[%add3A_486, %add3A_533] : memref<80x128xf32, #tpu.memory_space<vmem>>[vector<16xi32>, vector<16xi32>], vector<16xf32>,
        %mul3A_536 = arith.mulf %gather3A_534, %gather3A_535 : vector<16xf32>
        %add3A_537 = arith.addf %add3A_523, %mul3A_536 : vector<16xf32>
        %add3A_538 = arith.constant 3 : i32
        %add3A_539 = vector.broadcast %add3A_538 : i32 to vector<16xi32>
        %add3A_540 = arith.addi %scan3A_517, %add3A_539 : vector<16xi32>
        %gather3A_541 = tpu.vector_load_idx %arg11[%add3A_486, %add3A_540] : memref<80x128xf32, #tpu.memory_space<vmem>>[vector<16xi32>, vector<16xi32>], vector<16xf32>,
        %gather3A_542 = tpu.vector_load_idx %arg12[%add3A_486, %add3A_540] : memref<80x128xf32, #tpu.memory_space<vmem>>[vector<16xi32>, vector<16xi32>], vector<16xf32>,
        %mul3A_543 = arith.mulf %gather3A_541, %gather3A_542 : vector<16xf32>
        %add3A_544 = arith.addf %add3A_530, %mul3A_543 : vector<16xf32>
        %add3A_545 = arith.constant 4 : i32
        %add3A_546 = vector.broadcast %add3A_545 : i32 to vector<16xi32>
        %add3A_547 = arith.addi %scan3A_517, %add3A_546 : vector<16xi32>
        %gather3A_548 = tpu.vector_load_idx %arg11[%add3A_486, %add3A_547] : memref<80x128xf32, #tpu.memory_space<vmem>>[vector<16xi32>, vector<16xi32>], vector<16xf32>,
        %gather3A_549 = tpu.vector_load_idx %arg12[%add3A_486, %add3A_547] : memref<80x128xf32, #tpu.memory_space<vmem>>[vector<16xi32>, vector<16xi32>], vector<16xf32>,
        %mul3A_550 = arith.mulf %gather3A_548, %gather3A_549 : vector<16xf32>
        %add3A_551 = arith.addf %add3A_537, %mul3A_550 : vector<16xf32>
        %add3A_552 = arith.constant 5 : i32
        %add3A_553 = vector.broadcast %add3A_552 : i32 to vector<16xi32>
        %add3A_554 = arith.addi %scan3A_517, %add3A_553 : vector<16xi32>
        %gather3A_555 = tpu.vector_load_idx %arg11[%add3A_486, %add3A_554] : memref<80x128xf32, #tpu.memory_space<vmem>>[vector<16xi32>, vector<16xi32>], vector<16xf32>,
        %gather3A_556 = tpu.vector_load_idx %arg12[%add3A_486, %add3A_554] : memref<80x128xf32, #tpu.memory_space<vmem>>[vector<16xi32>, vector<16xi32>], vector<16xf32>,
        %mul3A_557 = arith.mulf %gather3A_555, %gather3A_556 : vector<16xf32>
        %add3A_558 = arith.addf %add3A_544, %mul3A_557 : vector<16xf32>
        %add3A_559 = arith.constant 6 : i32
        %add3A_560 = vector.broadcast %add3A_559 : i32 to vector<16xi32>
        %add3A_561 = arith.addi %scan3A_517, %add3A_560 : vector<16xi32>
        %gather3A_562 = tpu.vector_load_idx %arg11[%add3A_486, %add3A_561] : memref<80x128xf32, #tpu.memory_space<vmem>>[vector<16xi32>, vector<16xi32>], vector<16xf32>,
        %gather3A_563 = tpu.vector_load_idx %arg12[%add3A_486, %add3A_561] : memref<80x128xf32, #tpu.memory_space<vmem>>[vector<16xi32>, vector<16xi32>], vector<16xf32>,
        %mul3A_564 = arith.mulf %gather3A_562, %gather3A_563 : vector<16xf32>
        %add3A_565 = arith.addf %add3A_551, %mul3A_564 : vector<16xf32>
        %add3A_566 = arith.constant 7 : i32
        %add3A_567 = vector.broadcast %add3A_566 : i32 to vector<16xi32>
        %add3A_568 = arith.addi %scan3A_517, %add3A_567 : vector<16xi32>
        %gather3A_569 = tpu.vector_load_idx %arg11[%add3A_486, %add3A_568] : memref<80x128xf32, #tpu.memory_space<vmem>>[vector<16xi32>, vector<16xi32>], vector<16xf32>,
        %gather3A_570 = tpu.vector_load_idx %arg12[%add3A_486, %add3A_568] : memref<80x128xf32, #tpu.memory_space<vmem>>[vector<16xi32>, vector<16xi32>], vector<16xf32>,
        %mul3A_571 = arith.mulf %gather3A_569, %gather3A_570 : vector<16xf32>
        %add3A_572 = arith.addf %add3A_558, %mul3A_571 : vector<16xf32>
        %add3A_573 = arith.constant 8 : i32
        %add3A_574 = vector.broadcast %add3A_573 : i32 to vector<16xi32>
        %add3A_575 = arith.addi %scan3A_517, %add3A_574 : vector<16xi32>
        scf.yield %add3A_565, %add3A_572, %add3A_575 : vector<16xf32>, vector<16xf32>, vector<16xi32>
      }
      %scan3A_496 = arith.constant 16 : i32
      %add3A_497 = arith.addf %scan3A_495#0, %scan3A_495#1 : vector<16xf32>
      %neg3A_498 = arith.constant 0.000000e+00 : f32
      %neg3A_499 = vector.broadcast %neg3A_498 : f32 to vector<16xf32>
      %neg3A_500 = arith.subf %neg3A_499, %add3A_497 : vector<16xf32>
      %exp3A_501 = math.exp %neg3A_500 : vector<16xf32>
      %add3A_502 = arith.constant 1.000000e+00 : f32
      %add3A_503 = vector.broadcast %add3A_502 : f32 to vector<16xf32>
      %add3A_504 = arith.addf %add3A_503, %exp3A_501 : vector<16xf32>
      %div3A_505 = arith.constant 1.000000e+00 : f32
      %div3A_506 = vector.broadcast %div3A_505 : f32 to vector<16xf32>
      %div3A_507 = arith.divf %div3A_506, %add3A_504 : vector<16xf32>
      %mul3A_508 = arith.constant 80 : i32
      %mul3A_509 = arith.muli %add3A_358, %mul3A_508 : i32
      %add3A_510 = arith.constant 64 : i32
      %add3A_511 = arith.addi %mul3A_509, %add3A_510 : i32
      %swap3A_512 = arith.index_cast %add3A_511 : i32 to index
      %swap3A_513 = tpu.vector_load %arg13[%swap3A_512] {strides = array<i32>} : memref<10000xf32, #tpu.memory_space<vmem>>, vector<16xf32>,
      tpu.vector_store %arg13[%swap3A_512], %div3A_507 {strides = array<i32>} : memref<10000xf32, #tpu.memory_space<vmem>>, vector<16xf32>,
    }
    %scan3A_16 = arith.constant 62 : i32
    %dma_wait3A = arith.constant 0 : i32
    %dma_wait3A_17 = tpu.memref_slice %arg7[%dma_wait3A] : memref<10000xi32, #tpu.memory_space<vmem>> -> memref<80xi32, #tpu.memory_space<vmem>>
    %dma_wait3A_18 = arith.constant 0 : i32
    %dma_wait3A_19 = arith.constant 0 : i32
    %dma_wait3A_20 = tpu.memref_slice %arg2[%dma_wait3A_18, %dma_wait3A_19] : memref<10000x128xf32, #tpu.memory_space<hbm>> -> memref<10000x128xf32, #tpu.memory_space<hbm>>
    tpu.wait_indirect_dma semaphore(%arg14 : memref<!tpu.dma_semaphore, #tpu.memory_space<semaphore_mem>>) src(%dma_wait3A_20 : memref<10000x128xf32, #tpu.memory_space<hbm>>) dst(%arg9 : memref<80x128xf32, #tpu.memory_space<vmem>>)
    %dma_wait3A_21 = arith.constant 0 : i32
    %dma_wait3A_22 = tpu.memref_slice %arg8[%dma_wait3A_21] : memref<10000xi32, #tpu.memory_space<vmem>> -> memref<80xi32, #tpu.memory_space<vmem>>
    %dma_wait3A_23 = arith.constant 0 : i32
    %dma_wait3A_24 = arith.constant 0 : i32
    %dma_wait3A_25 = tpu.memref_slice %arg3[%dma_wait3A_23, %dma_wait3A_24] : memref<10000x128xf32, #tpu.memory_space<hbm>> -> memref<10000x128xf32, #tpu.memory_space<hbm>>
    tpu.wait_indirect_dma semaphore(%arg14 : memref<!tpu.dma_semaphore, #tpu.memory_space<semaphore_mem>>) src(%dma_wait3A_25 : memref<10000x128xf32, #tpu.memory_space<hbm>>) dst(%arg10 : memref<80x128xf32, #tpu.memory_space<vmem>>)
    %iota3A = tpu.iota {dimensions = array<i32: 0>} : vector<16xi32>
    %add3A_26 = arith.constant 0 : i32
    %add3A_27 = vector.broadcast %add3A_26 : i32 to vector<16xi32>
    %add3A_28 = arith.addi %iota3A, %add3A_27 : vector<16xi32>
    %broadcast_in_dim3A = arith.constant 0.000000e+00 : f32
    %broadcast_in_dim3A_29 = vector.broadcast %broadcast_in_dim3A : f32 to vector<16xf32>
    %broadcast_in_dim3A_30 = arith.constant 0 : i32
    %broadcast_in_dim3A_31 = vector.broadcast %broadcast_in_dim3A_30 : i32 to vector<16xi32>
    %scan3A_32 = arith.constant 0 : i32
    %scan3A_33 = arith.constant 16 : i32
    %scan3A_34 = arith.addi %scan3A_32, %scan3A_33 : i32
    %scan3A_35 = arith.constant 1 : i32
    %scan3A_36:3 = scf.for %scan3A_155 = %scan3A_32 to %scan3A_34 step %scan3A_35 iter_args(%scan3A_156 = %broadcast_in_dim3A_29, %scan3A_157 = %broadcast_in_dim3A_29, %scan3A_158 = %broadcast_in_dim3A_31) -> (vector<16xf32>, vector<16xf32>, vector<16xi32>)  : i32 {
      %add3A_159 = arith.constant 0 : i32
      %add3A_160 = vector.broadcast %add3A_159 : i32 to vector<16xi32>
      %add3A_161 = arith.addi %scan3A_158, %add3A_160 : vector<16xi32>
      %gather3A = tpu.vector_load_idx %arg9[%add3A_28, %add3A_161] : memref<80x128xf32, #tpu.memory_space<vmem>>[vector<16xi32>, vector<16xi32>], vector<16xf32>,
      %gather3A_162 = tpu.vector_load_idx %arg10[%add3A_28, %add3A_161] : memref<80x128xf32, #tpu.memory_space<vmem>>[vector<16xi32>, vector<16xi32>], vector<16xf32>,
      %mul3A_163 = arith.mulf %gather3A, %gather3A_162 : vector<16xf32>
      %add3A_164 = arith.addf %scan3A_156, %mul3A_163 : vector<16xf32>
      %add3A_165 = arith.constant 1 : i32
      %add3A_166 = vector.broadcast %add3A_165 : i32 to vector<16xi32>
      %add3A_167 = arith.addi %scan3A_158, %add3A_166 : vector<16xi32>
      %gather3A_168 = tpu.vector_load_idx %arg9[%add3A_28, %add3A_167] : memref<80x128xf32, #tpu.memory_space<vmem>>[vector<16xi32>, vector<16xi32>], vector<16xf32>,
      %gather3A_169 = tpu.vector_load_idx %arg10[%add3A_28, %add3A_167] : memref<80x128xf32, #tpu.memory_space<vmem>>[vector<16xi32>, vector<16xi32>], vector<16xf32>,
      %mul3A_170 = arith.mulf %gather3A_168, %gather3A_169 : vector<16xf32>
      %add3A_171 = arith.addf %scan3A_157, %mul3A_170 : vector<16xf32>
      %add3A_172 = arith.constant 2 : i32
      %add3A_173 = vector.broadcast %add3A_172 : i32 to vector<16xi32>
      %add3A_174 = arith.addi %scan3A_158, %add3A_173 : vector<16xi32>
      %gather3A_175 = tpu.vector_load_idx %arg9[%add3A_28, %add3A_174] : memref<80x128xf32, #tpu.memory_space<vmem>>[vector<16xi32>, vector<16xi32>], vector<16xf32>,
      %gather3A_176 = tpu.vector_load_idx %arg10[%add3A_28, %add3A_174] : memref<80x128xf32, #tpu.memory_space<vmem>>[vector<16xi32>, vector<16xi32>], vector<16xf32>,
      %mul3A_177 = arith.mulf %gather3A_175, %gather3A_176 : vector<16xf32>
      %add3A_178 = arith.addf %add3A_164, %mul3A_177 : vector<16xf32>
      %add3A_179 = arith.constant 3 : i32
      %add3A_180 = vector.broadcast %add3A_179 : i32 to vector<16xi32>
      %add3A_181 = arith.addi %scan3A_158, %add3A_180 : vector<16xi32>
      %gather3A_182 = tpu.vector_load_idx %arg9[%add3A_28, %add3A_181] : memref<80x128xf32, #tpu.memory_space<vmem>>[vector<16xi32>, vector<16xi32>], vector<16xf32>,
      %gather3A_183 = tpu.vector_load_idx %arg10[%add3A_28, %add3A_181] : memref<80x128xf32, #tpu.memory_space<vmem>>[vector<16xi32>, vector<16xi32>], vector<16xf32>,
      %mul3A_184 = arith.mulf %gather3A_182, %gather3A_183 : vector<16xf32>
      %add3A_185 = arith.addf %add3A_171, %mul3A_184 : vector<16xf32>
      %add3A_186 = arith.constant 4 : i32
      %add3A_187 = vector.broadcast %add3A_186 : i32 to vector<16xi32>
      %add3A_188 = arith.addi %scan3A_158, %add3A_187 : vector<16xi32>
      %gather3A_189 = tpu.vector_load_idx %arg9[%add3A_28, %add3A_188] : memref<80x128xf32, #tpu.memory_space<vmem>>[vector<16xi32>, vector<16xi32>], vector<16xf32>,
      %gather3A_190 = tpu.vector_load_idx %arg10[%add3A_28, %add3A_188] : memref<80x128xf32, #tpu.memory_space<vmem>>[vector<16xi32>, vector<16xi32>], vector<16xf32>,
      %mul3A_191 = arith.mulf %gather3A_189, %gather3A_190 : vector<16xf32>
      %add3A_192 = arith.addf %add3A_178, %mul3A_191 : vector<16xf32>
      %add3A_193 = arith.constant 5 : i32
      %add3A_194 = vector.broadcast %add3A_193 : i32 to vector<16xi32>
      %add3A_195 = arith.addi %scan3A_158, %add3A_194 : vector<16xi32>
      %gather3A_196 = tpu.vector_load_idx %arg9[%add3A_28, %add3A_195] : memref<80x128xf32, #tpu.memory_space<vmem>>[vector<16xi32>, vector<16xi32>], vector<16xf32>,
      %gather3A_197 = tpu.vector_load_idx %arg10[%add3A_28, %add3A_195] : memref<80x128xf32, #tpu.memory_space<vmem>>[vector<16xi32>, vector<16xi32>], vector<16xf32>,
      %mul3A_198 = arith.mulf %gather3A_196, %gather3A_197 : vector<16xf32>
      %add3A_199 = arith.addf %add3A_185, %mul3A_198 : vector<16xf32>
      %add3A_200 = arith.constant 6 : i32
      %add3A_201 = vector.broadcast %add3A_200 : i32 to vector<16xi32>
      %add3A_202 = arith.addi %scan3A_158, %add3A_201 : vector<16xi32>
      %gather3A_203 = tpu.vector_load_idx %arg9[%add3A_28, %add3A_202] : memref<80x128xf32, #tpu.memory_space<vmem>>[vector<16xi32>, vector<16xi32>], vector<16xf32>,
      %gather3A_204 = tpu.vector_load_idx %arg10[%add3A_28, %add3A_202] : memref<80x128xf32, #tpu.memory_space<vmem>>[vector<16xi32>, vector<16xi32>], vector<16xf32>,
      %mul3A_205 = arith.mulf %gather3A_203, %gather3A_204 : vector<16xf32>
      %add3A_206 = arith.addf %add3A_192, %mul3A_205 : vector<16xf32>
      %add3A_207 = arith.constant 7 : i32
      %add3A_208 = vector.broadcast %add3A_207 : i32 to vector<16xi32>
      %add3A_209 = arith.addi %scan3A_158, %add3A_208 : vector<16xi32>
      %gather3A_210 = tpu.vector_load_idx %arg9[%add3A_28, %add3A_209] : memref<80x128xf32, #tpu.memory_space<vmem>>[vector<16xi32>, vector<16xi32>], vector<16xf32>,
      %gather3A_211 = tpu.vector_load_idx %arg10[%add3A_28, %add3A_209] : memref<80x128xf32, #tpu.memory_space<vmem>>[vector<16xi32>, vector<16xi32>], vector<16xf32>,
      %mul3A_212 = arith.mulf %gather3A_210, %gather3A_211 : vector<16xf32>
      %add3A_213 = arith.addf %add3A_199, %mul3A_212 : vector<16xf32>
      %add3A_214 = arith.constant 8 : i32
      %add3A_215 = vector.broadcast %add3A_214 : i32 to vector<16xi32>
      %add3A_216 = arith.addi %scan3A_158, %add3A_215 : vector<16xi32>
      scf.yield %add3A_206, %add3A_213, %add3A_216 : vector<16xf32>, vector<16xf32>, vector<16xi32>
    }
    %scan3A_37 = arith.constant 16 : i32
    %add3A_38 = arith.addf %scan3A_36#0, %scan3A_36#1 : vector<16xf32>
    %neg3A = arith.constant 0.000000e+00 : f32
    %neg3A_39 = vector.broadcast %neg3A : f32 to vector<16xf32>
    %neg3A_40 = arith.subf %neg3A_39, %add3A_38 : vector<16xf32>
    %exp3A = math.exp %neg3A_40 : vector<16xf32>
    %add3A_41 = arith.constant 1.000000e+00 : f32
    %add3A_42 = vector.broadcast %add3A_41 : f32 to vector<16xf32>
    %add3A_43 = arith.addf %add3A_42, %exp3A : vector<16xf32>
    %div3A = arith.constant 1.000000e+00 : f32
    %div3A_44 = vector.broadcast %div3A : f32 to vector<16xf32>
    %div3A_45 = arith.divf %div3A_44, %add3A_43 : vector<16xf32>
    %swap3A = arith.constant 9920 : index
    %swap3A_46 = tpu.vector_load %arg13[%swap3A] {strides = array<i32>} : memref<10000xf32, #tpu.memory_space<vmem>>, vector<16xf32>,
    tpu.vector_store %arg13[%swap3A], %div3A_45 {strides = array<i32>} : memref<10000xf32, #tpu.memory_space<vmem>>, vector<16xf32>,
    %iota3A_47 = tpu.iota {dimensions = array<i32: 0>} : vector<16xi32>
    %add3A_48 = arith.constant 16 : i32
    %add3A_49 = vector.broadcast %add3A_48 : i32 to vector<16xi32>
    %add3A_50 = arith.addi %iota3A_47, %add3A_49 : vector<16xi32>
    %broadcast_in_dim3A_51 = arith.constant 0.000000e+00 : f32
    %broadcast_in_dim3A_52 = vector.broadcast %broadcast_in_dim3A_51 : f32 to vector<16xf32>
    %broadcast_in_dim3A_53 = arith.constant 0 : i32
    %broadcast_in_dim3A_54 = vector.broadcast %broadcast_in_dim3A_53 : i32 to vector<16xi32>
    %scan3A_55 = arith.constant 0 : i32
    %scan3A_56 = arith.constant 16 : i32
    %scan3A_57 = arith.addi %scan3A_55, %scan3A_56 : i32
    %scan3A_58 = arith.constant 1 : i32
    %scan3A_59:3 = scf.for %scan3A_155 = %scan3A_55 to %scan3A_57 step %scan3A_58 iter_args(%scan3A_156 = %broadcast_in_dim3A_52, %scan3A_157 = %broadcast_in_dim3A_52, %scan3A_158 = %broadcast_in_dim3A_54) -> (vector<16xf32>, vector<16xf32>, vector<16xi32>)  : i32 {
      %add3A_159 = arith.constant 0 : i32
      %add3A_160 = vector.broadcast %add3A_159 : i32 to vector<16xi32>
      %add3A_161 = arith.addi %scan3A_158, %add3A_160 : vector<16xi32>
      %gather3A = tpu.vector_load_idx %arg9[%add3A_50, %add3A_161] : memref<80x128xf32, #tpu.memory_space<vmem>>[vector<16xi32>, vector<16xi32>], vector<16xf32>,
      %gather3A_162 = tpu.vector_load_idx %arg10[%add3A_50, %add3A_161] : memref<80x128xf32, #tpu.memory_space<vmem>>[vector<16xi32>, vector<16xi32>], vector<16xf32>,
      %mul3A_163 = arith.mulf %gather3A, %gather3A_162 : vector<16xf32>
      %add3A_164 = arith.addf %scan3A_156, %mul3A_163 : vector<16xf32>
      %add3A_165 = arith.constant 1 : i32
      %add3A_166 = vector.broadcast %add3A_165 : i32 to vector<16xi32>
      %add3A_167 = arith.addi %scan3A_158, %add3A_166 : vector<16xi32>
      %gather3A_168 = tpu.vector_load_idx %arg9[%add3A_50, %add3A_167] : memref<80x128xf32, #tpu.memory_space<vmem>>[vector<16xi32>, vector<16xi32>], vector<16xf32>,
      %gather3A_169 = tpu.vector_load_idx %arg10[%add3A_50, %add3A_167] : memref<80x128xf32, #tpu.memory_space<vmem>>[vector<16xi32>, vector<16xi32>], vector<16xf32>,
      %mul3A_170 = arith.mulf %gather3A_168, %gather3A_169 : vector<16xf32>
      %add3A_171 = arith.addf %scan3A_157, %mul3A_170 : vector<16xf32>
      %add3A_172 = arith.constant 2 : i32
      %add3A_173 = vector.broadcast %add3A_172 : i32 to vector<16xi32>
      %add3A_174 = arith.addi %scan3A_158, %add3A_173 : vector<16xi32>
      %gather3A_175 = tpu.vector_load_idx %arg9[%add3A_50, %add3A_174] : memref<80x128xf32, #tpu.memory_space<vmem>>[vector<16xi32>, vector<16xi32>], vector<16xf32>,
      %gather3A_176 = tpu.vector_load_idx %arg10[%add3A_50, %add3A_174] : memref<80x128xf32, #tpu.memory_space<vmem>>[vector<16xi32>, vector<16xi32>], vector<16xf32>,
      %mul3A_177 = arith.mulf %gather3A_175, %gather3A_176 : vector<16xf32>
      %add3A_178 = arith.addf %add3A_164, %mul3A_177 : vector<16xf32>
      %add3A_179 = arith.constant 3 : i32
      %add3A_180 = vector.broadcast %add3A_179 : i32 to vector<16xi32>
      %add3A_181 = arith.addi %scan3A_158, %add3A_180 : vector<16xi32>
      %gather3A_182 = tpu.vector_load_idx %arg9[%add3A_50, %add3A_181] : memref<80x128xf32, #tpu.memory_space<vmem>>[vector<16xi32>, vector<16xi32>], vector<16xf32>,
      %gather3A_183 = tpu.vector_load_idx %arg10[%add3A_50, %add3A_181] : memref<80x128xf32, #tpu.memory_space<vmem>>[vector<16xi32>, vector<16xi32>], vector<16xf32>,
      %mul3A_184 = arith.mulf %gather3A_182, %gather3A_183 : vector<16xf32>
      %add3A_185 = arith.addf %add3A_171, %mul3A_184 : vector<16xf32>
      %add3A_186 = arith.constant 4 : i32
      %add3A_187 = vector.broadcast %add3A_186 : i32 to vector<16xi32>
      %add3A_188 = arith.addi %scan3A_158, %add3A_187 : vector<16xi32>
      %gather3A_189 = tpu.vector_load_idx %arg9[%add3A_50, %add3A_188] : memref<80x128xf32, #tpu.memory_space<vmem>>[vector<16xi32>, vector<16xi32>], vector<16xf32>,
      %gather3A_190 = tpu.vector_load_idx %arg10[%add3A_50, %add3A_188] : memref<80x128xf32, #tpu.memory_space<vmem>>[vector<16xi32>, vector<16xi32>], vector<16xf32>,
      %mul3A_191 = arith.mulf %gather3A_189, %gather3A_190 : vector<16xf32>
      %add3A_192 = arith.addf %add3A_178, %mul3A_191 : vector<16xf32>
      %add3A_193 = arith.constant 5 : i32
      %add3A_194 = vector.broadcast %add3A_193 : i32 to vector<16xi32>
      %add3A_195 = arith.addi %scan3A_158, %add3A_194 : vector<16xi32>
      %gather3A_196 = tpu.vector_load_idx %arg9[%add3A_50, %add3A_195] : memref<80x128xf32, #tpu.memory_space<vmem>>[vector<16xi32>, vector<16xi32>], vector<16xf32>,
      %gather3A_197 = tpu.vector_load_idx %arg10[%add3A_50, %add3A_195] : memref<80x128xf32, #tpu.memory_space<vmem>>[vector<16xi32>, vector<16xi32>], vector<16xf32>,
      %mul3A_198 = arith.mulf %gather3A_196, %gather3A_197 : vector<16xf32>
      %add3A_199 = arith.addf %add3A_185, %mul3A_198 : vector<16xf32>
      %add3A_200 = arith.constant 6 : i32
      %add3A_201 = vector.broadcast %add3A_200 : i32 to vector<16xi32>
      %add3A_202 = arith.addi %scan3A_158, %add3A_201 : vector<16xi32>
      %gather3A_203 = tpu.vector_load_idx %arg9[%add3A_50, %add3A_202] : memref<80x128xf32, #tpu.memory_space<vmem>>[vector<16xi32>, vector<16xi32>], vector<16xf32>,
      %gather3A_204 = tpu.vector_load_idx %arg10[%add3A_50, %add3A_202] : memref<80x128xf32, #tpu.memory_space<vmem>>[vector<16xi32>, vector<16xi32>], vector<16xf32>,
      %mul3A_205 = arith.mulf %gather3A_203, %gather3A_204 : vector<16xf32>
      %add3A_206 = arith.addf %add3A_192, %mul3A_205 : vector<16xf32>
      %add3A_207 = arith.constant 7 : i32
      %add3A_208 = vector.broadcast %add3A_207 : i32 to vector<16xi32>
      %add3A_209 = arith.addi %scan3A_158, %add3A_208 : vector<16xi32>
      %gather3A_210 = tpu.vector_load_idx %arg9[%add3A_50, %add3A_209] : memref<80x128xf32, #tpu.memory_space<vmem>>[vector<16xi32>, vector<16xi32>], vector<16xf32>,
      %gather3A_211 = tpu.vector_load_idx %arg10[%add3A_50, %add3A_209] : memref<80x128xf32, #tpu.memory_space<vmem>>[vector<16xi32>, vector<16xi32>], vector<16xf32>,
      %mul3A_212 = arith.mulf %gather3A_210, %gather3A_211 : vector<16xf32>
      %add3A_213 = arith.addf %add3A_199, %mul3A_212 : vector<16xf32>
      %add3A_214 = arith.constant 8 : i32
      %add3A_215 = vector.broadcast %add3A_214 : i32 to vector<16xi32>
      %add3A_216 = arith.addi %scan3A_158, %add3A_215 : vector<16xi32>
      scf.yield %add3A_206, %add3A_213, %add3A_216 : vector<16xf32>, vector<16xf32>, vector<16xi32>
    }
    %scan3A_60 = arith.constant 16 : i32
    %add3A_61 = arith.addf %scan3A_59#0, %scan3A_59#1 : vector<16xf32>
    %neg3A_62 = arith.constant 0.000000e+00 : f32
    %neg3A_63 = vector.broadcast %neg3A_62 : f32 to vector<16xf32>
    %neg3A_64 = arith.subf %neg3A_63, %add3A_61 : vector<16xf32>
    %exp3A_65 = math.exp %neg3A_64 : vector<16xf32>
    %add3A_66 = arith.constant 1.000000e+00 : f32
    %add3A_67 = vector.broadcast %add3A_66 : f32 to vector<16xf32>
    %add3A_68 = arith.addf %add3A_67, %exp3A_65 : vector<16xf32>
    %div3A_69 = arith.constant 1.000000e+00 : f32
    %div3A_70 = vector.broadcast %div3A_69 : f32 to vector<16xf32>
    %div3A_71 = arith.divf %div3A_70, %add3A_68 : vector<16xf32>
    %swap3A_72 = arith.constant 9936 : index
    %swap3A_73 = tpu.vector_load %arg13[%swap3A_72] {strides = array<i32>} : memref<10000xf32, #tpu.memory_space<vmem>>, vector<16xf32>,
    tpu.vector_store %arg13[%swap3A_72], %div3A_71 {strides = array<i32>} : memref<10000xf32, #tpu.memory_space<vmem>>, vector<16xf32>,
    %iota3A_74 = tpu.iota {dimensions = array<i32: 0>} : vector<16xi32>
    %add3A_75 = arith.constant 32 : i32
    %add3A_76 = vector.broadcast %add3A_75 : i32 to vector<16xi32>
    %add3A_77 = arith.addi %iota3A_74, %add3A_76 : vector<16xi32>
    %broadcast_in_dim3A_78 = arith.constant 0.000000e+00 : f32
    %broadcast_in_dim3A_79 = vector.broadcast %broadcast_in_dim3A_78 : f32 to vector<16xf32>
    %broadcast_in_dim3A_80 = arith.constant 0 : i32
    %broadcast_in_dim3A_81 = vector.broadcast %broadcast_in_dim3A_80 : i32 to vector<16xi32>
    %scan3A_82 = arith.constant 0 : i32
    %scan3A_83 = arith.constant 16 : i32
    %scan3A_84 = arith.addi %scan3A_82, %scan3A_83 : i32
    %scan3A_85 = arith.constant 1 : i32
    %scan3A_86:3 = scf.for %scan3A_155 = %scan3A_82 to %scan3A_84 step %scan3A_85 iter_args(%scan3A_156 = %broadcast_in_dim3A_79, %scan3A_157 = %broadcast_in_dim3A_79, %scan3A_158 = %broadcast_in_dim3A_81) -> (vector<16xf32>, vector<16xf32>, vector<16xi32>)  : i32 {
      %add3A_159 = arith.constant 0 : i32
      %add3A_160 = vector.broadcast %add3A_159 : i32 to vector<16xi32>
      %add3A_161 = arith.addi %scan3A_158, %add3A_160 : vector<16xi32>
      %gather3A = tpu.vector_load_idx %arg9[%add3A_77, %add3A_161] : memref<80x128xf32, #tpu.memory_space<vmem>>[vector<16xi32>, vector<16xi32>], vector<16xf32>,
      %gather3A_162 = tpu.vector_load_idx %arg10[%add3A_77, %add3A_161] : memref<80x128xf32, #tpu.memory_space<vmem>>[vector<16xi32>, vector<16xi32>], vector<16xf32>,
      %mul3A_163 = arith.mulf %gather3A, %gather3A_162 : vector<16xf32>
      %add3A_164 = arith.addf %scan3A_156, %mul3A_163 : vector<16xf32>
      %add3A_165 = arith.constant 1 : i32
      %add3A_166 = vector.broadcast %add3A_165 : i32 to vector<16xi32>
      %add3A_167 = arith.addi %scan3A_158, %add3A_166 : vector<16xi32>
      %gather3A_168 = tpu.vector_load_idx %arg9[%add3A_77, %add3A_167] : memref<80x128xf32, #tpu.memory_space<vmem>>[vector<16xi32>, vector<16xi32>], vector<16xf32>,
      %gather3A_169 = tpu.vector_load_idx %arg10[%add3A_77, %add3A_167] : memref<80x128xf32, #tpu.memory_space<vmem>>[vector<16xi32>, vector<16xi32>], vector<16xf32>,
      %mul3A_170 = arith.mulf %gather3A_168, %gather3A_169 : vector<16xf32>
      %add3A_171 = arith.addf %scan3A_157, %mul3A_170 : vector<16xf32>
      %add3A_172 = arith.constant 2 : i32
      %add3A_173 = vector.broadcast %add3A_172 : i32 to vector<16xi32>
      %add3A_174 = arith.addi %scan3A_158, %add3A_173 : vector<16xi32>
      %gather3A_175 = tpu.vector_load_idx %arg9[%add3A_77, %add3A_174] : memref<80x128xf32, #tpu.memory_space<vmem>>[vector<16xi32>, vector<16xi32>], vector<16xf32>,
      %gather3A_176 = tpu.vector_load_idx %arg10[%add3A_77, %add3A_174] : memref<80x128xf32, #tpu.memory_space<vmem>>[vector<16xi32>, vector<16xi32>], vector<16xf32>,
      %mul3A_177 = arith.mulf %gather3A_175, %gather3A_176 : vector<16xf32>
      %add3A_178 = arith.addf %add3A_164, %mul3A_177 : vector<16xf32>
      %add3A_179 = arith.constant 3 : i32
      %add3A_180 = vector.broadcast %add3A_179 : i32 to vector<16xi32>
      %add3A_181 = arith.addi %scan3A_158, %add3A_180 : vector<16xi32>
      %gather3A_182 = tpu.vector_load_idx %arg9[%add3A_77, %add3A_181] : memref<80x128xf32, #tpu.memory_space<vmem>>[vector<16xi32>, vector<16xi32>], vector<16xf32>,
      %gather3A_183 = tpu.vector_load_idx %arg10[%add3A_77, %add3A_181] : memref<80x128xf32, #tpu.memory_space<vmem>>[vector<16xi32>, vector<16xi32>], vector<16xf32>,
      %mul3A_184 = arith.mulf %gather3A_182, %gather3A_183 : vector<16xf32>
      %add3A_185 = arith.addf %add3A_171, %mul3A_184 : vector<16xf32>
      %add3A_186 = arith.constant 4 : i32
      %add3A_187 = vector.broadcast %add3A_186 : i32 to vector<16xi32>
      %add3A_188 = arith.addi %scan3A_158, %add3A_187 : vector<16xi32>
      %gather3A_189 = tpu.vector_load_idx %arg9[%add3A_77, %add3A_188] : memref<80x128xf32, #tpu.memory_space<vmem>>[vector<16xi32>, vector<16xi32>], vector<16xf32>,
      %gather3A_190 = tpu.vector_load_idx %arg10[%add3A_77, %add3A_188] : memref<80x128xf32, #tpu.memory_space<vmem>>[vector<16xi32>, vector<16xi32>], vector<16xf32>,
      %mul3A_191 = arith.mulf %gather3A_189, %gather3A_190 : vector<16xf32>
      %add3A_192 = arith.addf %add3A_178, %mul3A_191 : vector<16xf32>
      %add3A_193 = arith.constant 5 : i32
      %add3A_194 = vector.broadcast %add3A_193 : i32 to vector<16xi32>
      %add3A_195 = arith.addi %scan3A_158, %add3A_194 : vector<16xi32>
      %gather3A_196 = tpu.vector_load_idx %arg9[%add3A_77, %add3A_195] : memref<80x128xf32, #tpu.memory_space<vmem>>[vector<16xi32>, vector<16xi32>], vector<16xf32>,
      %gather3A_197 = tpu.vector_load_idx %arg10[%add3A_77, %add3A_195] : memref<80x128xf32, #tpu.memory_space<vmem>>[vector<16xi32>, vector<16xi32>], vector<16xf32>,
      %mul3A_198 = arith.mulf %gather3A_196, %gather3A_197 : vector<16xf32>
      %add3A_199 = arith.addf %add3A_185, %mul3A_198 : vector<16xf32>
      %add3A_200 = arith.constant 6 : i32
      %add3A_201 = vector.broadcast %add3A_200 : i32 to vector<16xi32>
      %add3A_202 = arith.addi %scan3A_158, %add3A_201 : vector<16xi32>
      %gather3A_203 = tpu.vector_load_idx %arg9[%add3A_77, %add3A_202] : memref<80x128xf32, #tpu.memory_space<vmem>>[vector<16xi32>, vector<16xi32>], vector<16xf32>,
      %gather3A_204 = tpu.vector_load_idx %arg10[%add3A_77, %add3A_202] : memref<80x128xf32, #tpu.memory_space<vmem>>[vector<16xi32>, vector<16xi32>], vector<16xf32>,
      %mul3A_205 = arith.mulf %gather3A_203, %gather3A_204 : vector<16xf32>
      %add3A_206 = arith.addf %add3A_192, %mul3A_205 : vector<16xf32>
      %add3A_207 = arith.constant 7 : i32
      %add3A_208 = vector.broadcast %add3A_207 : i32 to vector<16xi32>
      %add3A_209 = arith.addi %scan3A_158, %add3A_208 : vector<16xi32>
      %gather3A_210 = tpu.vector_load_idx %arg9[%add3A_77, %add3A_209] : memref<80x128xf32, #tpu.memory_space<vmem>>[vector<16xi32>, vector<16xi32>], vector<16xf32>,
      %gather3A_211 = tpu.vector_load_idx %arg10[%add3A_77, %add3A_209] : memref<80x128xf32, #tpu.memory_space<vmem>>[vector<16xi32>, vector<16xi32>], vector<16xf32>,
      %mul3A_212 = arith.mulf %gather3A_210, %gather3A_211 : vector<16xf32>
      %add3A_213 = arith.addf %add3A_199, %mul3A_212 : vector<16xf32>
      %add3A_214 = arith.constant 8 : i32
      %add3A_215 = vector.broadcast %add3A_214 : i32 to vector<16xi32>
      %add3A_216 = arith.addi %scan3A_158, %add3A_215 : vector<16xi32>
      scf.yield %add3A_206, %add3A_213, %add3A_216 : vector<16xf32>, vector<16xf32>, vector<16xi32>
    }
    %scan3A_87 = arith.constant 16 : i32
    %add3A_88 = arith.addf %scan3A_86#0, %scan3A_86#1 : vector<16xf32>
    %neg3A_89 = arith.constant 0.000000e+00 : f32
    %neg3A_90 = vector.broadcast %neg3A_89 : f32 to vector<16xf32>
    %neg3A_91 = arith.subf %neg3A_90, %add3A_88 : vector<16xf32>
    %exp3A_92 = math.exp %neg3A_91 : vector<16xf32>
    %add3A_93 = arith.constant 1.000000e+00 : f32
    %add3A_94 = vector.broadcast %add3A_93 : f32 to vector<16xf32>
    %add3A_95 = arith.addf %add3A_94, %exp3A_92 : vector<16xf32>
    %div3A_96 = arith.constant 1.000000e+00 : f32
    %div3A_97 = vector.broadcast %div3A_96 : f32 to vector<16xf32>
    %div3A_98 = arith.divf %div3A_97, %add3A_95 : vector<16xf32>
    %swap3A_99 = arith.constant 9952 : index
    %swap3A_100 = tpu.vector_load %arg13[%swap3A_99] {strides = array<i32>} : memref<10000xf32, #tpu.memory_space<vmem>>, vector<16xf32>,
    tpu.vector_store %arg13[%swap3A_99], %div3A_98 {strides = array<i32>} : memref<10000xf32, #tpu.memory_space<vmem>>, vector<16xf32>,
    %iota3A_101 = tpu.iota {dimensions = array<i32: 0>} : vector<16xi32>
    %add3A_102 = arith.constant 48 : i32
    %add3A_103 = vector.broadcast %add3A_102 : i32 to vector<16xi32>
    %add3A_104 = arith.addi %iota3A_101, %add3A_103 : vector<16xi32>
    %broadcast_in_dim3A_105 = arith.constant 0.000000e+00 : f32
    %broadcast_in_dim3A_106 = vector.broadcast %broadcast_in_dim3A_105 : f32 to vector<16xf32>
    %broadcast_in_dim3A_107 = arith.constant 0 : i32
    %broadcast_in_dim3A_108 = vector.broadcast %broadcast_in_dim3A_107 : i32 to vector<16xi32>
    %scan3A_109 = arith.constant 0 : i32
    %scan3A_110 = arith.constant 16 : i32
    %scan3A_111 = arith.addi %scan3A_109, %scan3A_110 : i32
    %scan3A_112 = arith.constant 1 : i32
    %scan3A_113:3 = scf.for %scan3A_155 = %scan3A_109 to %scan3A_111 step %scan3A_112 iter_args(%scan3A_156 = %broadcast_in_dim3A_106, %scan3A_157 = %broadcast_in_dim3A_106, %scan3A_158 = %broadcast_in_dim3A_108) -> (vector<16xf32>, vector<16xf32>, vector<16xi32>)  : i32 {
      %add3A_159 = arith.constant 0 : i32
      %add3A_160 = vector.broadcast %add3A_159 : i32 to vector<16xi32>
      %add3A_161 = arith.addi %scan3A_158, %add3A_160 : vector<16xi32>
      %gather3A = tpu.vector_load_idx %arg9[%add3A_104, %add3A_161] : memref<80x128xf32, #tpu.memory_space<vmem>>[vector<16xi32>, vector<16xi32>], vector<16xf32>,
      %gather3A_162 = tpu.vector_load_idx %arg10[%add3A_104, %add3A_161] : memref<80x128xf32, #tpu.memory_space<vmem>>[vector<16xi32>, vector<16xi32>], vector<16xf32>,
      %mul3A_163 = arith.mulf %gather3A, %gather3A_162 : vector<16xf32>
      %add3A_164 = arith.addf %scan3A_156, %mul3A_163 : vector<16xf32>
      %add3A_165 = arith.constant 1 : i32
      %add3A_166 = vector.broadcast %add3A_165 : i32 to vector<16xi32>
      %add3A_167 = arith.addi %scan3A_158, %add3A_166 : vector<16xi32>
      %gather3A_168 = tpu.vector_load_idx %arg9[%add3A_104, %add3A_167] : memref<80x128xf32, #tpu.memory_space<vmem>>[vector<16xi32>, vector<16xi32>], vector<16xf32>,
      %gather3A_169 = tpu.vector_load_idx %arg10[%add3A_104, %add3A_167] : memref<80x128xf32, #tpu.memory_space<vmem>>[vector<16xi32>, vector<16xi32>], vector<16xf32>,
      %mul3A_170 = arith.mulf %gather3A_168, %gather3A_169 : vector<16xf32>
      %add3A_171 = arith.addf %scan3A_157, %mul3A_170 : vector<16xf32>
      %add3A_172 = arith.constant 2 : i32
      %add3A_173 = vector.broadcast %add3A_172 : i32 to vector<16xi32>
      %add3A_174 = arith.addi %scan3A_158, %add3A_173 : vector<16xi32>
      %gather3A_175 = tpu.vector_load_idx %arg9[%add3A_104, %add3A_174] : memref<80x128xf32, #tpu.memory_space<vmem>>[vector<16xi32>, vector<16xi32>], vector<16xf32>,
      %gather3A_176 = tpu.vector_load_idx %arg10[%add3A_104, %add3A_174] : memref<80x128xf32, #tpu.memory_space<vmem>>[vector<16xi32>, vector<16xi32>], vector<16xf32>,
      %mul3A_177 = arith.mulf %gather3A_175, %gather3A_176 : vector<16xf32>
      %add3A_178 = arith.addf %add3A_164, %mul3A_177 : vector<16xf32>
      %add3A_179 = arith.constant 3 : i32
      %add3A_180 = vector.broadcast %add3A_179 : i32 to vector<16xi32>
      %add3A_181 = arith.addi %scan3A_158, %add3A_180 : vector<16xi32>
      %gather3A_182 = tpu.vector_load_idx %arg9[%add3A_104, %add3A_181] : memref<80x128xf32, #tpu.memory_space<vmem>>[vector<16xi32>, vector<16xi32>], vector<16xf32>,
      %gather3A_183 = tpu.vector_load_idx %arg10[%add3A_104, %add3A_181] : memref<80x128xf32, #tpu.memory_space<vmem>>[vector<16xi32>, vector<16xi32>], vector<16xf32>,
      %mul3A_184 = arith.mulf %gather3A_182, %gather3A_183 : vector<16xf32>
      %add3A_185 = arith.addf %add3A_171, %mul3A_184 : vector<16xf32>
      %add3A_186 = arith.constant 4 : i32
      %add3A_187 = vector.broadcast %add3A_186 : i32 to vector<16xi32>
      %add3A_188 = arith.addi %scan3A_158, %add3A_187 : vector<16xi32>
      %gather3A_189 = tpu.vector_load_idx %arg9[%add3A_104, %add3A_188] : memref<80x128xf32, #tpu.memory_space<vmem>>[vector<16xi32>, vector<16xi32>], vector<16xf32>,
      %gather3A_190 = tpu.vector_load_idx %arg10[%add3A_104, %add3A_188] : memref<80x128xf32, #tpu.memory_space<vmem>>[vector<16xi32>, vector<16xi32>], vector<16xf32>,
      %mul3A_191 = arith.mulf %gather3A_189, %gather3A_190 : vector<16xf32>
      %add3A_192 = arith.addf %add3A_178, %mul3A_191 : vector<16xf32>
      %add3A_193 = arith.constant 5 : i32
      %add3A_194 = vector.broadcast %add3A_193 : i32 to vector<16xi32>
      %add3A_195 = arith.addi %scan3A_158, %add3A_194 : vector<16xi32>
      %gather3A_196 = tpu.vector_load_idx %arg9[%add3A_104, %add3A_195] : memref<80x128xf32, #tpu.memory_space<vmem>>[vector<16xi32>, vector<16xi32>], vector<16xf32>,
      %gather3A_197 = tpu.vector_load_idx %arg10[%add3A_104, %add3A_195] : memref<80x128xf32, #tpu.memory_space<vmem>>[vector<16xi32>, vector<16xi32>], vector<16xf32>,
      %mul3A_198 = arith.mulf %gather3A_196, %gather3A_197 : vector<16xf32>
      %add3A_199 = arith.addf %add3A_185, %mul3A_198 : vector<16xf32>
      %add3A_200 = arith.constant 6 : i32
      %add3A_201 = vector.broadcast %add3A_200 : i32 to vector<16xi32>
      %add3A_202 = arith.addi %scan3A_158, %add3A_201 : vector<16xi32>
      %gather3A_203 = tpu.vector_load_idx %arg9[%add3A_104, %add3A_202] : memref<80x128xf32, #tpu.memory_space<vmem>>[vector<16xi32>, vector<16xi32>], vector<16xf32>,
      %gather3A_204 = tpu.vector_load_idx %arg10[%add3A_104, %add3A_202] : memref<80x128xf32, #tpu.memory_space<vmem>>[vector<16xi32>, vector<16xi32>], vector<16xf32>,
      %mul3A_205 = arith.mulf %gather3A_203, %gather3A_204 : vector<16xf32>
      %add3A_206 = arith.addf %add3A_192, %mul3A_205 : vector<16xf32>
      %add3A_207 = arith.constant 7 : i32
      %add3A_208 = vector.broadcast %add3A_207 : i32 to vector<16xi32>
      %add3A_209 = arith.addi %scan3A_158, %add3A_208 : vector<16xi32>
      %gather3A_210 = tpu.vector_load_idx %arg9[%add3A_104, %add3A_209] : memref<80x128xf32, #tpu.memory_space<vmem>>[vector<16xi32>, vector<16xi32>], vector<16xf32>,
      %gather3A_211 = tpu.vector_load_idx %arg10[%add3A_104, %add3A_209] : memref<80x128xf32, #tpu.memory_space<vmem>>[vector<16xi32>, vector<16xi32>], vector<16xf32>,
      %mul3A_212 = arith.mulf %gather3A_210, %gather3A_211 : vector<16xf32>
      %add3A_213 = arith.addf %add3A_199, %mul3A_212 : vector<16xf32>
      %add3A_214 = arith.constant 8 : i32
      %add3A_215 = vector.broadcast %add3A_214 : i32 to vector<16xi32>
      %add3A_216 = arith.addi %scan3A_158, %add3A_215 : vector<16xi32>
      scf.yield %add3A_206, %add3A_213, %add3A_216 : vector<16xf32>, vector<16xf32>, vector<16xi32>
    }
    %scan3A_114 = arith.constant 16 : i32
    %add3A_115 = arith.addf %scan3A_113#0, %scan3A_113#1 : vector<16xf32>
    %neg3A_116 = arith.constant 0.000000e+00 : f32
    %neg3A_117 = vector.broadcast %neg3A_116 : f32 to vector<16xf32>
    %neg3A_118 = arith.subf %neg3A_117, %add3A_115 : vector<16xf32>
    %exp3A_119 = math.exp %neg3A_118 : vector<16xf32>
    %add3A_120 = arith.constant 1.000000e+00 : f32
    %add3A_121 = vector.broadcast %add3A_120 : f32 to vector<16xf32>
    %add3A_122 = arith.addf %add3A_121, %exp3A_119 : vector<16xf32>
    %div3A_123 = arith.constant 1.000000e+00 : f32
    %div3A_124 = vector.broadcast %div3A_123 : f32 to vector<16xf32>
    %div3A_125 = arith.divf %div3A_124, %add3A_122 : vector<16xf32>
    %swap3A_126 = arith.constant 9968 : index
    %swap3A_127 = tpu.vector_load %arg13[%swap3A_126] {strides = array<i32>} : memref<10000xf32, #tpu.memory_space<vmem>>, vector<16xf32>,
    tpu.vector_store %arg13[%swap3A_126], %div3A_125 {strides = array<i32>} : memref<10000xf32, #tpu.memory_space<vmem>>, vector<16xf32>,
    %iota3A_128 = tpu.iota {dimensions = array<i32: 0>} : vector<16xi32>
    %add3A_129 = arith.constant 64 : i32
    %add3A_130 = vector.broadcast %add3A_129 : i32 to vector<16xi32>
    %add3A_131 = arith.addi %iota3A_128, %add3A_130 : vector<16xi32>
    %broadcast_in_dim3A_132 = arith.constant 0.000000e+00 : f32
    %broadcast_in_dim3A_133 = vector.broadcast %broadcast_in_dim3A_132 : f32 to vector<16xf32>
    %broadcast_in_dim3A_134 = arith.constant 0 : i32
    %broadcast_in_dim3A_135 = vector.broadcast %broadcast_in_dim3A_134 : i32 to vector<16xi32>
    %scan3A_136 = arith.constant 0 : i32
    %scan3A_137 = arith.constant 16 : i32
    %scan3A_138 = arith.addi %scan3A_136, %scan3A_137 : i32
    %scan3A_139 = arith.constant 1 : i32
    %scan3A_140:3 = scf.for %scan3A_155 = %scan3A_136 to %scan3A_138 step %scan3A_139 iter_args(%scan3A_156 = %broadcast_in_dim3A_133, %scan3A_157 = %broadcast_in_dim3A_133, %scan3A_158 = %broadcast_in_dim3A_135) -> (vector<16xf32>, vector<16xf32>, vector<16xi32>)  : i32 {
      %add3A_159 = arith.constant 0 : i32
      %add3A_160 = vector.broadcast %add3A_159 : i32 to vector<16xi32>
      %add3A_161 = arith.addi %scan3A_158, %add3A_160 : vector<16xi32>
      %gather3A = tpu.vector_load_idx %arg9[%add3A_131, %add3A_161] : memref<80x128xf32, #tpu.memory_space<vmem>>[vector<16xi32>, vector<16xi32>], vector<16xf32>,
      %gather3A_162 = tpu.vector_load_idx %arg10[%add3A_131, %add3A_161] : memref<80x128xf32, #tpu.memory_space<vmem>>[vector<16xi32>, vector<16xi32>], vector<16xf32>,
      %mul3A_163 = arith.mulf %gather3A, %gather3A_162 : vector<16xf32>
      %add3A_164 = arith.addf %scan3A_156, %mul3A_163 : vector<16xf32>
      %add3A_165 = arith.constant 1 : i32
      %add3A_166 = vector.broadcast %add3A_165 : i32 to vector<16xi32>
      %add3A_167 = arith.addi %scan3A_158, %add3A_166 : vector<16xi32>
      %gather3A_168 = tpu.vector_load_idx %arg9[%add3A_131, %add3A_167] : memref<80x128xf32, #tpu.memory_space<vmem>>[vector<16xi32>, vector<16xi32>], vector<16xf32>,
      %gather3A_169 = tpu.vector_load_idx %arg10[%add3A_131, %add3A_167] : memref<80x128xf32, #tpu.memory_space<vmem>>[vector<16xi32>, vector<16xi32>], vector<16xf32>,
      %mul3A_170 = arith.mulf %gather3A_168, %gather3A_169 : vector<16xf32>
      %add3A_171 = arith.addf %scan3A_157, %mul3A_170 : vector<16xf32>
      %add3A_172 = arith.constant 2 : i32
      %add3A_173 = vector.broadcast %add3A_172 : i32 to vector<16xi32>
      %add3A_174 = arith.addi %scan3A_158, %add3A_173 : vector<16xi32>
      %gather3A_175 = tpu.vector_load_idx %arg9[%add3A_131, %add3A_174] : memref<80x128xf32, #tpu.memory_space<vmem>>[vector<16xi32>, vector<16xi32>], vector<16xf32>,
      %gather3A_176 = tpu.vector_load_idx %arg10[%add3A_131, %add3A_174] : memref<80x128xf32, #tpu.memory_space<vmem>>[vector<16xi32>, vector<16xi32>], vector<16xf32>,
      %mul3A_177 = arith.mulf %gather3A_175, %gather3A_176 : vector<16xf32>
      %add3A_178 = arith.addf %add3A_164, %mul3A_177 : vector<16xf32>
      %add3A_179 = arith.constant 3 : i32
      %add3A_180 = vector.broadcast %add3A_179 : i32 to vector<16xi32>
      %add3A_181 = arith.addi %scan3A_158, %add3A_180 : vector<16xi32>
      %gather3A_182 = tpu.vector_load_idx %arg9[%add3A_131, %add3A_181] : memref<80x128xf32, #tpu.memory_space<vmem>>[vector<16xi32>, vector<16xi32>], vector<16xf32>,
      %gather3A_183 = tpu.vector_load_idx %arg10[%add3A_131, %add3A_181] : memref<80x128xf32, #tpu.memory_space<vmem>>[vector<16xi32>, vector<16xi32>], vector<16xf32>,
      %mul3A_184 = arith.mulf %gather3A_182, %gather3A_183 : vector<16xf32>
      %add3A_185 = arith.addf %add3A_171, %mul3A_184 : vector<16xf32>
      %add3A_186 = arith.constant 4 : i32
      %add3A_187 = vector.broadcast %add3A_186 : i32 to vector<16xi32>
      %add3A_188 = arith.addi %scan3A_158, %add3A_187 : vector<16xi32>
      %gather3A_189 = tpu.vector_load_idx %arg9[%add3A_131, %add3A_188] : memref<80x128xf32, #tpu.memory_space<vmem>>[vector<16xi32>, vector<16xi32>], vector<16xf32>,
      %gather3A_190 = tpu.vector_load_idx %arg10[%add3A_131, %add3A_188] : memref<80x128xf32, #tpu.memory_space<vmem>>[vector<16xi32>, vector<16xi32>], vector<16xf32>,
      %mul3A_191 = arith.mulf %gather3A_189, %gather3A_190 : vector<16xf32>
      %add3A_192 = arith.addf %add3A_178, %mul3A_191 : vector<16xf32>
      %add3A_193 = arith.constant 5 : i32
      %add3A_194 = vector.broadcast %add3A_193 : i32 to vector<16xi32>
      %add3A_195 = arith.addi %scan3A_158, %add3A_194 : vector<16xi32>
      %gather3A_196 = tpu.vector_load_idx %arg9[%add3A_131, %add3A_195] : memref<80x128xf32, #tpu.memory_space<vmem>>[vector<16xi32>, vector<16xi32>], vector<16xf32>,
      %gather3A_197 = tpu.vector_load_idx %arg10[%add3A_131, %add3A_195] : memref<80x128xf32, #tpu.memory_space<vmem>>[vector<16xi32>, vector<16xi32>], vector<16xf32>,
      %mul3A_198 = arith.mulf %gather3A_196, %gather3A_197 : vector<16xf32>
      %add3A_199 = arith.addf %add3A_185, %mul3A_198 : vector<16xf32>
      %add3A_200 = arith.constant 6 : i32
      %add3A_201 = vector.broadcast %add3A_200 : i32 to vector<16xi32>
      %add3A_202 = arith.addi %scan3A_158, %add3A_201 : vector<16xi32>
      %gather3A_203 = tpu.vector_load_idx %arg9[%add3A_131, %add3A_202] : memref<80x128xf32, #tpu.memory_space<vmem>>[vector<16xi32>, vector<16xi32>], vector<16xf32>,
      %gather3A_204 = tpu.vector_load_idx %arg10[%add3A_131, %add3A_202] : memref<80x128xf32, #tpu.memory_space<vmem>>[vector<16xi32>, vector<16xi32>], vector<16xf32>,
      %mul3A_205 = arith.mulf %gather3A_203, %gather3A_204 : vector<16xf32>
      %add3A_206 = arith.addf %add3A_192, %mul3A_205 : vector<16xf32>
      %add3A_207 = arith.constant 7 : i32
      %add3A_208 = vector.broadcast %add3A_207 : i32 to vector<16xi32>
      %add3A_209 = arith.addi %scan3A_158, %add3A_208 : vector<16xi32>
      %gather3A_210 = tpu.vector_load_idx %arg9[%add3A_131, %add3A_209] : memref<80x128xf32, #tpu.memory_space<vmem>>[vector<16xi32>, vector<16xi32>], vector<16xf32>,
      %gather3A_211 = tpu.vector_load_idx %arg10[%add3A_131, %add3A_209] : memref<80x128xf32, #tpu.memory_space<vmem>>[vector<16xi32>, vector<16xi32>], vector<16xf32>,
      %mul3A_212 = arith.mulf %gather3A_210, %gather3A_211 : vector<16xf32>
      %add3A_213 = arith.addf %add3A_199, %mul3A_212 : vector<16xf32>
      %add3A_214 = arith.constant 8 : i32
      %add3A_215 = vector.broadcast %add3A_214 : i32 to vector<16xi32>
      %add3A_216 = arith.addi %scan3A_158, %add3A_215 : vector<16xi32>
      scf.yield %add3A_206, %add3A_213, %add3A_216 : vector<16xf32>, vector<16xf32>, vector<16xi32>
    }
    %scan3A_141 = arith.constant 16 : i32
    %add3A_142 = arith.addf %scan3A_140#0, %scan3A_140#1 : vector<16xf32>
    %neg3A_143 = arith.constant 0.000000e+00 : f32
    %neg3A_144 = vector.broadcast %neg3A_143 : f32 to vector<16xf32>
    %neg3A_145 = arith.subf %neg3A_144, %add3A_142 : vector<16xf32>
    %exp3A_146 = math.exp %neg3A_145 : vector<16xf32>
    %add3A_147 = arith.constant 1.000000e+00 : f32
    %add3A_148 = vector.broadcast %add3A_147 : f32 to vector<16xf32>
    %add3A_149 = arith.addf %add3A_148, %exp3A_146 : vector<16xf32>
    %div3A_150 = arith.constant 1.000000e+00 : f32
    %div3A_151 = vector.broadcast %div3A_150 : f32 to vector<16xf32>
    %div3A_152 = arith.divf %div3A_151, %add3A_149 : vector<16xf32>
    %swap3A_153 = arith.constant 9984 : index
    %swap3A_154 = tpu.vector_load %arg13[%swap3A_153] {strides = array<i32>} : memref<10000xf32, #tpu.memory_space<vmem>>, vector<16xf32>,
    tpu.vector_store %arg13[%swap3A_153], %div3A_152 {strides = array<i32>} : memref<10000xf32, #tpu.memory_space<vmem>>, vector<16xf32>,
    "tpu.region"() ({
      %run_scoped3A = tpu.sem_alloc : memref<!tpu.dma_semaphore, #tpu.memory_space<semaphore_mem>>
      %dma_start3A_155 = tpu.memref_slice %arg6[%mul3A_2] : memref<320000xf32, #tpu.memory_space<hbm>> -> memref<10000xf32, #tpu.memory_space<hbm>>
      %dma_start3A_156 = tpu.memref_slice %arg6[%mul3A_2] : memref<320000xf32, #tpu.memory_space<hbm>> -> memref<10000xf32, #tpu.memory_space<hbm>>
      tpu.enqueue_dma source(%arg13 : memref<10000xf32, #tpu.memory_space<vmem>>) target(%dma_start3A_156 : memref<10000xf32, #tpu.memory_space<hbm>>) target_semaphore(%run_scoped3A : memref<!tpu.dma_semaphore, #tpu.memory_space<semaphore_mem>>)
      %dma_wait3A_157 = tpu.memref_slice %arg6[%mul3A_2] : memref<320000xf32, #tpu.memory_space<hbm>> -> memref<10000xf32, #tpu.memory_space<hbm>>
      %dma_wait3A_158 = tpu.memref_slice %arg6[%mul3A_2] : memref<320000xf32, #tpu.memory_space<hbm>> -> memref<10000xf32, #tpu.memory_space<hbm>>
      tpu.wait_dma2 semaphore(%run_scoped3A : memref<!tpu.dma_semaphore, #tpu.memory_space<semaphore_mem>>) src(%arg13 : memref<10000xf32, #tpu.memory_space<vmem>>) dst(%dma_wait3A_158 : memref<10000xf32, #tpu.memory_space<hbm>>)
      tpu.yield
    }) : () -> ()
    return
  }
}

</mosaic_0001>

<sc_bundles>
// kernel: _edge_scores.3.cloned.1.call-start
scs
__scs_entry_jumppad:
0x0: {  	(pc) =	sbr.rel $0x88, $3  }
0x1: {  	(tag) =	ssettag $0x0;
	lr =	simm.s32 $0x1  }
0x2: {  	[smem:$0x3F9D] =	sst lr;
	_ =	strace $0xD0000000  }
0x3: {  	_ = 	snop  }
0x4: {  	_ = 	snop  }
0x5: {  	_ = 	snop  }
0x6: {  	_ = 	snop  }
0x7: {  	_ = 	snop  }
__scs_overlays_trampoline_lowered:
0x8: {  	[smem:$0x3FAC] =	sst s0  }
0x9: {  	[smem:$0x3FAD] =	sst s1  }
0xa: {  	[smem:$0x3FAE] =	sst s2  }
0xb: {  	[smem:$0x3FAF] =	sst s3  }
0xc: {  	[smem:$0x3FB0] =	sst s4  }
0xd: {  	[smem:$0x3FB1] =	sst s5  }
0xe: {  	[smem:$0x3FB2] =	sst s6  }
0xf: {  	[smem:$0x3FB3] =	sst s7  }
0x10: {  	[smem:$0x3FB4] =	sst s8  }
0x11: {  	[smem:$0x3FB5] =	sst s9;
	s0 =	simm.s32 @!p0 $0x0  }
0x12: {  	s1 =	sld [smem:$0x3F9B];
	s0 =	simm.s32 @p0 $0x1  }
0x13: {  	[smem:$0x3FB6] =	sst s0;
	s0 =	simm.s32 @!p1 $0x0  }
0x14: {  	s2 =	sld [smem:$0x3F9A];
	s0 =	simm.s32 @p1 $0x1  }
0x15: {  	[smem:$0x3FB7] =	sst s0;
	s0 =	simm.s32 @!p2 $0x0  }
0x16: {  	s3 =	sld [smem:$0x3FDB];
	s0 =	simm.s32 @p2 $0x1  }
0x17: {  	s4 =	simm.s32 $0x1BF5;
	[smem:$0x3FB9] =	sst s0  }
0x18: {  	s0 =	sld [smem:$0x3F9C];
	_ =	swait.ge [sflag:s4], $0x0  }
0x19: {  	s7 =	sld [smem:$0x3F9D]  }
0x1a: {  	s8 =	sadd.s32 $0xFFFFE003, lr  }
0x1b: {  	s9 =	sadd.s32 $0xFFFFFEF7, lr;
	s5 =	simm.s32 $0xFFFFFFFF;
	p2 =	slt.u32 s8, $0xFFFFF086  }
0x1c: {  	p1 =	slt.u32 s9, $0xF7A;
	s5 =	simm.s32 @!p2 $0x0  }
0x1d: {  	s5 =	simm.s32 @p1 $0x1;
	p0 =	seq.s32 s7, s2  }
0x1e: {  	s7 =	smul.u32 @!p0 $0xF7A, s2;
	p2 =	seq.s32 @!p0 s5, $0x0  }
0x1f: {  	s9 =	smul.u32 $0xF7A, s1;
	s8 =	simm.s32 @!p0 $0x1BF5;
	p2 =	por !p2, p0  }
0x20: {  	[sflag:s8] =	ssyncset.s32 @!p0 $0xFFFFF086;
	s6 =	sadd.s32 @!p0 s3, s7;
	s7 =	simm.s32 @!p0 $0x108  }
0x21: {  	s3 =	sadd.s32 s3, s9;
	s6 =	sadd.s32 @!p0 $0x88, s6;
	s7 =	simm.s32 @p2 $0x1082  }
0x22: {  	[simem:s7], [sflag:s8] =	dma.local @!p0 [hbm:s6], $0xF7A  }
0x23: {  	s9 =	sor.u32 $0xD0000000, s2;
	s6 =	simm.s32 $0x108;
	_ =	swait.ge @!p0 [sflag:s8], $0x0  }
0x24: {  	s3 =	sadd.s32 $0x88, s3;
	s6 =	simm.s32 @!p1 $0x1082;
	[sflag:s4] =	ssyncset.s32 $0xFFFFF086  }
0x25: {  	[simem:s6], [sflag:s4] =	dma.local [hbm:s3], $0xF7A  }
0x26: {  	[smem:$0x3F9D] =	sst s1;
	(tag) =	ssettag s2;
	_ =	strace s9  }
0x27: {  	s1 =	sld [smem:$0x3FAD]  }
0x28: {  	s2 =	sld [smem:$0x3FAE]  }
0x29: {  	s4 =	sld [smem:$0x3FB0]  }
0x2a: {  	p0 =	seq.s32 s5, $0x0;
	s5 =	sld [smem:$0x3FB1]  }
0x2b: {  	s6 =	sld [smem:$0x3FB2]  }
0x2c: {  	s7 =	sld [smem:$0x3FB3]  }
0x2d: {  	s3 =	simm.s32 $0x108;
	s8 =	sld [smem:$0x3FB4]  }
0x2e: {  	s3 =	simm.s32 @!p0 $0x1082;
	s9 =	sld [smem:$0x3FB5]  }
0x2f: {  	lr =	sadd.s32 s0, s3;
	s0 =	sld [smem:$0x3FAC]  }
0x30: {  	s3 =	sld [smem:$0x3FAF]  }
0x31: {  	[smem:$0x3FB8] =	sst s10  }
0x32: {  	s10 =	sld [smem:$0x3FB6];
	_ =	sdelay $0x3  }
0x33: {  	p0 =	seq.s32 s10, $0x1;
	s10 =	sld [smem:$0x3FB8];
	_ =	sdelay $0x3  }
0x34: {  	[smem:$0x3FB8] =	sst s10  }
0x35: {  	s10 =	sld [smem:$0x3FB7];
	_ =	sdelay $0x3  }
0x36: {  	p1 =	seq.s32 s10, $0x1;
	s10 =	sld [smem:$0x3FB8];
	_ =	sdelay $0x3  }
0x37: {  	[smem:$0x3FB8] =	sst s10  }
0x38: {  	s10 =	sld [smem:$0x3FB9]  }
0x39: {  	_ = 	snop;
	(pc) =	sbr.ind lr, $3  }
0x3a: {  	_ = 	snop  }
0x3b: {  	_ = 	snop  }
0x3c: {  	p2 =	seq.s32 s10, $0x1;
	s10 =	sld [smem:$0x3FB8]  }
0x3d: {  	_ =	shalt  }
0x3e: {  	_ =	shalt  }
0x3f: {  	_ =	shalt  }
0x40: {  	_ =	shalt  }
0x41: {  	_ =	shalt  }
0x42: {  	_ =	shalt  }
0x43: {  	_ =	shalt  }
0x44: {  	_ =	shalt  }
0x45: {  	_ =	shalt  }
0x46: {  	_ =	shalt  }
0x47: {  	_ =	shalt  }
0x48: {  	_ =	shalt  }
0x49: {  	_ =	shalt  }
0x4a: {  	_ =	shalt  }
0x4b: {  	_ =	shalt  }
0x4c: {  	_ =	shalt  }
0x4d: {  	_ =	shalt  }
0x4e: {  	_ =	shalt  }
0x4f: {  	_ =	shalt  }
0x50: {  	_ =	shalt  }
0x51: {  	_ =	shalt  }
0x52: {  	_ =	shalt  }
0x53: {  	_ =	shalt  }
0x54: {  	_ =	shalt  }
0x55: {  	_ =	shalt  }
0x56: {  	_ =	shalt  }
0x57: {  	_ =	shalt  }
0x58: {  	_ =	shalt  }
0x59: {  	_ =	shalt  }
0x5a: {  	_ =	shalt  }
0x5b: {  	_ =	shalt  }
0x5c: {  	_ =	shalt  }
0x5d: {  	_ =	shalt  }
0x5e: {  	_ =	shalt  }
0x5f: {  	_ =	shalt  }
0x60: {  	_ =	shalt  }
0x61: {  	_ =	shalt  }
0x62: {  	_ =	shalt  }
0x63: {  	_ =	shalt  }
0x64: {  	_ =	shalt  }
0x65: {  	_ =	shalt  }
0x66: {  	_ =	shalt  }
0x67: {  	_ =	shalt  }
0x68: {  	_ =	shalt  }
0x69: {  	_ =	shalt  }
0x6a: {  	_ =	shalt  }
0x6b: {  	_ =	shalt  }
0x6c: {  	_ =	shalt  }
0x6d: {  	_ =	shalt  }
0x6e: {  	_ =	shalt  }
0x6f: {  	_ =	shalt  }
0x70: {  	_ =	shalt  }
0x71: {  	_ =	shalt  }
0x72: {  	_ =	shalt  }
0x73: {  	_ =	shalt  }
0x74: {  	_ =	shalt  }
0x75: {  	_ =	shalt  }
0x76: {  	_ =	shalt  }
0x77: {  	_ =	shalt  }
0x78: {  	_ =	shalt  }
0x79: {  	_ =	shalt  }
0x7a: {  	_ =	shalt  }
0x7b: {  	_ =	shalt  }
0x7c: {  	_ =	shalt  }
0x7d: {  	_ =	shalt  }
0x7e: {  	_ =	shalt  }
0x7f: {  	_ =	shalt  }
0x80: {  	_ =	shalt  }
0x81: {  	_ =	shalt  }
0x82: {  	_ =	shalt  }
0x83: {  	_ =	shalt  }
0x84: {  	_ =	shalt  }
0x85: {  	_ =	shalt  }
0x86: {  	_ =	shalt  }
0x87: {  	_ =	shalt  }
.Lfunc_end0:
.L_simem_size_0:
called_computation_lowered:
.L_overlay_start_0:
0x88: {  	s2 =	sld [smem:$0x3FD9]  }
0x89: {  	s3 =	sld [smem:$0x3FFE];
	_ =	sdelay $0x1  }
0x8a: {  	s1 =	srdreg.scid  }
0x8b: {  	s0 =	sand.u32 $0x1, s1  }
0x8c: {  	s18 =	sshll.u32 s0, $0xA;
	s2 =	sadd.s32 s3, s2  }
0x8d: {  	s2 =	sadd.s32 s2, s18  }
0x8e: {  	[smem:$0x3FC4] =	sst s2  }
0x8f: {  	_ = 	snop  }
0x90: {  	s2 =	sld [smem:$0x3FC9]  }
0x91: {  	s19 =	sld [smem:$0x3FC8]  }
0x92: {  	s4 =	sld [smem:$0x3FC7]  }
0x93: {  	s5 =	sld [smem:$0x3FC6]  }
0x94: {  	s6 =	sld [smem:$0x3FD0];
	(tm) =	ssettm $0x1  }
0x95: {  	s7 =	sld [smem:$0x3FFB];
	_ =	sdelay $0x3  }
0x96: {  	_ =	strace s7  }
0x97: {  	s7 =	sld [smem:$0x3FFC];
	_ =	sdelay $0x3  }
0x98: {  	_ =	strace s7  }
0x99: {  	s7 =	sld [smem:$0x3FFD];
	_ =	sdelay $0x3  }
0x9a: {  	_ =	strace s7  }
0x9b: {  	_ =	strace $0x8FFFFFFF  }
0x9c: {  	s20 =	sld [smem:$0x3FDB];
	_ =	sdelay $0x1  }
0x9d: {  	s8 =	simm.s32 $_scs_section_size  }
0x9e: {  	s9 =	simm.s32 $_size__tile_overlayer_lowered;
	s10 =	simm.s32 $_tile_overlayer_lowered  }
0x9f: {  	s23 =	simm.s32 $0x1BFF;
	s22 =	sshll.u32 s10, $0x1;
	s7 =	sadd.s32 s8, s20  }
0xa0: {  	s11 =	simm.s32 $0x0;
	s21 =	sshll.u32 s9, $0x1;
	s9 =	sadd.s32 s22, s7  }
0xa1: {  	[timem:s11], [sflag:s23] =	dma.local [hbm:s9], s21  }
0xa2: {  	_ =	swait.ge [sflag:s23], s21  }
0xa3: {  	s8 =	ssub.s32 $0x0, s21;
	[sflag:s23] =	ssyncset.done $0x0  }
0xa4: {  	[sflag:s23] =	ssyncadd.s32 s8;
	_ =	sdelay $0x1  }
0xa5: {  	s24 =	simm.s32 $0x1B8B  }
0xa6: {  	_ =	swait.ge [sflag:s24], $0x1  }
0xa7: {  	[sflag:s24] =	ssyncset.done $0x0  }
0xa8: {  	s25 =	simm.s32 $0x1B8E;
	[sflag:s24] =	ssyncadd.s32 $0xFFFFFFFF  }
0xa9: {  	s26 =	simm.s32 $execute0_lowered;
	[smem:$0x3FD2] =	sst s25  }
0xaa: {  	s8 =	sshll.u32 s26, $0x1;
	_ =	strace $0x80000046;
	[dreg:$0x1] =	wrdreg $0xFFFFFFFF  }
0xab: {  	s28 =	simm.s32 $_size_execute0_lowered;
	s7 =	sadd.s32 s7, s8;
	[dreg:$0x0] =	wrdreg $0x0  }
0xac: {  	s8 =	sshll.u32 s28, $0x1;
	[dreg:$0x2] =	wrdreg s7  }
0xad: {  	[dreg:$0x3] =	wrdreg s8  }
0xae: {  	[dreg:$0x4] =	wrdreg $0xC0  }
0xaf: {  	_ =	task [dreg:s11], $0x5FFFF  }
0xb0: {  	[dreg:$0x1] =	wrdreg $0xFFFFFFFF  }
0xb1: {  	[dreg:$0x0] =	wrdreg $0x60  }
0xb2: {  	[dreg:$0x2] =	wrdreg s2  }
0xb3: {  	[dreg:$0x3] =	wrdreg s19  }
0xb4: {  	[dreg:$0x4] =	wrdreg s4  }
0xb5: {  	[dreg:$0x5] =	wrdreg s5  }
0xb6: {  	[dreg:$0x6] =	wrdreg s6  }
0xb7: {  	[dreg:$0x7] =	wrdreg $0x9  }
0xb8: {  	_ =	task.clear_ibuf [dreg:s11], $0x8FFFF;
	_ =	strace $0x90000046  }
0xb9: {  	s29 =	simm.s32 $0x9;
	_ =	strace $0x80000048  }
0xba: {  	_ =	swait.ge [sflag:s29], $0x1  }
0xbb: {  	[sflag:s29] =	ssyncadd.s32 $0xFFFFFFFF  }
0xbc: {  	_ =	strace $0x90000048  }
0xbd: {  	_ =	sfence  }
0xbe: {  	s30 =	sld [smem:$0x0];
	_ =	sdelay $0x2  }
0xbf: {  	s31 =	sshll.u32 s1, $0xD;
	s1 =	sshrl.u32 s1, $0x2  }
0xc0: {  	s3 =	sand.u32 $0x4000, s31;
	s1 =	sadd.s32 s1, s30  }
0xc1: {  	s0 =	sor.u32 s3, s0;
	s1 =	sshll.u32 s1, $0x11  }
0xc2: {  	s0 =	sor.u32 s1, s0  }
0xc3: {  	s0 =	sadd.s32 $0x8F2B, s0  }
0xc4: {  	[sflag:s0] =	ssyncadd.remote.s32 $0x1  }
0xc5: {  	_ =	sfence.sel $0xFFFF  }
0xc6: {  	[dreg:$0x0] =	wrdreg $0xFFFFFFFF;
	(pc) =	sbr.abs _section_cstart, $3  }
0xc7: {  	[dreg:$0x1] =	wrdreg $0xFFFFFFFF  }
0xc8: {  	_ =	task.clear_ibuf [dreg:s11], $0x2FFFF;
	_ =	strace $0x9FFFFFFF  }
0xc9: {  	(tm) =	ssettm $0x7FFFFFFF  }
tec
execute0_lowered:
.L_overlay_start_1:
0x0: {  	(tag) =	ssettag $0x1  }
0x1: {  	s0 =	rddreg [dreg:$0x0]  }
0x2: {  	s2 =	rddreg [dreg:$0x1]  }
0x3: {  	s5 =	rddreg [dreg:$0x2]  }
0x4: {  	s6 =	rddreg [dreg:$0x3]  }
0x5: {  	s7 =	rddreg [dreg:$0x4];
	s4 =	srdreg.scid  }
0x6: {  	s3 =	stileid.u32;
	s1 =	rddreg [dreg:$0x5];
	s11 =	simm.s32 $0x50  }
0x7: {  	s12 =	simm.s32 $0x4F00;
	s13 =	simm.s32 $0x7700;
	s14 =	simm.s32 $0x9F00  }
0x8: {  	s15 =	simm.s32 $0xC700;
	s16 =	simm.s32 $0x1;
	s17 =	simm.s32 $0x2  }
0x9: {  	s18 =	simm.s32 $0xEF00;
	s8 =	sand.u32 $0x1, s4;
	s9 =	sshll.u32 s3, $0x1  }
0xa: {  	v0 =	vlaneseq.u32;
	s4 =	simm.s32 $0x0;
	s10 =	ssub.s32 $0x2, s8;
	s8 =	sor.u32 s8, s9  }
0xb: {  	v0 =	vmul.u32 $0x80, v0;
	[smem:$0x7FF] =	sst s4;
	s31 =	sshrl.u32 s10, $0x1;
	s8 =	smul.u32 $0x4E2, s8  }
0xc: {  	s19 =	simm.s32 $0x0;
	_ =	strace $0x80000047;
	s9 =	ssub.s32 s10, s31  }
0xd: {  	v1 =	vor.u32 $0x800, v0;
	s10 =	simm.s32 $0x2780;
	s5 =	sadd.s32 s5, s8;
	s6 =	sadd.s32 s6, s8  }
0xe: {  	v2 =	vor.u32 $0x1000, v0;
	v3 =	vor.u32 $0x1800, v0;
	v4 =	vor.u32 $0x2000, v0;
	s7 =	sadd.s32 s7, s8;
	s8 =	smax.u32 s9, $0x1;
	s9 =	simm.s32 $0x3  }
.LBB2_1:
0xf: {  	[tilespmem:s4], [sflag:$0x3] =	stream.linear.gather [hbm4b:s5+s4], $0x2710, $0x38;
	[tilespmem:$0x11680] =	vst v63  }
0x10: {  	_ =	swait.ge [sflag:s9], $0x2710  }
0x11: {  	[sflag:s9] =	ssyncset.done $0x0  }
0x12: {  	[sflag:s9] =	ssyncadd.s32 $0xFFFFD8F0  }
0x13: {  	[tilespmem:s10], [sflag:$0x3] =	stream.linear.gather [hbm4b:s6+s4], $0x2710, $0x38;
	[tilespmem:$0x11680] =	vst v63  }
0x14: {  	_ =	swait.ge [sflag:s9], $0x2710  }
0x15: {  	[sflag:s9] =	ssyncset.done $0x0  }
0x16: {  	[sflag:s9] =	ssyncadd.s32 $0xFFFFD8F0  }
0x17: {  	[tilespmem:s12], [sflag:$0x1] =	stream.indirect.gather [hbm4b:s0+s11], $0x80, s4, s11, $0xb8;
	[tilespmem:$0x11680] =	vst v63  }
0x18: {  	s20 =	simm.s32 $0x0  }
0x19: {  	[tilespmem:s13], [sflag:$0x1] =	stream.indirect.gather [hbm4b:s2+s11], $0x80, s10, s11, $0xb8;
	[tilespmem:$0x11680] =	vst v63  }
.LBB2_2:
0x1a: {  	s21 =	smul.u32 $0xA0, s20;
	_ =	sdelay $0x1  }
0x1b: {  	s22 =	sadd.s32 $0x50, s21  }
0x1c: {  	[tilespmem:s14], [sflag:$0x2] =	stream.indirect.gather [hbm4b:s0+s11], $0x80, s22, s11, $0xb8;
	[tilespmem:$0x11680] =	vst v63  }
0x1d: {  	s23 =	sadd.s32 $0x27D0, s21  }
0x1e: {  	v6 =	vimm.s32 $0x0;
	[tilespmem:s15], [sflag:$0x2] =	stream.indirect.gather [hbm4b:s2+s11], $0x80, s23, s11, $0xb8;
	[tilespmem:$0x11680] =	vst v63  }
0x1f: {  	v5 =	vand.u32 $0xFFFFFFF8, v6;
	_ =	swait.ge [sflag:s16], $0x2800  }
0x20: {  	v8 =	vadd.s32 v0, v5;
	[sflag:s16] =	ssyncset.done $0x0  }
0x21: {  	[sflag:s16] =	ssyncadd.s32 $0xFFFFD800  }
0x22: {  	v7 =	vor.u32 $0x6, v8;
	_ =	swait.ge [sflag:s16], $0x2800  }
0x23: {  	[sflag:s16] =	ssyncset.done $0x0  }
0x24: {  	v9 =	vor.u32 $0x4, v8;
	[sflag:s16] =	ssyncadd.s32 $0xFFFFD800  }
0x25: {  	v12 =	vld.idx.msk [tilespmem:v8+s12+$0x0], $0xffff  }
0x26: {  	v10 =	vor.u32 $0x2, v8;
	v14 =	vld.idx.msk [tilespmem:v8+s13+$0x0], $0xffff  }
0x27: {  	v5 =	vld.idx.msk [tilespmem:v7+s12+$0x0], $0xffff  }
0x28: {  	v11 =	vor.u32 $0x1, v8;
	v7 =	vld.idx.msk [tilespmem:v7+s13+$0x0], $0xffff  }
0x29: {  	v21 =	vld.idx.msk [tilespmem:v9+s12+$0x0], $0xffff  }
0x2a: {  	v13 =	vor.u32 $0x3, v8;
	v25 =	vld.idx.msk [tilespmem:v9+s13+$0x0], $0xffff  }
0x2b: {  	v9 =	vld.idx.msk [tilespmem:v10+s12+$0x0], $0xffff  }
0x2c: {  	v15 =	vor.u32 $0x5, v8;
	v19 =	vld.idx.msk [tilespmem:v10+s13+$0x0], $0xffff  }
0x2d: {  	v16 =	vld.idx.msk [tilespmem:v11+s12+$0x0], $0xffff  }
0x2e: {  	v20 =	vor.u32 $0x7, v8;
	v18 =	vld.idx.msk [tilespmem:v11+s13+$0x0], $0xffff;
	v10 =	vadd.s32 $0x8, v6  }
0x2f: {  	v24 =	vld.idx.msk [tilespmem:v13+s12+$0x0], $0xffff;
	v6 =	vand.u32 $0xFFFFFFF8, v10  }
0x30: {  	v26 =	vld.idx.msk [tilespmem:v13+s13+$0x0], $0xffff;
	v8 =	vadd.s32 v0, v6  }
0x31: {  	v13 =	vld.idx.msk [tilespmem:v15+s12+$0x0], $0xffff  }
0x32: {  	v15 =	vld.idx.msk [tilespmem:v15+s13+$0x0], $0xffff;
	v17 =	vor.u32 $0x6, v8  }
0x33: {  	v11 =	vld.idx.msk [tilespmem:v20+s12+$0x0], $0xffff  }
0x34: {  	v12 =	vmul.f32 v14, v12;
	v22 =	vmul.f32 v18, v16;
	v14 =	vld.idx.msk [tilespmem:v20+s13+$0x0], $0xffff;
	v18 =	vor.u32 $0x4, v8  }
0x35: {  	v27 =	vimm.f32 $0.0e+00;
	v16 =	vor.u32 $0x2, v8;
	v20 =	vmul.f32 v19, v9;
	v6 =	vld.idx.msk [tilespmem:v8+s12+$0x0], $0xffff  }
0x36: {  	v24 =	vmul.f32 v26, v24;
	v9 =	vld.idx.msk [tilespmem:v8+s13+$0x0], $0xffff;
	v23 =	vadd.f32 v12, v27;
	v22 =	vadd.f32 v22, v27  }
0x37: {  	s23 =	simm.s32 $0xE;
	v19 =	vor.u32 $0x1, v8;
	v21 =	vmul.f32 v25, v21;
	v12 =	vld.idx.msk [tilespmem:v17+s12+$0x0], $0xffff  }
.LBB2_3:
0x38: {  	p0 =	sne.s32 s23, $0x1;
	v17 =	vld.idx.msk [tilespmem:v17+s13+$0x0], $0xffff;
	v20 =	vadd.f32 v20, v23;
	v22 =	vadd.f32 v24, v22;
	v13 =	vmul.f32 v15, v13  }
0x39: {  	v15 =	vor.u32 $0x3, v8;
	v5 =	vmul.f32 v7, v5;
	v25 =	vld.idx.msk [tilespmem:v18+s12+$0x0], $0xffff  }
0x3a: {  	v11 =	vmul.f32 v14, v11;
	v26 =	vld.idx.msk [tilespmem:v18+s13+$0x0], $0xffff;
	v7 =	vadd.f32 v21, v20;
	v13 =	vadd.f32 v13, v22  }
0x3b: {  	v20 =	vld.idx.msk [tilespmem:v16+s12+$0x0], $0xffff  }
0x3c: {  	v14 =	vor.u32 $0x5, v8;
	v21 =	vld.idx.msk [tilespmem:v16+s13+$0x0], $0xffff;
	v22 =	vadd.f32 v5, v7;
	v24 =	vadd.f32 v11, v13  }
0x3d: {  	v5 =	vmov v12;
	v16 =	vld.idx.msk [tilespmem:v19+s12+$0x0], $0xffff  }
0x3e: {  	v10 =	vadd.s32 $0x8, v10;
	v12 =	vld.idx.msk [tilespmem:v19+s13+$0x0], $0xffff;
	v19 =	vor.u32 $0x7, v8;
	v7 =	vmov v17  }
0x3f: {  	v8 =	vand.u32 $0xFFFFFFF8, v10;
	v27 =	vld.idx.msk [tilespmem:v15+s12+$0x0], $0xffff  }
0x40: {  	v8 =	vadd.s32 v0, v8;
	v28 =	vld.idx.msk [tilespmem:v15+s13+$0x0], $0xffff  }
0x41: {  	v13 =	vld.idx.msk [tilespmem:v14+s12+$0x0], $0xffff  }
0x42: {  	v17 =	vor.u32 $0x6, v8;
	v15 =	vld.idx.msk [tilespmem:v14+s13+$0x0], $0xffff  }
.Ltmp0:
0x43: {  	v11 =	vld.idx.msk [tilespmem:v19+s12+$0x0], $0xffff;
	(pc) =	sbr.rel @p0 .LBB2_3-.Ltmp0, $4  }
0x44: {  	v23 =	vmul.f32 v9, v6;
	v18 =	vor.u32 $0x4, v8;
	v12 =	vmul.f32 v12, v16;
	v14 =	vld.idx.msk [tilespmem:v19+s13+$0x0], $0xffff  }
0x45: {  	v20 =	vmul.f32 v21, v20;
	v16 =	vor.u32 $0x2, v8;
	v6 =	vld.idx.msk [tilespmem:v8+s12+$0x0], $0xffff  }
0x46: {  	v23 =	vadd.f32 v23, v22;
	v22 =	vadd.f32 v12, v24;
	v24 =	vmul.f32 v28, v27;
	v9 =	vld.idx.msk [tilespmem:v8+s13+$0x0], $0xffff  }
0x47: {  	s23 =	sadd.s32 $0xFFFFFFFF, s23;
	v21 =	vmul.f32 v26, v25;
	v19 =	vor.u32 $0x1, v8;
	v12 =	vld.idx.msk [tilespmem:v17+s12+$0x0], $0xffff  }
0x48: {  	_ =	sdelay $0x3  }
0x49: {  	v10 =	vld.idx.msk [tilespmem:v17+s13+$0x0], $0xffff  }
0x4a: {  	v17 =	vld.idx.msk [tilespmem:v18+s12+$0x0], $0xffff  }
0x4b: {  	v25 =	vor.u32 $0x3, v8;
	v18 =	vld.idx.msk [tilespmem:v18+s13+$0x0], $0xffff  }
0x4c: {  	v26 =	vld.idx.msk [tilespmem:v16+s12+$0x0], $0xffff  }
0x4d: {  	v16 =	vld.idx.msk [tilespmem:v16+s13+$0x0], $0xffff;
	v27 =	vor.u32 $0x5, v8  }
0x4e: {  	v28 =	vld.idx.msk [tilespmem:v19+s12+$0x0], $0xffff  }
0x4f: {  	v20 =	vadd.f32 v20, v23;
	v19 =	vld.idx.msk [tilespmem:v19+s13+$0x0], $0xffff;
	v8 =	vor.u32 $0x7, v8  }
0x50: {  	v22 =	vadd.f32 v24, v22;
	v13 =	vmul.f32 v15, v13;
	v15 =	vld.idx.msk [tilespmem:v25+s12+$0x0], $0xffff  }
0x51: {  	v5 =	vmul.f32 v7, v5;
	v7 =	vadd.f32 v21, v20;
	v20 =	vld.idx.msk [tilespmem:v25+s13+$0x0], $0xffff  }
0x52: {  	v11 =	vmul.f32 v14, v11;
	v13 =	vadd.f32 v13, v22;
	v14 =	vld.idx.msk [tilespmem:v27+s12+$0x0], $0xffff  }
0x53: {  	v6 =	vmul.f32 v9, v6;
	v5 =	vadd.f32 v5, v7;
	v7 =	vld.idx.msk [tilespmem:v27+s13+$0x0], $0xffff  }
0x54: {  	v11 =	vadd.f32 v11, v13;
	v13 =	vld.idx.msk [tilespmem:v8+s12+$0x0], $0xffff;
	v9 =	vmul.f32 v19, v28  }
0x55: {  	v8 =	vld.idx.msk [tilespmem:v8+s13+$0x0], $0xffff;
	v16 =	vmul.f32 v16, v26;
	v5 =	vadd.f32 v6, v5  }
0x56: {  	v6 =	vadd.f32 v9, v11;
	v9 =	vmul.f32 v20, v15  }
0x57: {  	v11 =	vmul.f32 v18, v17;
	v5 =	vadd.f32 v16, v5  }
0x58: {  	v7 =	vmul.f32 v7, v14;
	v6 =	vadd.f32 v9, v6  }
0x59: {  	v5 =	vadd.f32 v11, v5  }
0x5a: {  	v9 =	vmul.f32 v10, v12;
	v6 =	vadd.f32 v7, v6;
	v7 =	vmul.f32 v8, v13;
	_ =	sdelay $0x1  }
0x5b: {  	v5 =	vadd.f32 v9, v5;
	v6 =	vadd.f32 v7, v6;
	_ =	sdelay $0x1  }
0x5c: {  	v5 =	vadd.f32 v6, v5;
	_ =	sdelay $0x1  }
0x5d: {  	v5 =	vsub.f32 $0.0e+00, v5;
	_ =	sdelay $0x1  }
0x5e: {  	v5 =	vmul.f32 $1.442695020e+00, v5;
	_ =	sdelay $0x1  }
0x5f: {  	(erf) = vpow2.f32 v5;
	_ =	sdelay $0x8  }
0x60: {  	v5 =	vpop (erf)  }
0x61: {  	v5 =	vadd.f32 $1.000000000e+00, v5;
	_ =	sdelay $0x1  }
0x62: {  	(erf) = vrcp.f32 v5;
	_ =	sdelay $0x3  }
0x63: {  	v6 =	vimm.s32 $0x0  }
0x64: {  	v5 =	vand.u32 $0xFFFFFFF8, v6  }
0x65: {  	v8 =	vadd.s32 v1, v5;
	_ =	sdelay $0x1  }
0x66: {  	v7 =	vor.u32 $0x6, v8  }
0x67: {  	v5 =	vpop (erf)  }
0x68: {  	v9 =	vor.u32 $0x4, v8;
	[tilespmem:s21+$0xEF00] =	vst v5  }
0x69: {  	v12 =	vld.idx.msk [tilespmem:v8+s12+$0x0], $0xffff  }
0x6a: {  	v10 =	vor.u32 $0x2, v8;
	v14 =	vld.idx.msk [tilespmem:v8+s13+$0x0], $0xffff  }
0x6b: {  	v5 =	vld.idx.msk [tilespmem:v7+s12+$0x0], $0xffff  }
0x6c: {  	v11 =	vor.u32 $0x1, v8;
	v7 =	vld.idx.msk [tilespmem:v7+s13+$0x0], $0xffff  }
0x6d: {  	v21 =	vld.idx.msk [tilespmem:v9+s12+$0x0], $0xffff  }
0x6e: {  	v13 =	vor.u32 $0x3, v8;
	v25 =	vld.idx.msk [tilespmem:v9+s13+$0x0], $0xffff  }
0x6f: {  	v9 =	vld.idx.msk [tilespmem:v10+s12+$0x0], $0xffff  }
0x70: {  	v15 =	vor.u32 $0x5, v8;
	v19 =	vld.idx.msk [tilespmem:v10+s13+$0x0], $0xffff  }
0x71: {  	v16 =	vld.idx.msk [tilespmem:v11+s12+$0x0], $0xffff  }
0x72: {  	v20 =	vor.u32 $0x7, v8;
	v18 =	vld.idx.msk [tilespmem:v11+s13+$0x0], $0xffff;
	v10 =	vadd.s32 $0x8, v6  }
0x73: {  	v24 =	vld.idx.msk [tilespmem:v13+s12+$0x0], $0xffff;
	v6 =	vand.u32 $0xFFFFFFF8, v10  }
0x74: {  	v26 =	vld.idx.msk [tilespmem:v13+s13+$0x0], $0xffff;
	v8 =	vadd.s32 v1, v6  }
0x75: {  	v13 =	vld.idx.msk [tilespmem:v15+s12+$0x0], $0xffff  }
0x76: {  	v15 =	vld.idx.msk [tilespmem:v15+s13+$0x0], $0xffff;
	v17 =	vor.u32 $0x6, v8  }
0x77: {  	v11 =	vld.idx.msk [tilespmem:v20+s12+$0x0], $0xffff  }
0x78: {  	v12 =	vmul.f32 v14, v12;
	v22 =	vmul.f32 v18, v16;
	v14 =	vld.idx.msk [tilespmem:v20+s13+$0x0], $0xffff;
	v18 =	vor.u32 $0x4, v8  }
0x79: {  	v27 =	vimm.f32 $0.0e+00;
	v16 =	vor.u32 $0x2, v8;
	v20 =	vmul.f32 v19, v9;
	v6 =	vld.idx.msk [tilespmem:v8+s12+$0x0], $0xffff  }
0x7a: {  	v24 =	vmul.f32 v26, v24;
	v9 =	vld.idx.msk [tilespmem:v8+s13+$0x0], $0xffff;
	v23 =	vadd.f32 v12, v27;
	v22 =	vadd.f32 v22, v27  }
0x7b: {  	s23 =	simm.s32 $0xE;
	v19 =	vor.u32 $0x1, v8;
	v21 =	vmul.f32 v25, v21;
	v12 =	vld.idx.msk [tilespmem:v17+s12+$0x0], $0xffff  }
.LBB2_5:
0x7c: {  	p0 =	sne.s32 s23, $0x1;
	v17 =	vld.idx.msk [tilespmem:v17+s13+$0x0], $0xffff;
	v20 =	vadd.f32 v20, v23;
	v22 =	vadd.f32 v24, v22;
	v13 =	vmul.f32 v15, v13  }
0x7d: {  	v15 =	vor.u32 $0x3, v8;
	v5 =	vmul.f32 v7, v5;
	v25 =	vld.idx.msk [tilespmem:v18+s12+$0x0], $0xffff  }
0x7e: {  	v11 =	vmul.f32 v14, v11;
	v26 =	vld.idx.msk [tilespmem:v18+s13+$0x0], $0xffff;
	v7 =	vadd.f32 v21, v20;
	v13 =	vadd.f32 v13, v22  }
0x7f: {  	v20 =	vld.idx.msk [tilespmem:v16+s12+$0x0], $0xffff  }
0x80: {  	v14 =	vor.u32 $0x5, v8;
	v21 =	vld.idx.msk [tilespmem:v16+s13+$0x0], $0xffff;
	v22 =	vadd.f32 v5, v7;
	v24 =	vadd.f32 v11, v13  }
0x81: {  	v5 =	vmov v12;
	v16 =	vld.idx.msk [tilespmem:v19+s12+$0x0], $0xffff  }
0x82: {  	v10 =	vadd.s32 $0x8, v10;
	v12 =	vld.idx.msk [tilespmem:v19+s13+$0x0], $0xffff;
	v19 =	vor.u32 $0x7, v8;
	v7 =	vmov v17  }
0x83: {  	v8 =	vand.u32 $0xFFFFFFF8, v10;
	v27 =	vld.idx.msk [tilespmem:v15+s12+$0x0], $0xffff  }
0x84: {  	v8 =	vadd.s32 v1, v8;
	v28 =	vld.idx.msk [tilespmem:v15+s13+$0x0], $0xffff  }
0x85: {  	v13 =	vld.idx.msk [tilespmem:v14+s12+$0x0], $0xffff  }
0x86: {  	v17 =	vor.u32 $0x6, v8;
	v15 =	vld.idx.msk [tilespmem:v14+s13+$0x0], $0xffff  }
.Ltmp1:
0x87: {  	v11 =	vld.idx.msk [tilespmem:v19+s12+$0x0], $0xffff;
	(pc) =	sbr.rel @p0 .LBB2_5-.Ltmp1, $4  }
0x88: {  	v23 =	vmul.f32 v9, v6;
	v18 =	vor.u32 $0x4, v8;
	v12 =	vmul.f32 v12, v16;
	v14 =	vld.idx.msk [tilespmem:v19+s13+$0x0], $0xffff  }
0x89: {  	v20 =	vmul.f32 v21, v20;
	v16 =	vor.u32 $0x2, v8;
	v6 =	vld.idx.msk [tilespmem:v8+s12+$0x0], $0xffff  }
0x8a: {  	v23 =	vadd.f32 v23, v22;
	v22 =	vadd.f32 v12, v24;
	v24 =	vmul.f32 v28, v27;
	v9 =	vld.idx.msk [tilespmem:v8+s13+$0x0], $0xffff  }
0x8b: {  	s23 =	sadd.s32 $0xFFFFFFFF, s23;
	v21 =	vmul.f32 v26, v25;
	v19 =	vor.u32 $0x1, v8;
	v12 =	vld.idx.msk [tilespmem:v17+s12+$0x0], $0xffff  }
0x8c: {  	_ =	sdelay $0x3  }
0x8d: {  	v10 =	vld.idx.msk [tilespmem:v17+s13+$0x0], $0xffff  }
0x8e: {  	v17 =	vld.idx.msk [tilespmem:v18+s12+$0x0], $0xffff  }
0x8f: {  	v25 =	vor.u32 $0x3, v8;
	v18 =	vld.idx.msk [tilespmem:v18+s13+$0x0], $0xffff  }
0x90: {  	v26 =	vld.idx.msk [tilespmem:v16+s12+$0x0], $0xffff  }
0x91: {  	v16 =	vld.idx.msk [tilespmem:v16+s13+$0x0], $0xffff;
	v27 =	vor.u32 $0x5, v8  }
0x92: {  	v28 =	vld.idx.msk [tilespmem:v19+s12+$0x0], $0xffff  }
0x93: {  	v20 =	vadd.f32 v20, v23;
	v19 =	vld.idx.msk [tilespmem:v19+s13+$0x0], $0xffff;
	v8 =	vor.u32 $0x7, v8  }
0x94: {  	v22 =	vadd.f32 v24, v22;
	v13 =	vmul.f32 v15, v13;
	v15 =	vld.idx.msk [tilespmem:v25+s12+$0x0], $0xffff  }
0x95: {  	v5 =	vmul.f32 v7, v5;
	v7 =	vadd.f32 v21, v20;
	v20 =	vld.idx.msk [tilespmem:v25+s13+$0x0], $0xffff  }
0x96: {  	v11 =	vmul.f32 v14, v11;
	v13 =	vadd.f32 v13, v22;
	v14 =	vld.idx.msk [tilespmem:v27+s12+$0x0], $0xffff  }
0x97: {  	v6 =	vmul.f32 v9, v6;
	v5 =	vadd.f32 v5, v7;
	v7 =	vld.idx.msk [tilespmem:v27+s13+$0x0], $0xffff  }
0x98: {  	v11 =	vadd.f32 v11, v13;
	v13 =	vld.idx.msk [tilespmem:v8+s12+$0x0], $0xffff;
	v9 =	vmul.f32 v19, v28  }
0x99: {  	v8 =	vld.idx.msk [tilespmem:v8+s13+$0x0], $0xffff;
	v16 =	vmul.f32 v16, v26;
	v5 =	vadd.f32 v6, v5  }
0x9a: {  	v6 =	vadd.f32 v9, v11;
	v9 =	vmul.f32 v20, v15  }
0x9b: {  	v11 =	vmul.f32 v18, v17;
	v5 =	vadd.f32 v16, v5  }
0x9c: {  	v7 =	vmul.f32 v7, v14;
	v6 =	vadd.f32 v9, v6  }
0x9d: {  	v5 =	vadd.f32 v11, v5  }
0x9e: {  	v9 =	vmul.f32 v10, v12;
	v6 =	vadd.f32 v7, v6;
	v7 =	vmul.f32 v8, v13;
	_ =	sdelay $0x1  }
0x9f: {  	v5 =	vadd.f32 v9, v5;
	v6 =	vadd.f32 v7, v6;
	_ =	sdelay $0x1  }
0xa0: {  	v5 =	vadd.f32 v6, v5;
	_ =	sdelay $0x1  }
0xa1: {  	v5 =	vsub.f32 $0.0e+00, v5;
	_ =	sdelay $0x1  }
0xa2: {  	v5 =	vmul.f32 $1.442695020e+00, v5;
	_ =	sdelay $0x1  }
0xa3: {  	(erf) = vpow2.f32 v5;
	_ =	sdelay $0x8  }
0xa4: {  	v5 =	vpop (erf)  }
0xa5: {  	v5 =	vadd.f32 $1.000000000e+00, v5;
	_ =	sdelay $0x1  }
0xa6: {  	(erf) = vrcp.f32 v5;
	_ =	sdelay $0x3  }
0xa7: {  	v6 =	vimm.s32 $0x0  }
0xa8: {  	v5 =	vand.u32 $0xFFFFFFF8, v6  }
0xa9: {  	v8 =	vadd.s32 v2, v5;
	_ =	sdelay $0x1  }
0xaa: {  	v7 =	vor.u32 $0x6, v8  }
0xab: {  	v5 =	vpop (erf)  }
0xac: {  	v9 =	vor.u32 $0x4, v8;
	[tilespmem:s21+$0xEF10] =	vst v5  }
0xad: {  	v12 =	vld.idx.msk [tilespmem:v8+s12+$0x0], $0xffff  }
0xae: {  	v10 =	vor.u32 $0x2, v8;
	v14 =	vld.idx.msk [tilespmem:v8+s13+$0x0], $0xffff  }
0xaf: {  	v5 =	vld.idx.msk [tilespmem:v7+s12+$0x0], $0xffff  }
0xb0: {  	v11 =	vor.u32 $0x1, v8;
	v7 =	vld.idx.msk [tilespmem:v7+s13+$0x0], $0xffff  }
0xb1: {  	v21 =	vld.idx.msk [tilespmem:v9+s12+$0x0], $0xffff  }
0xb2: {  	v13 =	vor.u32 $0x3, v8;
	v25 =	vld.idx.msk [tilespmem:v9+s13+$0x0], $0xffff  }
0xb3: {  	v9 =	vld.idx.msk [tilespmem:v10+s12+$0x0], $0xffff  }
0xb4: {  	v15 =	vor.u32 $0x5, v8;
	v19 =	vld.idx.msk [tilespmem:v10+s13+$0x0], $0xffff  }
0xb5: {  	v16 =	vld.idx.msk [tilespmem:v11+s12+$0x0], $0xffff  }
0xb6: {  	v20 =	vor.u32 $0x7, v8;
	v18 =	vld.idx.msk [tilespmem:v11+s13+$0x0], $0xffff;
	v10 =	vadd.s32 $0x8, v6  }
0xb7: {  	v24 =	vld.idx.msk [tilespmem:v13+s12+$0x0], $0xffff;
	v6 =	vand.u32 $0xFFFFFFF8, v10  }
0xb8: {  	v26 =	vld.idx.msk [tilespmem:v13+s13+$0x0], $0xffff;
	v8 =	vadd.s32 v2, v6  }
0xb9: {  	v13 =	vld.idx.msk [tilespmem:v15+s12+$0x0], $0xffff  }
0xba: {  	v15 =	vld.idx.msk [tilespmem:v15+s13+$0x0], $0xffff;
	v17 =	vor.u32 $0x6, v8  }
0xbb: {  	v11 =	vld.idx.msk [tilespmem:v20+s12+$0x0], $0xffff  }
0xbc: {  	v12 =	vmul.f32 v14, v12;
	v22 =	vmul.f32 v18, v16;
	v14 =	vld.idx.msk [tilespmem:v20+s13+$0x0], $0xffff;
	v18 =	vor.u32 $0x4, v8  }
0xbd: {  	v27 =	vimm.f32 $0.0e+00;
	v16 =	vor.u32 $0x2, v8;
	v20 =	vmul.f32 v19, v9;
	v6 =	vld.idx.msk [tilespmem:v8+s12+$0x0], $0xffff  }
0xbe: {  	v24 =	vmul.f32 v26, v24;
	v9 =	vld.idx.msk [tilespmem:v8+s13+$0x0], $0xffff;
	v23 =	vadd.f32 v12, v27;
	v22 =	vadd.f32 v22, v27  }
0xbf: {  	s23 =	simm.s32 $0xE;
	v19 =	vor.u32 $0x1, v8;
	v21 =	vmul.f32 v25, v21;
	v12 =	vld.idx.msk [tilespmem:v17+s12+$0x0], $0xffff  }
.LBB2_7:
0xc0: {  	p0 =	sne.s32 s23, $0x1;
	v17 =	vld.idx.msk [tilespmem:v17+s13+$0x0], $0xffff;
	v20 =	vadd.f32 v20, v23;
	v22 =	vadd.f32 v24, v22;
	v13 =	vmul.f32 v15, v13  }
0xc1: {  	v15 =	vor.u32 $0x3, v8;
	v5 =	vmul.f32 v7, v5;
	v25 =	vld.idx.msk [tilespmem:v18+s12+$0x0], $0xffff  }
0xc2: {  	v11 =	vmul.f32 v14, v11;
	v26 =	vld.idx.msk [tilespmem:v18+s13+$0x0], $0xffff;
	v7 =	vadd.f32 v21, v20;
	v13 =	vadd.f32 v13, v22  }
0xc3: {  	v20 =	vld.idx.msk [tilespmem:v16+s12+$0x0], $0xffff  }
0xc4: {  	v14 =	vor.u32 $0x5, v8;
	v21 =	vld.idx.msk [tilespmem:v16+s13+$0x0], $0xffff;
	v22 =	vadd.f32 v5, v7;
	v24 =	vadd.f32 v11, v13  }
0xc5: {  	v5 =	vmov v12;
	v16 =	vld.idx.msk [tilespmem:v19+s12+$0x0], $0xffff  }
0xc6: {  	v10 =	vadd.s32 $0x8, v10;
	v12 =	vld.idx.msk [tilespmem:v19+s13+$0x0], $0xffff;
	v19 =	vor.u32 $0x7, v8;
	v7 =	vmov v17  }
0xc7: {  	v8 =	vand.u32 $0xFFFFFFF8, v10;
	v27 =	vld.idx.msk [tilespmem:v15+s12+$0x0], $0xffff  }
0xc8: {  	v8 =	vadd.s32 v2, v8;
	v28 =	vld.idx.msk [tilespmem:v15+s13+$0x0], $0xffff  }
0xc9: {  	v13 =	vld.idx.msk [tilespmem:v14+s12+$0x0], $0xffff  }
0xca: {  	v17 =	vor.u32 $0x6, v8;
	v15 =	vld.idx.msk [tilespmem:v14+s13+$0x0], $0xffff  }
.Ltmp2:
0xcb: {  	v11 =	vld.idx.msk [tilespmem:v19+s12+$0x0], $0xffff;
	(pc) =	sbr.rel @p0 .LBB2_7-.Ltmp2, $4  }
0xcc: {  	v23 =	vmul.f32 v9, v6;
	v18 =	vor.u32 $0x4, v8;
	v12 =	vmul.f32 v12, v16;
	v14 =	vld.idx.msk [tilespmem:v19+s13+$0x0], $0xffff  }
0xcd: {  	v20 =	vmul.f32 v21, v20;
	v16 =	vor.u32 $0x2, v8;
	v6 =	vld.idx.msk [tilespmem:v8+s12+$0x0], $0xffff  }
0xce: {  	v23 =	vadd.f32 v23, v22;
	v22 =	vadd.f32 v12, v24;
	v24 =	vmul.f32 v28, v27;
	v9 =	vld.idx.msk [tilespmem:v8+s13+$0x0], $0xffff  }
0xcf: {  	s23 =	sadd.s32 $0xFFFFFFFF, s23;
	v21 =	vmul.f32 v26, v25;
	v19 =	vor.u32 $0x1, v8;
	v12 =	vld.idx.msk [tilespmem:v17+s12+$0x0], $0xffff  }
0xd0: {  	_ =	sdelay $0x3  }
0xd1: {  	v10 =	vld.idx.msk [tilespmem:v17+s13+$0x0], $0xffff  }
0xd2: {  	v17 =	vld.idx.msk [tilespmem:v18+s12+$0x0], $0xffff  }
0xd3: {  	v25 =	vor.u32 $0x3, v8;
	v18 =	vld.idx.msk [tilespmem:v18+s13+$0x0], $0xffff  }
0xd4: {  	v26 =	vld.idx.msk [tilespmem:v16+s12+$0x0], $0xffff  }
0xd5: {  	v16 =	vld.idx.msk [tilespmem:v16+s13+$0x0], $0xffff;
	v27 =	vor.u32 $0x5, v8  }
0xd6: {  	v28 =	vld.idx.msk [tilespmem:v19+s12+$0x0], $0xffff  }
0xd7: {  	v20 =	vadd.f32 v20, v23;
	v19 =	vld.idx.msk [tilespmem:v19+s13+$0x0], $0xffff;
	v8 =	vor.u32 $0x7, v8  }
0xd8: {  	v22 =	vadd.f32 v24, v22;
	v13 =	vmul.f32 v15, v13;
	v15 =	vld.idx.msk [tilespmem:v25+s12+$0x0], $0xffff  }
0xd9: {  	v5 =	vmul.f32 v7, v5;
	v7 =	vadd.f32 v21, v20;
	v20 =	vld.idx.msk [tilespmem:v25+s13+$0x0], $0xffff  }
0xda: {  	v11 =	vmul.f32 v14, v11;
	v13 =	vadd.f32 v13, v22;
	v14 =	vld.idx.msk [tilespmem:v27+s12+$0x0], $0xffff  }
0xdb: {  	v6 =	vmul.f32 v9, v6;
	v5 =	vadd.f32 v5, v7;
	v7 =	vld.idx.msk [tilespmem:v27+s13+$0x0], $0xffff  }
0xdc: {  	v11 =	vadd.f32 v11, v13;
	v13 =	vld.idx.msk [tilespmem:v8+s12+$0x0], $0xffff;
	v9 =	vmul.f32 v19, v28  }
0xdd: {  	v8 =	vld.idx.msk [tilespmem:v8+s13+$0x0], $0xffff;
	v16 =	vmul.f32 v16, v26;
	v5 =	vadd.f32 v6, v5  }
0xde: {  	v6 =	vadd.f32 v9, v11;
	v9 =	vmul.f32 v20, v15  }
0xdf: {  	v11 =	vmul.f32 v18, v17;
	v5 =	vadd.f32 v16, v5  }
0xe0: {  	v7 =	vmul.f32 v7, v14;
	v6 =	vadd.f32 v9, v6  }
0xe1: {  	v5 =	vadd.f32 v11, v5  }
0xe2: {  	v9 =	vmul.f32 v10, v12;
	v6 =	vadd.f32 v7, v6;
	v7 =	vmul.f32 v8, v13;
	_ =	sdelay $0x1  }
0xe3: {  	v5 =	vadd.f32 v9, v5;
	v6 =	vadd.f32 v7, v6;
	_ =	sdelay $0x1  }
0xe4: {  	v5 =	vadd.f32 v6, v5;
	_ =	sdelay $0x1  }
0xe5: {  	v5 =	vsub.f32 $0.0e+00, v5;
	_ =	sdelay $0x1  }
0xe6: {  	v5 =	vmul.f32 $1.442695020e+00, v5;
	_ =	sdelay $0x1  }
0xe7: {  	(erf) = vpow2.f32 v5;
	_ =	sdelay $0x8  }
0xe8: {  	v5 =	vpop (erf)  }
0xe9: {  	v5 =	vadd.f32 $1.000000000e+00, v5;
	_ =	sdelay $0x1  }
0xea: {  	(erf) = vrcp.f32 v5;
	_ =	sdelay $0x3  }
0xeb: {  	v6 =	vimm.s32 $0x0  }
0xec: {  	v5 =	vand.u32 $0xFFFFFFF8, v6  }
0xed: {  	v8 =	vadd.s32 v3, v5;
	_ =	sdelay $0x1  }
0xee: {  	v7 =	vor.u32 $0x6, v8  }
0xef: {  	v5 =	vpop (erf)  }
0xf0: {  	v9 =	vor.u32 $0x4, v8;
	[tilespmem:s21+$0xEF20] =	vst v5  }
0xf1: {  	v12 =	vld.idx.msk [tilespmem:v8+s12+$0x0], $0xffff  }
0xf2: {  	v10 =	vor.u32 $0x2, v8;
	v14 =	vld.idx.msk [tilespmem:v8+s13+$0x0], $0xffff  }
0xf3: {  	v5 =	vld.idx.msk [tilespmem:v7+s12+$0x0], $0xffff  }
0xf4: {  	v11 =	vor.u32 $0x1, v8;
	v7 =	vld.idx.msk [tilespmem:v7+s13+$0x0], $0xffff  }
0xf5: {  	v21 =	vld.idx.msk [tilespmem:v9+s12+$0x0], $0xffff  }
0xf6: {  	v13 =	vor.u32 $0x3, v8;
	v25 =	vld.idx.msk [tilespmem:v9+s13+$0x0], $0xffff  }
0xf7: {  	v9 =	vld.idx.msk [tilespmem:v10+s12+$0x0], $0xffff  }
0xf8: {  	v15 =	vor.u32 $0x5, v8;
	v19 =	vld.idx.msk [tilespmem:v10+s13+$0x0], $0xffff  }
0xf9: {  	v16 =	vld.idx.msk [tilespmem:v11+s12+$0x0], $0xffff  }
0xfa: {  	v20 =	vor.u32 $0x7, v8;
	v18 =	vld.idx.msk [tilespmem:v11+s13+$0x0], $0xffff;
	v10 =	vadd.s32 $0x8, v6  }
0xfb: {  	v24 =	vld.idx.msk [tilespmem:v13+s12+$0x0], $0xffff;
	v6 =	vand.u32 $0xFFFFFFF8, v10  }
0xfc: {  	v26 =	vld.idx.msk [tilespmem:v13+s13+$0x0], $0xffff;
	v8 =	vadd.s32 v3, v6  }
0xfd: {  	v13 =	vld.idx.msk [tilespmem:v15+s12+$0x0], $0xffff  }
0xfe: {  	v15 =	vld.idx.msk [tilespmem:v15+s13+$0x0], $0xffff;
	v17 =	vor.u32 $0x6, v8  }
0xff: {  	v11 =	vld.idx.msk [tilespmem:v20+s12+$0x0], $0xffff  }
0x100: {  	v12 =	vmul.f32 v14, v12;
	v22 =	vmul.f32 v18, v16;
	v14 =	vld.idx.msk [tilespmem:v20+s13+$0x0], $0xffff;
	v18 =	vor.u32 $0x4, v8  }
0x101: {  	v27 =	vimm.f32 $0.0e+00;
	v16 =	vor.u32 $0x2, v8;
	v20 =	vmul.f32 v19, v9;
	v6 =	vld.idx.msk [tilespmem:v8+s12+$0x0], $0xffff  }
0x102: {  	v24 =	vmul.f32 v26, v24;
	v9 =	vld.idx.msk [tilespmem:v8+s13+$0x0], $0xffff;
	v23 =	vadd.f32 v12, v27;
	v22 =	vadd.f32 v22, v27  }
0x103: {  	s23 =	simm.s32 $0xE;
	v19 =	vor.u32 $0x1, v8;
	v21 =	vmul.f32 v25, v21;
	v12 =	vld.idx.msk [tilespmem:v17+s12+$0x0], $0xffff  }
.LBB2_9:
0x104: {  	p0 =	sne.s32 s23, $0x1;
	v17 =	vld.idx.msk [tilespmem:v17+s13+$0x0], $0xffff;
	v20 =	vadd.f32 v20, v23;
	v22 =	vadd.f32 v24, v22;
	v13 =	vmul.f32 v15, v13  }
0x105: {  	v15 =	vor.u32 $0x3, v8;
	v5 =	vmul.f32 v7, v5;
	v25 =	vld.idx.msk [tilespmem:v18+s12+$0x0], $0xffff  }
0x106: {  	v11 =	vmul.f32 v14, v11;
	v26 =	vld.idx.msk [tilespmem:v18+s13+$0x0], $0xffff;
	v7 =	vadd.f32 v21, v20;
	v13 =	vadd.f32 v13, v22  }
0x107: {  	v20 =	vld.idx.msk [tilespmem:v16+s12+$0x0], $0xffff  }
0x108: {  	v14 =	vor.u32 $0x5, v8;
	v21 =	vld.idx.msk [tilespmem:v16+s13+$0x0], $0xffff;
	v22 =	vadd.f32 v5, v7;
	v24 =	vadd.f32 v11, v13  }
0x109: {  	v5 =	vmov v12;
	v16 =	vld.idx.msk [tilespmem:v19+s12+$0x0], $0xffff  }
0x10a: {  	v10 =	vadd.s32 $0x8, v10;
	v12 =	vld.idx.msk [tilespmem:v19+s13+$0x0], $0xffff;
	v19 =	vor.u32 $0x7, v8;
	v7 =	vmov v17  }
0x10b: {  	v8 =	vand.u32 $0xFFFFFFF8, v10;
	v27 =	vld.idx.msk [tilespmem:v15+s12+$0x0], $0xffff  }
0x10c: {  	v8 =	vadd.s32 v3, v8;
	v28 =	vld.idx.msk [tilespmem:v15+s13+$0x0], $0xffff  }
0x10d: {  	v13 =	vld.idx.msk [tilespmem:v14+s12+$0x0], $0xffff  }
0x10e: {  	v17 =	vor.u32 $0x6, v8;
	v15 =	vld.idx.msk [tilespmem:v14+s13+$0x0], $0xffff  }
.Ltmp3:
0x10f: {  	v11 =	vld.idx.msk [tilespmem:v19+s12+$0x0], $0xffff;
	(pc) =	sbr.rel @p0 .LBB2_9-.Ltmp3, $4  }
0x110: {  	v23 =	vmul.f32 v9, v6;
	v18 =	vor.u32 $0x4, v8;
	v12 =	vmul.f32 v12, v16;
	v14 =	vld.idx.msk [tilespmem:v19+s13+$0x0], $0xffff  }
0x111: {  	v20 =	vmul.f32 v21, v20;
	v16 =	vor.u32 $0x2, v8;
	v6 =	vld.idx.msk [tilespmem:v8+s12+$0x0], $0xffff  }
0x112: {  	v23 =	vadd.f32 v23, v22;
	v22 =	vadd.f32 v12, v24;
	v24 =	vmul.f32 v28, v27;
	v9 =	vld.idx.msk [tilespmem:v8+s13+$0x0], $0xffff  }
0x113: {  	s23 =	sadd.s32 $0xFFFFFFFF, s23;
	v21 =	vmul.f32 v26, v25;
	v19 =	vor.u32 $0x1, v8;
	v12 =	vld.idx.msk [tilespmem:v17+s12+$0x0], $0xffff  }
0x114: {  	_ =	sdelay $0x3  }
0x115: {  	v10 =	vld.idx.msk [tilespmem:v17+s13+$0x0], $0xffff  }
0x116: {  	v17 =	vld.idx.msk [tilespmem:v18+s12+$0x0], $0xffff  }
0x117: {  	v25 =	vor.u32 $0x3, v8;
	v18 =	vld.idx.msk [tilespmem:v18+s13+$0x0], $0xffff  }
0x118: {  	v26 =	vld.idx.msk [tilespmem:v16+s12+$0x0], $0xffff  }
0x119: {  	v16 =	vld.idx.msk [tilespmem:v16+s13+$0x0], $0xffff;
	v27 =	vor.u32 $0x5, v8  }
0x11a: {  	v28 =	vld.idx.msk [tilespmem:v19+s12+$0x0], $0xffff  }
0x11b: {  	v20 =	vadd.f32 v20, v23;
	v19 =	vld.idx.msk [tilespmem:v19+s13+$0x0], $0xffff;
	v8 =	vor.u32 $0x7, v8  }
0x11c: {  	v22 =	vadd.f32 v24, v22;
	v13 =	vmul.f32 v15, v13;
	v15 =	vld.idx.msk [tilespmem:v25+s12+$0x0], $0xffff  }
0x11d: {  	v5 =	vmul.f32 v7, v5;
	v7 =	vadd.f32 v21, v20;
	v20 =	vld.idx.msk [tilespmem:v25+s13+$0x0], $0xffff  }
0x11e: {  	v11 =	vmul.f32 v14, v11;
	v13 =	vadd.f32 v13, v22;
	v14 =	vld.idx.msk [tilespmem:v27+s12+$0x0], $0xffff  }
0x11f: {  	v6 =	vmul.f32 v9, v6;
	v5 =	vadd.f32 v5, v7;
	v7 =	vld.idx.msk [tilespmem:v27+s13+$0x0], $0xffff  }
0x120: {  	v11 =	vadd.f32 v11, v13;
	v13 =	vld.idx.msk [tilespmem:v8+s12+$0x0], $0xffff;
	v9 =	vmul.f32 v19, v28  }
0x121: {  	v8 =	vld.idx.msk [tilespmem:v8+s13+$0x0], $0xffff;
	v16 =	vmul.f32 v16, v26;
	v5 =	vadd.f32 v6, v5  }
0x122: {  	v6 =	vadd.f32 v9, v11;
	v9 =	vmul.f32 v20, v15  }
0x123: {  	v11 =	vmul.f32 v18, v17;
	v5 =	vadd.f32 v16, v5  }
0x124: {  	v7 =	vmul.f32 v7, v14;
	v6 =	vadd.f32 v9, v6  }
0x125: {  	v5 =	vadd.f32 v11, v5  }
0x126: {  	v9 =	vmul.f32 v10, v12;
	v6 =	vadd.f32 v7, v6;
	v7 =	vmul.f32 v8, v13;
	_ =	sdelay $0x1  }
0x127: {  	v5 =	vadd.f32 v9, v5;
	v6 =	vadd.f32 v7, v6;
	_ =	sdelay $0x1  }
0x128: {  	v5 =	vadd.f32 v6, v5;
	_ =	sdelay $0x1  }
0x129: {  	v5 =	vsub.f32 $0.0e+00, v5;
	_ =	sdelay $0x1  }
0x12a: {  	v5 =	vmul.f32 $1.442695020e+00, v5;
	_ =	sdelay $0x1  }
0x12b: {  	(erf) = vpow2.f32 v5;
	_ =	sdelay $0x8  }
0x12c: {  	v5 =	vpop (erf)  }
0x12d: {  	v5 =	vadd.f32 $1.000000000e+00, v5;
	_ =	sdelay $0x1  }
0x12e: {  	(erf) = vrcp.f32 v5;
	_ =	sdelay $0x3  }
0x12f: {  	v6 =	vimm.s32 $0x0  }
0x130: {  	v5 =	vand.u32 $0xFFFFFFF8, v6  }
0x131: {  	v8 =	vadd.s32 v4, v5;
	_ =	sdelay $0x1  }
0x132: {  	v7 =	vor.u32 $0x6, v8  }
0x133: {  	v5 =	vpop (erf)  }
0x134: {  	v9 =	vor.u32 $0x4, v8;
	[tilespmem:s21+$0xEF30] =	vst v5  }
0x135: {  	v12 =	vld.idx.msk [tilespmem:v8+s12+$0x0], $0xffff  }
0x136: {  	v10 =	vor.u32 $0x2, v8;
	v14 =	vld.idx.msk [tilespmem:v8+s13+$0x0], $0xffff  }
0x137: {  	v5 =	vld.idx.msk [tilespmem:v7+s12+$0x0], $0xffff  }
0x138: {  	v11 =	vor.u32 $0x1, v8;
	v7 =	vld.idx.msk [tilespmem:v7+s13+$0x0], $0xffff  }
0x139: {  	v21 =	vld.idx.msk [tilespmem:v9+s12+$0x0], $0xffff  }
0x13a: {  	v13 =	vor.u32 $0x3, v8;
	v25 =	vld.idx.msk [tilespmem:v9+s13+$0x0], $0xffff  }
0x13b: {  	v9 =	vld.idx.msk [tilespmem:v10+s12+$0x0], $0xffff  }
0x13c: {  	v15 =	vor.u32 $0x5, v8;
	v19 =	vld.idx.msk [tilespmem:v10+s13+$0x0], $0xffff  }
0x13d: {  	v16 =	vld.idx.msk [tilespmem:v11+s12+$0x0], $0xffff  }
0x13e: {  	v20 =	vor.u32 $0x7, v8;
	v18 =	vld.idx.msk [tilespmem:v11+s13+$0x0], $0xffff;
	v10 =	vadd.s32 $0x8, v6  }
0x13f: {  	v24 =	vld.idx.msk [tilespmem:v13+s12+$0x0], $0xffff;
	v6 =	vand.u32 $0xFFFFFFF8, v10  }
0x140: {  	v26 =	vld.idx.msk [tilespmem:v13+s13+$0x0], $0xffff;
	v8 =	vadd.s32 v4, v6  }
0x141: {  	v13 =	vld.idx.msk [tilespmem:v15+s12+$0x0], $0xffff  }
0x142: {  	v15 =	vld.idx.msk [tilespmem:v15+s13+$0x0], $0xffff;
	v17 =	vor.u32 $0x6, v8  }
0x143: {  	v11 =	vld.idx.msk [tilespmem:v20+s12+$0x0], $0xffff  }
0x144: {  	v12 =	vmul.f32 v14, v12;
	v22 =	vmul.f32 v18, v16;
	v14 =	vld.idx.msk [tilespmem:v20+s13+$0x0], $0xffff;
	v18 =	vor.u32 $0x4, v8  }
0x145: {  	v27 =	vimm.f32 $0.0e+00;
	v16 =	vor.u32 $0x2, v8;
	v20 =	vmul.f32 v19, v9;
	v6 =	vld.idx.msk [tilespmem:v8+s12+$0x0], $0xffff  }
0x146: {  	v24 =	vmul.f32 v26, v24;
	v9 =	vld.idx.msk [tilespmem:v8+s13+$0x0], $0xffff;
	v23 =	vadd.f32 v12, v27;
	v22 =	vadd.f32 v22, v27  }
0x147: {  	s23 =	simm.s32 $0xE;
	v19 =	vor.u32 $0x1, v8;
	v21 =	vmul.f32 v25, v21;
	v12 =	vld.idx.msk [tilespmem:v17+s12+$0x0], $0xffff  }
.LBB2_11:
0x148: {  	p0 =	sne.s32 s23, $0x1;
	v17 =	vld.idx.msk [tilespmem:v17+s13+$0x0], $0xffff;
	v20 =	vadd.f32 v20, v23;
	v22 =	vadd.f32 v24, v22;
	v13 =	vmul.f32 v15, v13  }
0x149: {  	v15 =	vor.u32 $0x3, v8;
	v5 =	vmul.f32 v7, v5;
	v25 =	vld.idx.msk [tilespmem:v18+s12+$0x0], $0xffff  }
0x14a: {  	v11 =	vmul.f32 v14, v11;
	v26 =	vld.idx.msk [tilespmem:v18+s13+$0x0], $0xffff;
	v7 =	vadd.f32 v21, v20;
	v13 =	vadd.f32 v13, v22  }
0x14b: {  	v20 =	vld.idx.msk [tilespmem:v16+s12+$0x0], $0xffff  }
0x14c: {  	v14 =	vor.u32 $0x5, v8;
	v21 =	vld.idx.msk [tilespmem:v16+s13+$0x0], $0xffff;
	v22 =	vadd.f32 v5, v7;
	v24 =	vadd.f32 v11, v13  }
0x14d: {  	v5 =	vmov v12;
	v16 =	vld.idx.msk [tilespmem:v19+s12+$0x0], $0xffff  }
0x14e: {  	v10 =	vadd.s32 $0x8, v10;
	v12 =	vld.idx.msk [tilespmem:v19+s13+$0x0], $0xffff;
	v19 =	vor.u32 $0x7, v8;
	v7 =	vmov v17  }
0x14f: {  	v8 =	vand.u32 $0xFFFFFFF8, v10;
	v27 =	vld.idx.msk [tilespmem:v15+s12+$0x0], $0xffff  }
0x150: {  	v8 =	vadd.s32 v4, v8;
	v28 =	vld.idx.msk [tilespmem:v15+s13+$0x0], $0xffff  }
0x151: {  	v13 =	vld.idx.msk [tilespmem:v14+s12+$0x0], $0xffff  }
0x152: {  	v17 =	vor.u32 $0x6, v8;
	v15 =	vld.idx.msk [tilespmem:v14+s13+$0x0], $0xffff  }
.Ltmp4:
0x153: {  	v11 =	vld.idx.msk [tilespmem:v19+s12+$0x0], $0xffff;
	(pc) =	sbr.rel @p0 .LBB2_11-.Ltmp4, $4  }
0x154: {  	v23 =	vmul.f32 v9, v6;
	v18 =	vor.u32 $0x4, v8;
	v12 =	vmul.f32 v12, v16;
	v14 =	vld.idx.msk [tilespmem:v19+s13+$0x0], $0xffff  }
0x155: {  	v20 =	vmul.f32 v21, v20;
	v16 =	vor.u32 $0x2, v8;
	v6 =	vld.idx.msk [tilespmem:v8+s12+$0x0], $0xffff  }
0x156: {  	v23 =	vadd.f32 v23, v22;
	v22 =	vadd.f32 v12, v24;
	v24 =	vmul.f32 v28, v27;
	v9 =	vld.idx.msk [tilespmem:v8+s13+$0x0], $0xffff  }
0x157: {  	s23 =	sadd.s32 $0xFFFFFFFF, s23;
	v21 =	vmul.f32 v26, v25;
	v19 =	vor.u32 $0x1, v8;
	v12 =	vld.idx.msk [tilespmem:v17+s12+$0x0], $0xffff  }
0x158: {  	_ =	sdelay $0x3  }
0x159: {  	v10 =	vld.idx.msk [tilespmem:v17+s13+$0x0], $0xffff  }
0x15a: {  	v17 =	vld.idx.msk [tilespmem:v18+s12+$0x0], $0xffff  }
0x15b: {  	v25 =	vor.u32 $0x3, v8;
	v18 =	vld.idx.msk [tilespmem:v18+s13+$0x0], $0xffff  }
0x15c: {  	v26 =	vld.idx.msk [tilespmem:v16+s12+$0x0], $0xffff  }
0x15d: {  	v16 =	vld.idx.msk [tilespmem:v16+s13+$0x0], $0xffff;
	v27 =	vor.u32 $0x5, v8  }
0x15e: {  	v28 =	vld.idx.msk [tilespmem:v19+s12+$0x0], $0xffff  }
0x15f: {  	v20 =	vadd.f32 v20, v23;
	v19 =	vld.idx.msk [tilespmem:v19+s13+$0x0], $0xffff;
	v8 =	vor.u32 $0x7, v8  }
0x160: {  	v22 =	vadd.f32 v24, v22;
	v13 =	vmul.f32 v15, v13;
	v15 =	vld.idx.msk [tilespmem:v25+s12+$0x0], $0xffff  }
0x161: {  	v5 =	vmul.f32 v7, v5;
	v7 =	vadd.f32 v21, v20;
	v20 =	vld.idx.msk [tilespmem:v25+s13+$0x0], $0xffff  }
0x162: {  	v11 =	vmul.f32 v14, v11;
	v13 =	vadd.f32 v13, v22;
	v14 =	vld.idx.msk [tilespmem:v27+s12+$0x0], $0xffff  }
0x163: {  	v6 =	vmul.f32 v9, v6;
	v5 =	vadd.f32 v5, v7;
	v7 =	vld.idx.msk [tilespmem:v27+s13+$0x0], $0xffff  }
0x164: {  	v11 =	vadd.f32 v11, v13;
	v13 =	vld.idx.msk [tilespmem:v8+s12+$0x0], $0xffff;
	v9 =	vmul.f32 v19, v28  }
0x165: {  	v8 =	vld.idx.msk [tilespmem:v8+s13+$0x0], $0xffff;
	v16 =	vmul.f32 v16, v26;
	v5 =	vadd.f32 v6, v5  }
0x166: {  	v6 =	vadd.f32 v9, v11;
	v9 =	vmul.f32 v20, v15  }
0x167: {  	v11 =	vmul.f32 v18, v17;
	v5 =	vadd.f32 v16, v5  }
0x168: {  	v7 =	vmul.f32 v7, v14;
	v6 =	vadd.f32 v9, v6  }
0x169: {  	v5 =	vadd.f32 v11, v5  }
0x16a: {  	v9 =	vmul.f32 v10, v12;
	v6 =	vadd.f32 v7, v6;
	v7 =	vmul.f32 v8, v13;
	_ =	sdelay $0x1  }
0x16b: {  	v5 =	vadd.f32 v9, v5;
	v6 =	vadd.f32 v7, v6;
	_ =	sdelay $0x1  }
0x16c: {  	v5 =	vadd.f32 v6, v5;
	_ =	sdelay $0x1  }
0x16d: {  	v5 =	vsub.f32 $0.0e+00, v5;
	_ =	sdelay $0x1  }
0x16e: {  	v5 =	vmul.f32 $1.442695020e+00, v5;
	_ =	sdelay $0x1  }
0x16f: {  	(erf) = vpow2.f32 v5;
	_ =	sdelay $0x8  }
0x170: {  	v5 =	vpop (erf)  }
0x171: {  	v5 =	vadd.f32 $1.000000000e+00, v5;
	_ =	sdelay $0x1  }
0x172: {  	(erf) = vrcp.f32 v5;
	_ =	sdelay $0x8  }
0x173: {  	v5 =	vpop (erf)  }
0x174: {  	s23 =	sadd.s32 $0xA0, s21;
	[tilespmem:s21+$0xEF40] =	vst v5  }
0x175: {  	[tilespmem:s12], [sflag:$0x1] =	stream.indirect.gather [hbm4b:s0+s11], $0x80, s23, s11, $0xb8;
	[tilespmem:$0x11680] =	vst v63  }
0x176: {  	s31 =	sadd.s32 $0x2820, s21  }
0x177: {  	v6 =	vimm.s32 $0x0;
	[tilespmem:s13], [sflag:$0x1] =	stream.indirect.gather [hbm4b:s2+s11], $0x80, s31, s11, $0xb8;
	[tilespmem:$0x11680] =	vst v63  }
0x178: {  	v5 =	vand.u32 $0xFFFFFFF8, v6;
	_ =	swait.ge [sflag:s17], $0x2800  }
0x179: {  	v8 =	vadd.s32 v0, v5;
	[sflag:s17] =	ssyncset.done $0x0  }
0x17a: {  	[sflag:s17] =	ssyncadd.s32 $0xFFFFD800  }
0x17b: {  	v7 =	vor.u32 $0x6, v8;
	_ =	swait.ge [sflag:s17], $0x2800  }
0x17c: {  	[sflag:s17] =	ssyncset.done $0x0  }
0x17d: {  	v9 =	vor.u32 $0x4, v8;
	[sflag:s17] =	ssyncadd.s32 $0xFFFFD800  }
0x17e: {  	v12 =	vld.idx.msk [tilespmem:v8+s14+$0x0], $0xffff  }
0x17f: {  	v10 =	vor.u32 $0x2, v8;
	v14 =	vld.idx.msk [tilespmem:v8+s15+$0x0], $0xffff  }
0x180: {  	v5 =	vld.idx.msk [tilespmem:v7+s14+$0x0], $0xffff  }
0x181: {  	v11 =	vor.u32 $0x1, v8;
	v7 =	vld.idx.msk [tilespmem:v7+s15+$0x0], $0xffff  }
0x182: {  	v21 =	vld.idx.msk [tilespmem:v9+s14+$0x0], $0xffff  }
0x183: {  	v13 =	vor.u32 $0x3, v8;
	v25 =	vld.idx.msk [tilespmem:v9+s15+$0x0], $0xffff  }
0x184: {  	v9 =	vld.idx.msk [tilespmem:v10+s14+$0x0], $0xffff  }
0x185: {  	v15 =	vor.u32 $0x5, v8;
	v19 =	vld.idx.msk [tilespmem:v10+s15+$0x0], $0xffff  }
0x186: {  	v16 =	vld.idx.msk [tilespmem:v11+s14+$0x0], $0xffff  }
0x187: {  	v20 =	vor.u32 $0x7, v8;
	v18 =	vld.idx.msk [tilespmem:v11+s15+$0x0], $0xffff;
	v10 =	vadd.s32 $0x8, v6  }
0x188: {  	v24 =	vld.idx.msk [tilespmem:v13+s14+$0x0], $0xffff;
	v6 =	vand.u32 $0xFFFFFFF8, v10  }
0x189: {  	v26 =	vld.idx.msk [tilespmem:v13+s15+$0x0], $0xffff;
	v8 =	vadd.s32 v0, v6  }
0x18a: {  	v13 =	vld.idx.msk [tilespmem:v15+s14+$0x0], $0xffff  }
0x18b: {  	v15 =	vld.idx.msk [tilespmem:v15+s15+$0x0], $0xffff;
	v17 =	vor.u32 $0x6, v8  }
0x18c: {  	v11 =	vld.idx.msk [tilespmem:v20+s14+$0x0], $0xffff  }
0x18d: {  	v12 =	vmul.f32 v14, v12;
	v22 =	vmul.f32 v18, v16;
	v14 =	vld.idx.msk [tilespmem:v20+s15+$0x0], $0xffff;
	v18 =	vor.u32 $0x4, v8  }
0x18e: {  	v27 =	vimm.f32 $0.0e+00;
	v16 =	vor.u32 $0x2, v8;
	v20 =	vmul.f32 v19, v9;
	v6 =	vld.idx.msk [tilespmem:v8+s14+$0x0], $0xffff  }
0x18f: {  	v24 =	vmul.f32 v26, v24;
	v9 =	vld.idx.msk [tilespmem:v8+s15+$0x0], $0xffff;
	v23 =	vadd.f32 v12, v27;
	v22 =	vadd.f32 v22, v27  }
0x190: {  	s23 =	simm.s32 $0xE;
	v19 =	vor.u32 $0x1, v8;
	v21 =	vmul.f32 v25, v21;
	v12 =	vld.idx.msk [tilespmem:v17+s14+$0x0], $0xffff  }
.LBB2_13:
0x191: {  	p0 =	sne.s32 s23, $0x1;
	v17 =	vld.idx.msk [tilespmem:v17+s15+$0x0], $0xffff;
	v20 =	vadd.f32 v20, v23;
	v22 =	vadd.f32 v24, v22;
	v13 =	vmul.f32 v15, v13  }
0x192: {  	v15 =	vor.u32 $0x3, v8;
	v5 =	vmul.f32 v7, v5;
	v25 =	vld.idx.msk [tilespmem:v18+s14+$0x0], $0xffff  }
0x193: {  	v11 =	vmul.f32 v14, v11;
	v26 =	vld.idx.msk [tilespmem:v18+s15+$0x0], $0xffff;
	v7 =	vadd.f32 v21, v20;
	v13 =	vadd.f32 v13, v22  }
0x194: {  	v20 =	vld.idx.msk [tilespmem:v16+s14+$0x0], $0xffff  }
0x195: {  	v14 =	vor.u32 $0x5, v8;
	v21 =	vld.idx.msk [tilespmem:v16+s15+$0x0], $0xffff;
	v22 =	vadd.f32 v5, v7;
	v24 =	vadd.f32 v11, v13  }
0x196: {  	v5 =	vmov v12;
	v16 =	vld.idx.msk [tilespmem:v19+s14+$0x0], $0xffff  }
0x197: {  	v10 =	vadd.s32 $0x8, v10;
	v12 =	vld.idx.msk [tilespmem:v19+s15+$0x0], $0xffff;
	v19 =	vor.u32 $0x7, v8;
	v7 =	vmov v17  }
0x198: {  	v8 =	vand.u32 $0xFFFFFFF8, v10;
	v27 =	vld.idx.msk [tilespmem:v15+s14+$0x0], $0xffff  }
0x199: {  	v8 =	vadd.s32 v0, v8;
	v28 =	vld.idx.msk [tilespmem:v15+s15+$0x0], $0xffff  }
0x19a: {  	v13 =	vld.idx.msk [tilespmem:v14+s14+$0x0], $0xffff  }
0x19b: {  	v17 =	vor.u32 $0x6, v8;
	v15 =	vld.idx.msk [tilespmem:v14+s15+$0x0], $0xffff  }
.Ltmp5:
0x19c: {  	v11 =	vld.idx.msk [tilespmem:v19+s14+$0x0], $0xffff;
	(pc) =	sbr.rel @p0 .LBB2_13-.Ltmp5, $4  }
0x19d: {  	v23 =	vmul.f32 v9, v6;
	v18 =	vor.u32 $0x4, v8;
	v12 =	vmul.f32 v12, v16;
	v14 =	vld.idx.msk [tilespmem:v19+s15+$0x0], $0xffff  }
0x19e: {  	v20 =	vmul.f32 v21, v20;
	v16 =	vor.u32 $0x2, v8;
	v6 =	vld.idx.msk [tilespmem:v8+s14+$0x0], $0xffff  }
0x19f: {  	v23 =	vadd.f32 v23, v22;
	v22 =	vadd.f32 v12, v24;
	v24 =	vmul.f32 v28, v27;
	v9 =	vld.idx.msk [tilespmem:v8+s15+$0x0], $0xffff  }
0x1a0: {  	s23 =	sadd.s32 $0xFFFFFFFF, s23;
	v21 =	vmul.f32 v26, v25;
	v19 =	vor.u32 $0x1, v8;
	v12 =	vld.idx.msk [tilespmem:v17+s14+$0x0], $0xffff  }
0x1a1: {  	_ =	sdelay $0x3  }
0x1a2: {  	v10 =	vld.idx.msk [tilespmem:v17+s15+$0x0], $0xffff  }
0x1a3: {  	v17 =	vld.idx.msk [tilespmem:v18+s14+$0x0], $0xffff  }
0x1a4: {  	v25 =	vor.u32 $0x3, v8;
	v18 =	vld.idx.msk [tilespmem:v18+s15+$0x0], $0xffff  }
0x1a5: {  	v26 =	vld.idx.msk [tilespmem:v16+s14+$0x0], $0xffff  }
0x1a6: {  	v16 =	vld.idx.msk [tilespmem:v16+s15+$0x0], $0xffff;
	v27 =	vor.u32 $0x5, v8  }
0x1a7: {  	v28 =	vld.idx.msk [tilespmem:v19+s14+$0x0], $0xffff  }
0x1a8: {  	v20 =	vadd.f32 v20, v23;
	v19 =	vld.idx.msk [tilespmem:v19+s15+$0x0], $0xffff;
	v8 =	vor.u32 $0x7, v8  }
0x1a9: {  	v22 =	vadd.f32 v24, v22;
	v13 =	vmul.f32 v15, v13;
	v15 =	vld.idx.msk [tilespmem:v25+s14+$0x0], $0xffff  }
0x1aa: {  	v5 =	vmul.f32 v7, v5;
	v7 =	vadd.f32 v21, v20;
	v20 =	vld.idx.msk [tilespmem:v25+s15+$0x0], $0xffff  }
0x1ab: {  	v11 =	vmul.f32 v14, v11;
	v13 =	vadd.f32 v13, v22;
	v14 =	vld.idx.msk [tilespmem:v27+s14+$0x0], $0xffff  }
0x1ac: {  	v6 =	vmul.f32 v9, v6;
	v5 =	vadd.f32 v5, v7;
	v7 =	vld.idx.msk [tilespmem:v27+s15+$0x0], $0xffff  }
0x1ad: {  	v11 =	vadd.f32 v11, v13;
	v13 =	vld.idx.msk [tilespmem:v8+s14+$0x0], $0xffff;
	v9 =	vmul.f32 v19, v28  }
0x1ae: {  	v8 =	vld.idx.msk [tilespmem:v8+s15+$0x0], $0xffff;
	v16 =	vmul.f32 v16, v26;
	v5 =	vadd.f32 v6, v5  }
0x1af: {  	v6 =	vadd.f32 v9, v11;
	v9 =	vmul.f32 v20, v15  }
0x1b0: {  	v11 =	vmul.f32 v18, v17;
	v5 =	vadd.f32 v16, v5  }
0x1b1: {  	v7 =	vmul.f32 v7, v14;
	v6 =	vadd.f32 v9, v6  }
0x1b2: {  	v5 =	vadd.f32 v11, v5  }
0x1b3: {  	v9 =	vmul.f32 v10, v12;
	v6 =	vadd.f32 v7, v6;
	v7 =	vmul.f32 v8, v13;
	_ =	sdelay $0x1  }
0x1b4: {  	v5 =	vadd.f32 v9, v5;
	v6 =	vadd.f32 v7, v6;
	_ =	sdelay $0x1  }
0x1b5: {  	v5 =	vadd.f32 v6, v5;
	_ =	sdelay $0x1  }
0x1b6: {  	v5 =	vsub.f32 $0.0e+00, v5;
	_ =	sdelay $0x1  }
0x1b7: {  	v5 =	vmul.f32 $1.442695020e+00, v5;
	_ =	sdelay $0x1  }
0x1b8: {  	(erf) = vpow2.f32 v5;
	_ =	sdelay $0x8  }
0x1b9: {  	v5 =	vpop (erf)  }
0x1ba: {  	v5 =	vadd.f32 $1.000000000e+00, v5;
	_ =	sdelay $0x1  }
0x1bb: {  	(erf) = vrcp.f32 v5;
	_ =	sdelay $0x3  }
0x1bc: {  	v6 =	vimm.s32 $0x0  }
0x1bd: {  	v5 =	vand.u32 $0xFFFFFFF8, v6  }
0x1be: {  	v8 =	vadd.s32 v1, v5;
	_ =	sdelay $0x1  }
0x1bf: {  	v7 =	vor.u32 $0x6, v8  }
0x1c0: {  	v5 =	vpop (erf)  }
0x1c1: {  	v9 =	vor.u32 $0x4, v8;
	[tilespmem:s22+$0xEF00] =	vst v5  }
0x1c2: {  	v12 =	vld.idx.msk [tilespmem:v8+s14+$0x0], $0xffff  }
0x1c3: {  	v10 =	vor.u32 $0x2, v8;
	v14 =	vld.idx.msk [tilespmem:v8+s15+$0x0], $0xffff  }
0x1c4: {  	v5 =	vld.idx.msk [tilespmem:v7+s14+$0x0], $0xffff  }
0x1c5: {  	v11 =	vor.u32 $0x1, v8;
	v7 =	vld.idx.msk [tilespmem:v7+s15+$0x0], $0xffff  }
0x1c6: {  	v21 =	vld.idx.msk [tilespmem:v9+s14+$0x0], $0xffff  }
0x1c7: {  	v13 =	vor.u32 $0x3, v8;
	v25 =	vld.idx.msk [tilespmem:v9+s15+$0x0], $0xffff  }
0x1c8: {  	v9 =	vld.idx.msk [tilespmem:v10+s14+$0x0], $0xffff  }
0x1c9: {  	v15 =	vor.u32 $0x5, v8;
	v19 =	vld.idx.msk [tilespmem:v10+s15+$0x0], $0xffff  }
0x1ca: {  	v16 =	vld.idx.msk [tilespmem:v11+s14+$0x0], $0xffff  }
0x1cb: {  	v20 =	vor.u32 $0x7, v8;
	v18 =	vld.idx.msk [tilespmem:v11+s15+$0x0], $0xffff;
	v10 =	vadd.s32 $0x8, v6  }
0x1cc: {  	v24 =	vld.idx.msk [tilespmem:v13+s14+$0x0], $0xffff;
	v6 =	vand.u32 $0xFFFFFFF8, v10  }
0x1cd: {  	v26 =	vld.idx.msk [tilespmem:v13+s15+$0x0], $0xffff;
	v8 =	vadd.s32 v1, v6  }
0x1ce: {  	v13 =	vld.idx.msk [tilespmem:v15+s14+$0x0], $0xffff  }
0x1cf: {  	v15 =	vld.idx.msk [tilespmem:v15+s15+$0x0], $0xffff;
	v17 =	vor.u32 $0x6, v8  }
0x1d0: {  	v11 =	vld.idx.msk [tilespmem:v20+s14+$0x0], $0xffff  }
0x1d1: {  	v12 =	vmul.f32 v14, v12;
	v22 =	vmul.f32 v18, v16;
	v14 =	vld.idx.msk [tilespmem:v20+s15+$0x0], $0xffff;
	v18 =	vor.u32 $0x4, v8  }
0x1d2: {  	v27 =	vimm.f32 $0.0e+00;
	v16 =	vor.u32 $0x2, v8;
	v20 =	vmul.f32 v19, v9;
	v6 =	vld.idx.msk [tilespmem:v8+s14+$0x0], $0xffff  }
0x1d3: {  	v24 =	vmul.f32 v26, v24;
	v9 =	vld.idx.msk [tilespmem:v8+s15+$0x0], $0xffff;
	v23 =	vadd.f32 v12, v27;
	v22 =	vadd.f32 v22, v27  }
0x1d4: {  	s22 =	simm.s32 $0xE;
	v19 =	vor.u32 $0x1, v8;
	v21 =	vmul.f32 v25, v21;
	v12 =	vld.idx.msk [tilespmem:v17+s14+$0x0], $0xffff  }
.LBB2_15:
0x1d5: {  	p0 =	sne.s32 s22, $0x1;
	v17 =	vld.idx.msk [tilespmem:v17+s15+$0x0], $0xffff;
	v20 =	vadd.f32 v20, v23;
	v22 =	vadd.f32 v24, v22;
	v13 =	vmul.f32 v15, v13  }
0x1d6: {  	v15 =	vor.u32 $0x3, v8;
	v5 =	vmul.f32 v7, v5;
	v25 =	vld.idx.msk [tilespmem:v18+s14+$0x0], $0xffff  }
0x1d7: {  	v11 =	vmul.f32 v14, v11;
	v26 =	vld.idx.msk [tilespmem:v18+s15+$0x0], $0xffff;
	v7 =	vadd.f32 v21, v20;
	v13 =	vadd.f32 v13, v22  }
0x1d8: {  	v20 =	vld.idx.msk [tilespmem:v16+s14+$0x0], $0xffff  }
0x1d9: {  	v14 =	vor.u32 $0x5, v8;
	v21 =	vld.idx.msk [tilespmem:v16+s15+$0x0], $0xffff;
	v22 =	vadd.f32 v5, v7;
	v24 =	vadd.f32 v11, v13  }
0x1da: {  	v5 =	vmov v12;
	v16 =	vld.idx.msk [tilespmem:v19+s14+$0x0], $0xffff  }
0x1db: {  	v10 =	vadd.s32 $0x8, v10;
	v12 =	vld.idx.msk [tilespmem:v19+s15+$0x0], $0xffff;
	v19 =	vor.u32 $0x7, v8;
	v7 =	vmov v17  }
0x1dc: {  	v8 =	vand.u32 $0xFFFFFFF8, v10;
	v27 =	vld.idx.msk [tilespmem:v15+s14+$0x0], $0xffff  }
0x1dd: {  	v8 =	vadd.s32 v1, v8;
	v28 =	vld.idx.msk [tilespmem:v15+s15+$0x0], $0xffff  }
0x1de: {  	v13 =	vld.idx.msk [tilespmem:v14+s14+$0x0], $0xffff  }
0x1df: {  	v17 =	vor.u32 $0x6, v8;
	v15 =	vld.idx.msk [tilespmem:v14+s15+$0x0], $0xffff  }
.Ltmp6:
0x1e0: {  	v11 =	vld.idx.msk [tilespmem:v19+s14+$0x0], $0xffff;
	(pc) =	sbr.rel @p0 .LBB2_15-.Ltmp6, $4  }
0x1e1: {  	v23 =	vmul.f32 v9, v6;
	v18 =	vor.u32 $0x4, v8;
	v12 =	vmul.f32 v12, v16;
	v14 =	vld.idx.msk [tilespmem:v19+s15+$0x0], $0xffff  }
0x1e2: {  	v20 =	vmul.f32 v21, v20;
	v16 =	vor.u32 $0x2, v8;
	v6 =	vld.idx.msk [tilespmem:v8+s14+$0x0], $0xffff  }
0x1e3: {  	v23 =	vadd.f32 v23, v22;
	v22 =	vadd.f32 v12, v24;
	v24 =	vmul.f32 v28, v27;
	v9 =	vld.idx.msk [tilespmem:v8+s15+$0x0], $0xffff  }
0x1e4: {  	s22 =	sadd.s32 $0xFFFFFFFF, s22;
	v21 =	vmul.f32 v26, v25;
	v19 =	vor.u32 $0x1, v8;
	v12 =	vld.idx.msk [tilespmem:v17+s14+$0x0], $0xffff  }
0x1e5: {  	_ =	sdelay $0x3  }
0x1e6: {  	v10 =	vld.idx.msk [tilespmem:v17+s15+$0x0], $0xffff  }
0x1e7: {  	v17 =	vld.idx.msk [tilespmem:v18+s14+$0x0], $0xffff  }
0x1e8: {  	v25 =	vor.u32 $0x3, v8;
	v18 =	vld.idx.msk [tilespmem:v18+s15+$0x0], $0xffff  }
0x1e9: {  	v26 =	vld.idx.msk [tilespmem:v16+s14+$0x0], $0xffff  }
0x1ea: {  	v16 =	vld.idx.msk [tilespmem:v16+s15+$0x0], $0xffff;
	v27 =	vor.u32 $0x5, v8  }
0x1eb: {  	v28 =	vld.idx.msk [tilespmem:v19+s14+$0x0], $0xffff  }
0x1ec: {  	v20 =	vadd.f32 v20, v23;
	v19 =	vld.idx.msk [tilespmem:v19+s15+$0x0], $0xffff;
	v8 =	vor.u32 $0x7, v8  }
0x1ed: {  	v22 =	vadd.f32 v24, v22;
	v13 =	vmul.f32 v15, v13;
	v15 =	vld.idx.msk [tilespmem:v25+s14+$0x0], $0xffff  }
0x1ee: {  	v5 =	vmul.f32 v7, v5;
	v7 =	vadd.f32 v21, v20;
	v20 =	vld.idx.msk [tilespmem:v25+s15+$0x0], $0xffff  }
0x1ef: {  	v11 =	vmul.f32 v14, v11;
	v13 =	vadd.f32 v13, v22;
	v14 =	vld.idx.msk [tilespmem:v27+s14+$0x0], $0xffff  }
0x1f0: {  	v6 =	vmul.f32 v9, v6;
	v5 =	vadd.f32 v5, v7;
	v7 =	vld.idx.msk [tilespmem:v27+s15+$0x0], $0xffff  }
0x1f1: {  	v11 =	vadd.f32 v11, v13;
	v13 =	vld.idx.msk [tilespmem:v8+s14+$0x0], $0xffff;
	v9 =	vmul.f32 v19, v28  }
0x1f2: {  	v8 =	vld.idx.msk [tilespmem:v8+s15+$0x0], $0xffff;
	v16 =	vmul.f32 v16, v26;
	v5 =	vadd.f32 v6, v5  }
0x1f3: {  	v6 =	vadd.f32 v9, v11;
	v9 =	vmul.f32 v20, v15  }
0x1f4: {  	v11 =	vmul.f32 v18, v17;
	v5 =	vadd.f32 v16, v5  }
0x1f5: {  	v7 =	vmul.f32 v7, v14;
	v6 =	vadd.f32 v9, v6  }
0x1f6: {  	v5 =	vadd.f32 v11, v5  }
0x1f7: {  	v9 =	vmul.f32 v10, v12;
	v6 =	vadd.f32 v7, v6;
	v7 =	vmul.f32 v8, v13;
	_ =	sdelay $0x1  }
0x1f8: {  	v5 =	vadd.f32 v9, v5;
	v6 =	vadd.f32 v7, v6;
	_ =	sdelay $0x1  }
0x1f9: {  	v5 =	vadd.f32 v6, v5;
	_ =	sdelay $0x1  }
0x1fa: {  	v5 =	vsub.f32 $0.0e+00, v5;
	_ =	sdelay $0x1  }
0x1fb: {  	v5 =	vmul.f32 $1.442695020e+00, v5;
	_ =	sdelay $0x1  }
0x1fc: {  	(erf) = vpow2.f32 v5;
	_ =	sdelay $0x8  }
0x1fd: {  	v5 =	vpop (erf)  }
0x1fe: {  	v5 =	vadd.f32 $1.000000000e+00, v5;
	_ =	sdelay $0x1  }
0x1ff: {  	(erf) = vrcp.f32 v5;
	_ =	sdelay $0x3  }
0x200: {  	v6 =	vimm.s32 $0x0  }
0x201: {  	v5 =	vand.u32 $0xFFFFFFF8, v6  }
0x202: {  	v8 =	vadd.s32 v2, v5;
	_ =	sdelay $0x1  }
0x203: {  	v7 =	vor.u32 $0x6, v8  }
0x204: {  	v5 =	vpop (erf)  }
0x205: {  	v9 =	vor.u32 $0x4, v8;
	[tilespmem:s21+$0xEF60] =	vst v5  }
0x206: {  	v12 =	vld.idx.msk [tilespmem:v8+s14+$0x0], $0xffff  }
0x207: {  	v10 =	vor.u32 $0x2, v8;
	v14 =	vld.idx.msk [tilespmem:v8+s15+$0x0], $0xffff  }
0x208: {  	v5 =	vld.idx.msk [tilespmem:v7+s14+$0x0], $0xffff  }
0x209: {  	v11 =	vor.u32 $0x1, v8;
	v7 =	vld.idx.msk [tilespmem:v7+s15+$0x0], $0xffff  }
0x20a: {  	v21 =	vld.idx.msk [tilespmem:v9+s14+$0x0], $0xffff  }
0x20b: {  	v13 =	vor.u32 $0x3, v8;
	v25 =	vld.idx.msk [tilespmem:v9+s15+$0x0], $0xffff  }
0x20c: {  	v9 =	vld.idx.msk [tilespmem:v10+s14+$0x0], $0xffff  }
0x20d: {  	v15 =	vor.u32 $0x5, v8;
	v19 =	vld.idx.msk [tilespmem:v10+s15+$0x0], $0xffff  }
0x20e: {  	v16 =	vld.idx.msk [tilespmem:v11+s14+$0x0], $0xffff  }
0x20f: {  	v20 =	vor.u32 $0x7, v8;
	v18 =	vld.idx.msk [tilespmem:v11+s15+$0x0], $0xffff;
	v10 =	vadd.s32 $0x8, v6  }
0x210: {  	v24 =	vld.idx.msk [tilespmem:v13+s14+$0x0], $0xffff;
	v6 =	vand.u32 $0xFFFFFFF8, v10  }
0x211: {  	v26 =	vld.idx.msk [tilespmem:v13+s15+$0x0], $0xffff;
	v8 =	vadd.s32 v2, v6  }
0x212: {  	v13 =	vld.idx.msk [tilespmem:v15+s14+$0x0], $0xffff  }
0x213: {  	v15 =	vld.idx.msk [tilespmem:v15+s15+$0x0], $0xffff;
	v17 =	vor.u32 $0x6, v8  }
0x214: {  	v11 =	vld.idx.msk [tilespmem:v20+s14+$0x0], $0xffff  }
0x215: {  	v12 =	vmul.f32 v14, v12;
	v22 =	vmul.f32 v18, v16;
	v14 =	vld.idx.msk [tilespmem:v20+s15+$0x0], $0xffff;
	v18 =	vor.u32 $0x4, v8  }
0x216: {  	v27 =	vimm.f32 $0.0e+00;
	v16 =	vor.u32 $0x2, v8;
	v20 =	vmul.f32 v19, v9;
	v6 =	vld.idx.msk [tilespmem:v8+s14+$0x0], $0xffff  }
0x217: {  	v24 =	vmul.f32 v26, v24;
	v9 =	vld.idx.msk [tilespmem:v8+s15+$0x0], $0xffff;
	v23 =	vadd.f32 v12, v27;
	v22 =	vadd.f32 v22, v27  }
0x218: {  	s22 =	simm.s32 $0xE;
	v19 =	vor.u32 $0x1, v8;
	v21 =	vmul.f32 v25, v21;
	v12 =	vld.idx.msk [tilespmem:v17+s14+$0x0], $0xffff  }
.LBB2_17:
0x219: {  	p0 =	sne.s32 s22, $0x1;
	v17 =	vld.idx.msk [tilespmem:v17+s15+$0x0], $0xffff;
	v20 =	vadd.f32 v20, v23;
	v22 =	vadd.f32 v24, v22;
	v13 =	vmul.f32 v15, v13  }
0x21a: {  	v15 =	vor.u32 $0x3, v8;
	v5 =	vmul.f32 v7, v5;
	v25 =	vld.idx.msk [tilespmem:v18+s14+$0x0], $0xffff  }
0x21b: {  	v11 =	vmul.f32 v14, v11;
	v26 =	vld.idx.msk [tilespmem:v18+s15+$0x0], $0xffff;
	v7 =	vadd.f32 v21, v20;
	v13 =	vadd.f32 v13, v22  }
0x21c: {  	v20 =	vld.idx.msk [tilespmem:v16+s14+$0x0], $0xffff  }
0x21d: {  	v14 =	vor.u32 $0x5, v8;
	v21 =	vld.idx.msk [tilespmem:v16+s15+$0x0], $0xffff;
	v22 =	vadd.f32 v5, v7;
	v24 =	vadd.f32 v11, v13  }
0x21e: {  	v5 =	vmov v12;
	v16 =	vld.idx.msk [tilespmem:v19+s14+$0x0], $0xffff  }
0x21f: {  	v10 =	vadd.s32 $0x8, v10;
	v12 =	vld.idx.msk [tilespmem:v19+s15+$0x0], $0xffff;
	v19 =	vor.u32 $0x7, v8;
	v7 =	vmov v17  }
0x220: {  	v8 =	vand.u32 $0xFFFFFFF8, v10;
	v27 =	vld.idx.msk [tilespmem:v15+s14+$0x0], $0xffff  }
0x221: {  	v8 =	vadd.s32 v2, v8;
	v28 =	vld.idx.msk [tilespmem:v15+s15+$0x0], $0xffff  }
0x222: {  	v13 =	vld.idx.msk [tilespmem:v14+s14+$0x0], $0xffff  }
0x223: {  	v17 =	vor.u32 $0x6, v8;
	v15 =	vld.idx.msk [tilespmem:v14+s15+$0x0], $0xffff  }
.Ltmp7:
0x224: {  	v11 =	vld.idx.msk [tilespmem:v19+s14+$0x0], $0xffff;
	(pc) =	sbr.rel @p0 .LBB2_17-.Ltmp7, $4  }
0x225: {  	v23 =	vmul.f32 v9, v6;
	v18 =	vor.u32 $0x4, v8;
	v12 =	vmul.f32 v12, v16;
	v14 =	vld.idx.msk [tilespmem:v19+s15+$0x0], $0xffff  }
0x226: {  	v20 =	vmul.f32 v21, v20;
	v16 =	vor.u32 $0x2, v8;
	v6 =	vld.idx.msk [tilespmem:v8+s14+$0x0], $0xffff  }
0x227: {  	v23 =	vadd.f32 v23, v22;
	v22 =	vadd.f32 v12, v24;
	v24 =	vmul.f32 v28, v27;
	v9 =	vld.idx.msk [tilespmem:v8+s15+$0x0], $0xffff  }
0x228: {  	s22 =	sadd.s32 $0xFFFFFFFF, s22;
	v21 =	vmul.f32 v26, v25;
	v19 =	vor.u32 $0x1, v8;
	v12 =	vld.idx.msk [tilespmem:v17+s14+$0x0], $0xffff  }
0x229: {  	_ =	sdelay $0x3  }
0x22a: {  	v10 =	vld.idx.msk [tilespmem:v17+s15+$0x0], $0xffff  }
0x22b: {  	v17 =	vld.idx.msk [tilespmem:v18+s14+$0x0], $0xffff  }
0x22c: {  	v25 =	vor.u32 $0x3, v8;
	v18 =	vld.idx.msk [tilespmem:v18+s15+$0x0], $0xffff  }
0x22d: {  	v26 =	vld.idx.msk [tilespmem:v16+s14+$0x0], $0xffff  }
0x22e: {  	v16 =	vld.idx.msk [tilespmem:v16+s15+$0x0], $0xffff;
	v27 =	vor.u32 $0x5, v8  }
0x22f: {  	v28 =	vld.idx.msk [tilespmem:v19+s14+$0x0], $0xffff  }
0x230: {  	v20 =	vadd.f32 v20, v23;
	v19 =	vld.idx.msk [tilespmem:v19+s15+$0x0], $0xffff;
	v8 =	vor.u32 $0x7, v8  }
0x231: {  	v22 =	vadd.f32 v24, v22;
	v13 =	vmul.f32 v15, v13;
	v15 =	vld.idx.msk [tilespmem:v25+s14+$0x0], $0xffff  }
0x232: {  	v5 =	vmul.f32 v7, v5;
	v7 =	vadd.f32 v21, v20;
	v20 =	vld.idx.msk [tilespmem:v25+s15+$0x0], $0xffff  }
0x233: {  	v11 =	vmul.f32 v14, v11;
	v13 =	vadd.f32 v13, v22;
	v14 =	vld.idx.msk [tilespmem:v27+s14+$0x0], $0xffff  }
0x234: {  	v6 =	vmul.f32 v9, v6;
	v5 =	vadd.f32 v5, v7;
	v7 =	vld.idx.msk [tilespmem:v27+s15+$0x0], $0xffff  }
0x235: {  	v11 =	vadd.f32 v11, v13;
	v13 =	vld.idx.msk [tilespmem:v8+s14+$0x0], $0xffff;
	v9 =	vmul.f32 v19, v28  }
0x236: {  	v8 =	vld.idx.msk [tilespmem:v8+s15+$0x0], $0xffff;
	v16 =	vmul.f32 v16, v26;
	v5 =	vadd.f32 v6, v5  }
0x237: {  	v6 =	vadd.f32 v9, v11;
	v9 =	vmul.f32 v20, v15  }
0x238: {  	v11 =	vmul.f32 v18, v17;
	v5 =	vadd.f32 v16, v5  }
0x239: {  	v7 =	vmul.f32 v7, v14;
	v6 =	vadd.f32 v9, v6  }
0x23a: {  	v5 =	vadd.f32 v11, v5  }
0x23b: {  	v9 =	vmul.f32 v10, v12;
	v6 =	vadd.f32 v7, v6;
	v7 =	vmul.f32 v8, v13;
	_ =	sdelay $0x1  }
0x23c: {  	v5 =	vadd.f32 v9, v5;
	v6 =	vadd.f32 v7, v6;
	_ =	sdelay $0x1  }
0x23d: {  	v5 =	vadd.f32 v6, v5;
	_ =	sdelay $0x1  }
0x23e: {  	v5 =	vsub.f32 $0.0e+00, v5;
	_ =	sdelay $0x1  }
0x23f: {  	v5 =	vmul.f32 $1.442695020e+00, v5;
	_ =	sdelay $0x1  }
0x240: {  	(erf) = vpow2.f32 v5;
	_ =	sdelay $0x8  }
0x241: {  	v5 =	vpop (erf)  }
0x242: {  	v5 =	vadd.f32 $1.000000000e+00, v5;
	_ =	sdelay $0x1  }
0x243: {  	(erf) = vrcp.f32 v5;
	_ =	sdelay $0x3  }
0x244: {  	v6 =	vimm.s32 $0x0  }
0x245: {  	v5 =	vand.u32 $0xFFFFFFF8, v6  }
0x246: {  	v8 =	vadd.s32 v3, v5;
	_ =	sdelay $0x1  }
0x247: {  	v7 =	vor.u32 $0x6, v8  }
0x248: {  	v5 =	vpop (erf)  }
0x249: {  	v9 =	vor.u32 $0x4, v8;
	[tilespmem:s21+$0xEF70] =	vst v5  }
0x24a: {  	v12 =	vld.idx.msk [tilespmem:v8+s14+$0x0], $0xffff  }
0x24b: {  	v10 =	vor.u32 $0x2, v8;
	v14 =	vld.idx.msk [tilespmem:v8+s15+$0x0], $0xffff  }
0x24c: {  	v5 =	vld.idx.msk [tilespmem:v7+s14+$0x0], $0xffff  }
0x24d: {  	v11 =	vor.u32 $0x1, v8;
	v7 =	vld.idx.msk [tilespmem:v7+s15+$0x0], $0xffff  }
0x24e: {  	v21 =	vld.idx.msk [tilespmem:v9+s14+$0x0], $0xffff  }
0x24f: {  	v13 =	vor.u32 $0x3, v8;
	v25 =	vld.idx.msk [tilespmem:v9+s15+$0x0], $0xffff  }
0x250: {  	v9 =	vld.idx.msk [tilespmem:v10+s14+$0x0], $0xffff  }
0x251: {  	v15 =	vor.u32 $0x5, v8;
	v19 =	vld.idx.msk [tilespmem:v10+s15+$0x0], $0xffff  }
0x252: {  	v16 =	vld.idx.msk [tilespmem:v11+s14+$0x0], $0xffff  }
0x253: {  	v20 =	vor.u32 $0x7, v8;
	v18 =	vld.idx.msk [tilespmem:v11+s15+$0x0], $0xffff;
	v10 =	vadd.s32 $0x8, v6  }
0x254: {  	v24 =	vld.idx.msk [tilespmem:v13+s14+$0x0], $0xffff;
	v6 =	vand.u32 $0xFFFFFFF8, v10  }
0x255: {  	v26 =	vld.idx.msk [tilespmem:v13+s15+$0x0], $0xffff;
	v8 =	vadd.s32 v3, v6  }
0x256: {  	v13 =	vld.idx.msk [tilespmem:v15+s14+$0x0], $0xffff  }
0x257: {  	v15 =	vld.idx.msk [tilespmem:v15+s15+$0x0], $0xffff;
	v17 =	vor.u32 $0x6, v8  }
0x258: {  	v11 =	vld.idx.msk [tilespmem:v20+s14+$0x0], $0xffff  }
0x259: {  	v12 =	vmul.f32 v14, v12;
	v22 =	vmul.f32 v18, v16;
	v14 =	vld.idx.msk [tilespmem:v20+s15+$0x0], $0xffff;
	v18 =	vor.u32 $0x4, v8  }
0x25a: {  	v27 =	vimm.f32 $0.0e+00;
	v16 =	vor.u32 $0x2, v8;
	v20 =	vmul.f32 v19, v9;
	v6 =	vld.idx.msk [tilespmem:v8+s14+$0x0], $0xffff  }
0x25b: {  	v24 =	vmul.f32 v26, v24;
	v9 =	vld.idx.msk [tilespmem:v8+s15+$0x0], $0xffff;
	v23 =	vadd.f32 v12, v27;
	v22 =	vadd.f32 v22, v27  }
0x25c: {  	s22 =	simm.s32 $0xE;
	v19 =	vor.u32 $0x1, v8;
	v21 =	vmul.f32 v25, v21;
	v12 =	vld.idx.msk [tilespmem:v17+s14+$0x0], $0xffff  }
.LBB2_19:
0x25d: {  	p0 =	sne.s32 s22, $0x1;
	v17 =	vld.idx.msk [tilespmem:v17+s15+$0x0], $0xffff;
	v20 =	vadd.f32 v20, v23;
	v22 =	vadd.f32 v24, v22;
	v13 =	vmul.f32 v15, v13  }
0x25e: {  	v15 =	vor.u32 $0x3, v8;
	v5 =	vmul.f32 v7, v5;
	v25 =	vld.idx.msk [tilespmem:v18+s14+$0x0], $0xffff  }
0x25f: {  	v11 =	vmul.f32 v14, v11;
	v26 =	vld.idx.msk [tilespmem:v18+s15+$0x0], $0xffff;
	v7 =	vadd.f32 v21, v20;
	v13 =	vadd.f32 v13, v22  }
0x260: {  	v20 =	vld.idx.msk [tilespmem:v16+s14+$0x0], $0xffff  }
0x261: {  	v14 =	vor.u32 $0x5, v8;
	v21 =	vld.idx.msk [tilespmem:v16+s15+$0x0], $0xffff;
	v22 =	vadd.f32 v5, v7;
	v24 =	vadd.f32 v11, v13  }
0x262: {  	v5 =	vmov v12;
	v16 =	vld.idx.msk [tilespmem:v19+s14+$0x0], $0xffff  }
0x263: {  	v10 =	vadd.s32 $0x8, v10;
	v12 =	vld.idx.msk [tilespmem:v19+s15+$0x0], $0xffff;
	v19 =	vor.u32 $0x7, v8;
	v7 =	vmov v17  }
0x264: {  	v8 =	vand.u32 $0xFFFFFFF8, v10;
	v27 =	vld.idx.msk [tilespmem:v15+s14+$0x0], $0xffff  }
0x265: {  	v8 =	vadd.s32 v3, v8;
	v28 =	vld.idx.msk [tilespmem:v15+s15+$0x0], $0xffff  }
0x266: {  	v13 =	vld.idx.msk [tilespmem:v14+s14+$0x0], $0xffff  }
0x267: {  	v17 =	vor.u32 $0x6, v8;
	v15 =	vld.idx.msk [tilespmem:v14+s15+$0x0], $0xffff  }
.Ltmp8:
0x268: {  	v11 =	vld.idx.msk [tilespmem:v19+s14+$0x0], $0xffff;
	(pc) =	sbr.rel @p0 .LBB2_19-.Ltmp8, $4  }
0x269: {  	v23 =	vmul.f32 v9, v6;
	v18 =	vor.u32 $0x4, v8;
	v12 =	vmul.f32 v12, v16;
	v14 =	vld.idx.msk [tilespmem:v19+s15+$0x0], $0xffff  }
0x26a: {  	v20 =	vmul.f32 v21, v20;
	v16 =	vor.u32 $0x2, v8;
	v6 =	vld.idx.msk [tilespmem:v8+s14+$0x0], $0xffff  }
0x26b: {  	v23 =	vadd.f32 v23, v22;
	v22 =	vadd.f32 v12, v24;
	v24 =	vmul.f32 v28, v27;
	v9 =	vld.idx.msk [tilespmem:v8+s15+$0x0], $0xffff  }
0x26c: {  	s22 =	sadd.s32 $0xFFFFFFFF, s22;
	v21 =	vmul.f32 v26, v25;
	v19 =	vor.u32 $0x1, v8;
	v12 =	vld.idx.msk [tilespmem:v17+s14+$0x0], $0xffff  }
0x26d: {  	_ =	sdelay $0x3  }
0x26e: {  	v10 =	vld.idx.msk [tilespmem:v17+s15+$0x0], $0xffff  }
0x26f: {  	v17 =	vld.idx.msk [tilespmem:v18+s14+$0x0], $0xffff  }
0x270: {  	v25 =	vor.u32 $0x3, v8;
	v18 =	vld.idx.msk [tilespmem:v18+s15+$0x0], $0xffff  }
0x271: {  	v26 =	vld.idx.msk [tilespmem:v16+s14+$0x0], $0xffff  }
0x272: {  	v16 =	vld.idx.msk [tilespmem:v16+s15+$0x0], $0xffff;
	v27 =	vor.u32 $0x5, v8  }
0x273: {  	v28 =	vld.idx.msk [tilespmem:v19+s14+$0x0], $0xffff  }
0x274: {  	v20 =	vadd.f32 v20, v23;
	v19 =	vld.idx.msk [tilespmem:v19+s15+$0x0], $0xffff;
	v8 =	vor.u32 $0x7, v8  }
0x275: {  	v22 =	vadd.f32 v24, v22;
	v13 =	vmul.f32 v15, v13;
	v15 =	vld.idx.msk [tilespmem:v25+s14+$0x0], $0xffff  }
0x276: {  	v5 =	vmul.f32 v7, v5;
	v7 =	vadd.f32 v21, v20;
	v20 =	vld.idx.msk [tilespmem:v25+s15+$0x0], $0xffff  }
0x277: {  	v11 =	vmul.f32 v14, v11;
	v13 =	vadd.f32 v13, v22;
	v14 =	vld.idx.msk [tilespmem:v27+s14+$0x0], $0xffff  }
0x278: {  	v6 =	vmul.f32 v9, v6;
	v5 =	vadd.f32 v5, v7;
	v7 =	vld.idx.msk [tilespmem:v27+s15+$0x0], $0xffff  }
0x279: {  	v11 =	vadd.f32 v11, v13;
	v13 =	vld.idx.msk [tilespmem:v8+s14+$0x0], $0xffff;
	v9 =	vmul.f32 v19, v28  }
0x27a: {  	v8 =	vld.idx.msk [tilespmem:v8+s15+$0x0], $0xffff;
	v16 =	vmul.f32 v16, v26;
	v5 =	vadd.f32 v6, v5  }
0x27b: {  	v6 =	vadd.f32 v9, v11;
	v9 =	vmul.f32 v20, v15  }
0x27c: {  	v11 =	vmul.f32 v18, v17;
	v5 =	vadd.f32 v16, v5  }
0x27d: {  	v7 =	vmul.f32 v7, v14;
	v6 =	vadd.f32 v9, v6  }
0x27e: {  	v5 =	vadd.f32 v11, v5  }
0x27f: {  	v9 =	vmul.f32 v10, v12;
	v6 =	vadd.f32 v7, v6;
	v7 =	vmul.f32 v8, v13;
	_ =	sdelay $0x1  }
0x280: {  	v5 =	vadd.f32 v9, v5;
	v6 =	vadd.f32 v7, v6;
	_ =	sdelay $0x1  }
0x281: {  	v5 =	vadd.f32 v6, v5;
	_ =	sdelay $0x1  }
0x282: {  	v5 =	vsub.f32 $0.0e+00, v5;
	_ =	sdelay $0x1  }
0x283: {  	v5 =	vmul.f32 $1.442695020e+00, v5;
	_ =	sdelay $0x1  }
0x284: {  	(erf) = vpow2.f32 v5;
	_ =	sdelay $0x8  }
0x285: {  	v5 =	vpop (erf)  }
0x286: {  	v5 =	vadd.f32 $1.000000000e+00, v5;
	_ =	sdelay $0x1  }
0x287: {  	(erf) = vrcp.f32 v5;
	_ =	sdelay $0x3  }
0x288: {  	v6 =	vimm.s32 $0x0  }
0x289: {  	v5 =	vand.u32 $0xFFFFFFF8, v6  }
0x28a: {  	v8 =	vadd.s32 v4, v5;
	_ =	sdelay $0x1  }
0x28b: {  	v7 =	vor.u32 $0x6, v8  }
0x28c: {  	s22 =	sand.u32 $0x3FE0, s21;
	v5 =	vpop (erf)  }
0x28d: {  	v9 =	vor.u32 $0x4, v8;
	[tilespmem:s22+$0xEF80] =	vst v5  }
0x28e: {  	v12 =	vld.idx.msk [tilespmem:v8+s14+$0x0], $0xffff  }
0x28f: {  	v10 =	vor.u32 $0x2, v8;
	v14 =	vld.idx.msk [tilespmem:v8+s15+$0x0], $0xffff  }
0x290: {  	v5 =	vld.idx.msk [tilespmem:v7+s14+$0x0], $0xffff  }
0x291: {  	v11 =	vor.u32 $0x1, v8;
	v7 =	vld.idx.msk [tilespmem:v7+s15+$0x0], $0xffff  }
0x292: {  	v21 =	vld.idx.msk [tilespmem:v9+s14+$0x0], $0xffff  }
0x293: {  	v13 =	vor.u32 $0x3, v8;
	v25 =	vld.idx.msk [tilespmem:v9+s15+$0x0], $0xffff  }
0x294: {  	v9 =	vld.idx.msk [tilespmem:v10+s14+$0x0], $0xffff  }
0x295: {  	v15 =	vor.u32 $0x5, v8;
	v19 =	vld.idx.msk [tilespmem:v10+s15+$0x0], $0xffff  }
0x296: {  	v16 =	vld.idx.msk [tilespmem:v11+s14+$0x0], $0xffff  }
0x297: {  	v20 =	vor.u32 $0x7, v8;
	v18 =	vld.idx.msk [tilespmem:v11+s15+$0x0], $0xffff;
	v10 =	vadd.s32 $0x8, v6  }
0x298: {  	v24 =	vld.idx.msk [tilespmem:v13+s14+$0x0], $0xffff;
	v6 =	vand.u32 $0xFFFFFFF8, v10  }
0x299: {  	v26 =	vld.idx.msk [tilespmem:v13+s15+$0x0], $0xffff;
	v8 =	vadd.s32 v4, v6  }
0x29a: {  	v13 =	vld.idx.msk [tilespmem:v15+s14+$0x0], $0xffff  }
0x29b: {  	v15 =	vld.idx.msk [tilespmem:v15+s15+$0x0], $0xffff;
	v17 =	vor.u32 $0x6, v8  }
0x29c: {  	v11 =	vld.idx.msk [tilespmem:v20+s14+$0x0], $0xffff  }
0x29d: {  	v12 =	vmul.f32 v14, v12;
	v22 =	vmul.f32 v18, v16;
	v14 =	vld.idx.msk [tilespmem:v20+s15+$0x0], $0xffff;
	v18 =	vor.u32 $0x4, v8  }
0x29e: {  	v27 =	vimm.f32 $0.0e+00;
	v16 =	vor.u32 $0x2, v8;
	v20 =	vmul.f32 v19, v9;
	v6 =	vld.idx.msk [tilespmem:v8+s14+$0x0], $0xffff  }
0x29f: {  	v24 =	vmul.f32 v26, v24;
	v9 =	vld.idx.msk [tilespmem:v8+s15+$0x0], $0xffff;
	v23 =	vadd.f32 v12, v27;
	v22 =	vadd.f32 v22, v27  }
0x2a0: {  	s22 =	simm.s32 $0xE;
	v19 =	vor.u32 $0x1, v8;
	v21 =	vmul.f32 v25, v21;
	v12 =	vld.idx.msk [tilespmem:v17+s14+$0x0], $0xffff  }
.LBB2_21:
0x2a1: {  	p0 =	sne.s32 s22, $0x1;
	v17 =	vld.idx.msk [tilespmem:v17+s15+$0x0], $0xffff;
	v20 =	vadd.f32 v20, v23;
	v22 =	vadd.f32 v24, v22;
	v13 =	vmul.f32 v15, v13  }
0x2a2: {  	v15 =	vor.u32 $0x3, v8;
	v5 =	vmul.f32 v7, v5;
	v25 =	vld.idx.msk [tilespmem:v18+s14+$0x0], $0xffff  }
0x2a3: {  	v11 =	vmul.f32 v14, v11;
	v26 =	vld.idx.msk [tilespmem:v18+s15+$0x0], $0xffff;
	v7 =	vadd.f32 v21, v20;
	v13 =	vadd.f32 v13, v22  }
0x2a4: {  	v20 =	vld.idx.msk [tilespmem:v16+s14+$0x0], $0xffff  }
0x2a5: {  	v14 =	vor.u32 $0x5, v8;
	v21 =	vld.idx.msk [tilespmem:v16+s15+$0x0], $0xffff;
	v22 =	vadd.f32 v5, v7;
	v24 =	vadd.f32 v11, v13  }
0x2a6: {  	v5 =	vmov v12;
	v16 =	vld.idx.msk [tilespmem:v19+s14+$0x0], $0xffff  }
0x2a7: {  	v10 =	vadd.s32 $0x8, v10;
	v12 =	vld.idx.msk [tilespmem:v19+s15+$0x0], $0xffff;
	v19 =	vor.u32 $0x7, v8;
	v7 =	vmov v17  }
0x2a8: {  	v8 =	vand.u32 $0xFFFFFFF8, v10;
	v27 =	vld.idx.msk [tilespmem:v15+s14+$0x0], $0xffff  }
0x2a9: {  	v8 =	vadd.s32 v4, v8;
	v28 =	vld.idx.msk [tilespmem:v15+s15+$0x0], $0xffff  }
0x2aa: {  	v13 =	vld.idx.msk [tilespmem:v14+s14+$0x0], $0xffff  }
0x2ab: {  	v17 =	vor.u32 $0x6, v8;
	v15 =	vld.idx.msk [tilespmem:v14+s15+$0x0], $0xffff  }
.Ltmp9:
0x2ac: {  	v11 =	vld.idx.msk [tilespmem:v19+s14+$0x0], $0xffff;
	(pc) =	sbr.rel @p0 .LBB2_21-.Ltmp9, $4  }
0x2ad: {  	v23 =	vmul.f32 v9, v6;
	v18 =	vor.u32 $0x4, v8;
	v12 =	vmul.f32 v12, v16;
	v14 =	vld.idx.msk [tilespmem:v19+s15+$0x0], $0xffff  }
0x2ae: {  	v20 =	vmul.f32 v21, v20;
	v16 =	vor.u32 $0x2, v8;
	v6 =	vld.idx.msk [tilespmem:v8+s14+$0x0], $0xffff  }
0x2af: {  	v23 =	vadd.f32 v23, v22;
	v22 =	vadd.f32 v12, v24;
	v24 =	vmul.f32 v28, v27;
	v9 =	vld.idx.msk [tilespmem:v8+s15+$0x0], $0xffff  }
0x2b0: {  	s22 =	sadd.s32 $0xFFFFFFFF, s22;
	v21 =	vmul.f32 v26, v25;
	v19 =	vor.u32 $0x1, v8;
	v12 =	vld.idx.msk [tilespmem:v17+s14+$0x0], $0xffff  }
0x2b1: {  	_ =	sdelay $0x3  }
0x2b2: {  	v10 =	vld.idx.msk [tilespmem:v17+s15+$0x0], $0xffff  }
0x2b3: {  	v51 =	vld.idx.msk [tilespmem:v18+s14+$0x0], $0xffff  }
0x2b4: {  	v25 =	vor.u32 $0x3, v8;
	v52 =	vld.idx.msk [tilespmem:v18+s15+$0x0], $0xffff  }
0x2b5: {  	v26 =	vld.idx.msk [tilespmem:v16+s14+$0x0], $0xffff  }
0x2b6: {  	v53 =	vld.idx.msk [tilespmem:v16+s15+$0x0], $0xffff;
	v27 =	vor.u32 $0x5, v8  }
0x2b7: {  	v28 =	vld.idx.msk [tilespmem:v19+s14+$0x0], $0xffff  }
0x2b8: {  	v20 =	vadd.f32 v20, v23;
	v54 =	vld.idx.msk [tilespmem:v19+s15+$0x0], $0xffff;
	v55 =	vor.u32 $0x7, v8  }
0x2b9: {  	v22 =	vadd.f32 v24, v22;
	v13 =	vmul.f32 v15, v13;
	v56 =	vld.idx.msk [tilespmem:v25+s14+$0x0], $0xffff  }
0x2ba: {  	v5 =	vmul.f32 v7, v5;
	v7 =	vadd.f32 v21, v20;
	v57 =	vld.idx.msk [tilespmem:v25+s15+$0x0], $0xffff  }
0x2bb: {  	v11 =	vmul.f32 v14, v11;
	v13 =	vadd.f32 v13, v22;
	v58 =	vld.idx.msk [tilespmem:v27+s14+$0x0], $0xffff  }
0x2bc: {  	v5 =	vadd.f32 v5, v7;
	v7 =	vld.idx.msk [tilespmem:v27+s15+$0x0], $0xffff  }
0x2bd: {  	v6 =	vmul.f32 v9, v6;
	v11 =	vadd.f32 v11, v13;
	v59 =	vld.idx.msk [tilespmem:v55+s14+$0x0], $0xffff;
	v60 =	vmul.f32 v54, v28  }
0x2be: {  	v8 =	vld.idx.msk [tilespmem:v55+s15+$0x0], $0xffff;
	v16 =	vmul.f32 v53, v26  }
0x2bf: {  	v5 =	vadd.f32 v6, v5;
	v6 =	vadd.f32 v60, v11;
	v61 =	vmul.f32 v57, v56  }
0x2c0: {  	v62 =	vmul.f32 v52, v51  }
0x2c1: {  	v5 =	vadd.f32 v16, v5;
	v7 =	vmul.f32 v7, v58;
	v6 =	vadd.f32 v61, v6  }
0x2c2: {  	v63 =	vmul.f32 v10, v12  }
0x2c3: {  	v5 =	vadd.f32 v62, v5;
	v6 =	vadd.f32 v7, v6;
	v7 =	vmul.f32 v8, v59;
	_ =	sdelay $0x1  }
0x2c4: {  	v5 =	vadd.f32 v63, v5;
	v6 =	vadd.f32 v7, v6;
	_ =	sdelay $0x1  }
0x2c5: {  	v5 =	vadd.f32 v6, v5;
	_ =	sdelay $0x1  }
0x2c6: {  	v5 =	vsub.f32 $0.0e+00, v5;
	_ =	sdelay $0x1  }
0x2c7: {  	v5 =	vmul.f32 $1.442695020e+00, v5;
	_ =	sdelay $0x1  }
0x2c8: {  	(erf) = vpow2.f32 v5;
	_ =	sdelay $0x8  }
0x2c9: {  	v5 =	vpop (erf)  }
0x2ca: {  	v5 =	vadd.f32 $1.000000000e+00, v5;
	_ =	sdelay $0x1  }
0x2cb: {  	(erf) = vrcp.f32 v5;
	_ =	sdelay $0x3  }
0x2cc: {  	s20 =	sadd.s32 $0x1, s20  }
0x2cd: {  	p0 =	sne.s32 s20, $0x3E  }
.Ltmp10:
0x2ce: {  	_ = 	snop;
	(pc) =	sbr.rel @p0 .LBB2_2-.Ltmp10, $3  }
0x2cf: {  	_ =	sdelay $0x1  }
0x2d0: {  	v5 =	vpop (erf)  }
0x2d1: {  	[tilespmem:s21+$0xEF90] =	vst v5  }
0x2d2: {  	v6 =	vimm.s32 $0x0  }
0x2d3: {  	_ =	swait.ge [sflag:s16], $0x2800;
	v5 =	vand.u32 $0xFFFFFFF8, v6  }
0x2d4: {  	[sflag:s16] =	ssyncset.done $0x0;
	v8 =	vadd.s32 v0, v5  }
0x2d5: {  	[sflag:s16] =	ssyncadd.s32 $0xFFFFD800  }
0x2d6: {  	_ =	swait.ge [sflag:s16], $0x2800;
	v7 =	vor.u32 $0x6, v8  }
0x2d7: {  	[sflag:s16] =	ssyncset.done $0x0  }
0x2d8: {  	v9 =	vor.u32 $0x4, v8;
	[sflag:s16] =	ssyncadd.s32 $0xFFFFD800  }
0x2d9: {  	v12 =	vld.idx.msk [tilespmem:v8+s12+$0x0], $0xffff  }
0x2da: {  	v10 =	vor.u32 $0x2, v8;
	v14 =	vld.idx.msk [tilespmem:v8+s13+$0x0], $0xffff  }
0x2db: {  	v5 =	vld.idx.msk [tilespmem:v7+s12+$0x0], $0xffff  }
0x2dc: {  	v11 =	vor.u32 $0x1, v8;
	v7 =	vld.idx.msk [tilespmem:v7+s13+$0x0], $0xffff  }
0x2dd: {  	v21 =	vld.idx.msk [tilespmem:v9+s12+$0x0], $0xffff  }
0x2de: {  	v13 =	vor.u32 $0x3, v8;
	v25 =	vld.idx.msk [tilespmem:v9+s13+$0x0], $0xffff  }
0x2df: {  	v9 =	vld.idx.msk [tilespmem:v10+s12+$0x0], $0xffff  }
0x2e0: {  	v15 =	vor.u32 $0x5, v8;
	v19 =	vld.idx.msk [tilespmem:v10+s13+$0x0], $0xffff  }
0x2e1: {  	v16 =	vld.idx.msk [tilespmem:v11+s12+$0x0], $0xffff  }
0x2e2: {  	v20 =	vor.u32 $0x7, v8;
	v18 =	vld.idx.msk [tilespmem:v11+s13+$0x0], $0xffff;
	v10 =	vadd.s32 $0x8, v6  }
0x2e3: {  	v24 =	vld.idx.msk [tilespmem:v13+s12+$0x0], $0xffff;
	v6 =	vand.u32 $0xFFFFFFF8, v10  }
0x2e4: {  	v26 =	vld.idx.msk [tilespmem:v13+s13+$0x0], $0xffff;
	v8 =	vadd.s32 v0, v6  }
0x2e5: {  	v13 =	vld.idx.msk [tilespmem:v15+s12+$0x0], $0xffff  }
0x2e6: {  	v15 =	vld.idx.msk [tilespmem:v15+s13+$0x0], $0xffff;
	v17 =	vor.u32 $0x6, v8  }
0x2e7: {  	v11 =	vld.idx.msk [tilespmem:v20+s12+$0x0], $0xffff  }
0x2e8: {  	v12 =	vmul.f32 v14, v12;
	v14 =	vld.idx.msk [tilespmem:v20+s13+$0x0], $0xffff;
	v22 =	vmul.f32 v18, v16;
	v18 =	vor.u32 $0x4, v8  }
0x2e9: {  	v27 =	vimm.f32 $0.0e+00;
	v16 =	vor.u32 $0x2, v8;
	v20 =	vmul.f32 v19, v9;
	v6 =	vld.idx.msk [tilespmem:v8+s12+$0x0], $0xffff  }
0x2ea: {  	v24 =	vmul.f32 v26, v24;
	v23 =	vadd.f32 v12, v27;
	v9 =	vld.idx.msk [tilespmem:v8+s13+$0x0], $0xffff;
	v22 =	vadd.f32 v22, v27  }
0x2eb: {  	s20 =	simm.s32 $0xE;
	v19 =	vor.u32 $0x1, v8;
	v21 =	vmul.f32 v25, v21;
	v12 =	vld.idx.msk [tilespmem:v17+s12+$0x0], $0xffff  }
.LBB2_24:
0x2ec: {  	p0 =	sne.s32 s20, $0x1;
	v17 =	vld.idx.msk [tilespmem:v17+s13+$0x0], $0xffff;
	v20 =	vadd.f32 v20, v23;
	v22 =	vadd.f32 v24, v22;
	v13 =	vmul.f32 v15, v13  }
0x2ed: {  	v15 =	vor.u32 $0x3, v8;
	v5 =	vmul.f32 v7, v5;
	v25 =	vld.idx.msk [tilespmem:v18+s12+$0x0], $0xffff  }
0x2ee: {  	v11 =	vmul.f32 v14, v11;
	v26 =	vld.idx.msk [tilespmem:v18+s13+$0x0], $0xffff;
	v7 =	vadd.f32 v21, v20;
	v13 =	vadd.f32 v13, v22  }
0x2ef: {  	v20 =	vld.idx.msk [tilespmem:v16+s12+$0x0], $0xffff  }
0x2f0: {  	v14 =	vor.u32 $0x5, v8;
	v21 =	vld.idx.msk [tilespmem:v16+s13+$0x0], $0xffff;
	v22 =	vadd.f32 v5, v7;
	v24 =	vadd.f32 v11, v13  }
0x2f1: {  	v5 =	vmov v12;
	v16 =	vld.idx.msk [tilespmem:v19+s12+$0x0], $0xffff  }
0x2f2: {  	v10 =	vadd.s32 $0x8, v10;
	v12 =	vld.idx.msk [tilespmem:v19+s13+$0x0], $0xffff;
	v19 =	vor.u32 $0x7, v8;
	v7 =	vmov v17  }
0x2f3: {  	v8 =	vand.u32 $0xFFFFFFF8, v10;
	v27 =	vld.idx.msk [tilespmem:v15+s12+$0x0], $0xffff  }
0x2f4: {  	v8 =	vadd.s32 v0, v8;
	v28 =	vld.idx.msk [tilespmem:v15+s13+$0x0], $0xffff  }
0x2f5: {  	v13 =	vld.idx.msk [tilespmem:v14+s12+$0x0], $0xffff  }
0x2f6: {  	v17 =	vor.u32 $0x6, v8;
	v15 =	vld.idx.msk [tilespmem:v14+s13+$0x0], $0xffff  }
.Ltmp11:
0x2f7: {  	v11 =	vld.idx.msk [tilespmem:v19+s12+$0x0], $0xffff;
	(pc) =	sbr.rel @p0 .LBB2_24-.Ltmp11, $4  }
0x2f8: {  	v23 =	vmul.f32 v9, v6;
	v18 =	vor.u32 $0x4, v8;
	v12 =	vmul.f32 v12, v16;
	v14 =	vld.idx.msk [tilespmem:v19+s13+$0x0], $0xffff  }
0x2f9: {  	v20 =	vmul.f32 v21, v20;
	v16 =	vor.u32 $0x2, v8;
	v6 =	vld.idx.msk [tilespmem:v8+s12+$0x0], $0xffff  }
0x2fa: {  	v23 =	vadd.f32 v23, v22;
	v22 =	vadd.f32 v12, v24;
	v24 =	vmul.f32 v28, v27;
	v9 =	vld.idx.msk [tilespmem:v8+s13+$0x0], $0xffff  }
0x2fb: {  	s20 =	sadd.s32 $0xFFFFFFFF, s20;
	v21 =	vmul.f32 v26, v25;
	v19 =	vor.u32 $0x1, v8;
	v12 =	vld.idx.msk [tilespmem:v17+s12+$0x0], $0xffff  }
0x2fc: {  	_ =	sdelay $0x3  }
0x2fd: {  	v10 =	vld.idx.msk [tilespmem:v17+s13+$0x0], $0xffff  }
0x2fe: {  	v17 =	vld.idx.msk [tilespmem:v18+s12+$0x0], $0xffff  }
0x2ff: {  	v25 =	vor.u32 $0x3, v8;
	v18 =	vld.idx.msk [tilespmem:v18+s13+$0x0], $0xffff  }
0x300: {  	v26 =	vld.idx.msk [tilespmem:v16+s12+$0x0], $0xffff  }
0x301: {  	v16 =	vld.idx.msk [tilespmem:v16+s13+$0x0], $0xffff;
	v27 =	vor.u32 $0x5, v8  }
0x302: {  	v28 =	vld.idx.msk [tilespmem:v19+s12+$0x0], $0xffff  }
0x303: {  	v20 =	vadd.f32 v20, v23;
	v19 =	vld.idx.msk [tilespmem:v19+s13+$0x0], $0xffff;
	v8 =	vor.u32 $0x7, v8  }
0x304: {  	v22 =	vadd.f32 v24, v22;
	v13 =	vmul.f32 v15, v13;
	v15 =	vld.idx.msk [tilespmem:v25+s12+$0x0], $0xffff  }
0x305: {  	v5 =	vmul.f32 v7, v5;
	v7 =	vadd.f32 v21, v20;
	v20 =	vld.idx.msk [tilespmem:v25+s13+$0x0], $0xffff  }
0x306: {  	v11 =	vmul.f32 v14, v11;
	v13 =	vadd.f32 v13, v22;
	v14 =	vld.idx.msk [tilespmem:v27+s12+$0x0], $0xffff  }
0x307: {  	v6 =	vmul.f32 v9, v6;
	v5 =	vadd.f32 v5, v7;
	v7 =	vld.idx.msk [tilespmem:v27+s13+$0x0], $0xffff  }
0x308: {  	v11 =	vadd.f32 v11, v13;
	v13 =	vld.idx.msk [tilespmem:v8+s12+$0x0], $0xffff;
	v9 =	vmul.f32 v19, v28  }
0x309: {  	v8 =	vld.idx.msk [tilespmem:v8+s13+$0x0], $0xffff;
	v16 =	vmul.f32 v16, v26;
	v5 =	vadd.f32 v6, v5  }
0x30a: {  	v6 =	vadd.f32 v9, v11;
	v9 =	vmul.f32 v20, v15  }
0x30b: {  	v11 =	vmul.f32 v18, v17;
	v5 =	vadd.f32 v16, v5  }
0x30c: {  	v7 =	vmul.f32 v7, v14;
	v6 =	vadd.f32 v9, v6  }
0x30d: {  	v5 =	vadd.f32 v11, v5  }
0x30e: {  	v9 =	vmul.f32 v10, v12;
	v6 =	vadd.f32 v7, v6;
	v7 =	vmul.f32 v8, v13;
	_ =	sdelay $0x1  }
0x30f: {  	v5 =	vadd.f32 v9, v5;
	v6 =	vadd.f32 v7, v6;
	_ =	sdelay $0x1  }
0x310: {  	v5 =	vadd.f32 v6, v5;
	_ =	sdelay $0x1  }
0x311: {  	v5 =	vsub.f32 $0.0e+00, v5;
	_ =	sdelay $0x1  }
0x312: {  	v5 =	vmul.f32 $1.442695020e+00, v5;
	_ =	sdelay $0x1  }
0x313: {  	(erf) = vpow2.f32 v5;
	_ =	sdelay $0x8  }
0x314: {  	v5 =	vpop (erf)  }
0x315: {  	v5 =	vadd.f32 $1.000000000e+00, v5;
	_ =	sdelay $0x1  }
0x316: {  	(erf) = vrcp.f32 v5;
	_ =	sdelay $0x3  }
0x317: {  	v6 =	vimm.s32 $0x0  }
0x318: {  	v5 =	vand.u32 $0xFFFFFFF8, v6  }
0x319: {  	v8 =	vadd.s32 v1, v5;
	_ =	sdelay $0x1  }
0x31a: {  	v7 =	vor.u32 $0x6, v8  }
0x31b: {  	v5 =	vpop (erf)  }
0x31c: {  	v9 =	vor.u32 $0x4, v8;
	[tilespmem:$0x115C0] =	vst v5  }
0x31d: {  	v12 =	vld.idx.msk [tilespmem:v8+s12+$0x0], $0xffff  }
0x31e: {  	v10 =	vor.u32 $0x2, v8;
	v14 =	vld.idx.msk [tilespmem:v8+s13+$0x0], $0xffff  }
0x31f: {  	v5 =	vld.idx.msk [tilespmem:v7+s12+$0x0], $0xffff  }
0x320: {  	v11 =	vor.u32 $0x1, v8;
	v7 =	vld.idx.msk [tilespmem:v7+s13+$0x0], $0xffff  }
0x321: {  	v21 =	vld.idx.msk [tilespmem:v9+s12+$0x0], $0xffff  }
0x322: {  	v13 =	vor.u32 $0x3, v8;
	v25 =	vld.idx.msk [tilespmem:v9+s13+$0x0], $0xffff  }
0x323: {  	v9 =	vld.idx.msk [tilespmem:v10+s12+$0x0], $0xffff  }
0x324: {  	v15 =	vor.u32 $0x5, v8;
	v19 =	vld.idx.msk [tilespmem:v10+s13+$0x0], $0xffff  }
0x325: {  	v16 =	vld.idx.msk [tilespmem:v11+s12+$0x0], $0xffff  }
0x326: {  	v20 =	vor.u32 $0x7, v8;
	v18 =	vld.idx.msk [tilespmem:v11+s13+$0x0], $0xffff;
	v10 =	vadd.s32 $0x8, v6  }
0x327: {  	v24 =	vld.idx.msk [tilespmem:v13+s12+$0x0], $0xffff;
	v6 =	vand.u32 $0xFFFFFFF8, v10  }
0x328: {  	v26 =	vld.idx.msk [tilespmem:v13+s13+$0x0], $0xffff;
	v8 =	vadd.s32 v1, v6  }
0x329: {  	v13 =	vld.idx.msk [tilespmem:v15+s12+$0x0], $0xffff  }
0x32a: {  	v15 =	vld.idx.msk [tilespmem:v15+s13+$0x0], $0xffff;
	v17 =	vor.u32 $0x6, v8  }
0x32b: {  	v11 =	vld.idx.msk [tilespmem:v20+s12+$0x0], $0xffff  }
0x32c: {  	v12 =	vmul.f32 v14, v12;
	v22 =	vmul.f32 v18, v16;
	v14 =	vld.idx.msk [tilespmem:v20+s13+$0x0], $0xffff;
	v18 =	vor.u32 $0x4, v8  }
0x32d: {  	v27 =	vimm.f32 $0.0e+00;
	v16 =	vor.u32 $0x2, v8;
	v20 =	vmul.f32 v19, v9;
	v6 =	vld.idx.msk [tilespmem:v8+s12+$0x0], $0xffff  }
0x32e: {  	v24 =	vmul.f32 v26, v24;
	v9 =	vld.idx.msk [tilespmem:v8+s13+$0x0], $0xffff;
	v23 =	vadd.f32 v12, v27;
	v22 =	vadd.f32 v22, v27  }
0x32f: {  	s20 =	simm.s32 $0xE;
	v19 =	vor.u32 $0x1, v8;
	v21 =	vmul.f32 v25, v21;
	v12 =	vld.idx.msk [tilespmem:v17+s12+$0x0], $0xffff  }
.LBB2_26:
0x330: {  	p0 =	sne.s32 s20, $0x1;
	v17 =	vld.idx.msk [tilespmem:v17+s13+$0x0], $0xffff;
	v20 =	vadd.f32 v20, v23;
	v22 =	vadd.f32 v24, v22;
	v13 =	vmul.f32 v15, v13  }
0x331: {  	v15 =	vor.u32 $0x3, v8;
	v5 =	vmul.f32 v7, v5;
	v25 =	vld.idx.msk [tilespmem:v18+s12+$0x0], $0xffff  }
0x332: {  	v11 =	vmul.f32 v14, v11;
	v26 =	vld.idx.msk [tilespmem:v18+s13+$0x0], $0xffff;
	v7 =	vadd.f32 v21, v20;
	v13 =	vadd.f32 v13, v22  }
0x333: {  	v20 =	vld.idx.msk [tilespmem:v16+s12+$0x0], $0xffff  }
0x334: {  	v14 =	vor.u32 $0x5, v8;
	v21 =	vld.idx.msk [tilespmem:v16+s13+$0x0], $0xffff;
	v22 =	vadd.f32 v5, v7;
	v24 =	vadd.f32 v11, v13  }
0x335: {  	v5 =	vmov v12;
	v16 =	vld.idx.msk [tilespmem:v19+s12+$0x0], $0xffff  }
0x336: {  	v10 =	vadd.s32 $0x8, v10;
	v12 =	vld.idx.msk [tilespmem:v19+s13+$0x0], $0xffff;
	v19 =	vor.u32 $0x7, v8;
	v7 =	vmov v17  }
0x337: {  	v8 =	vand.u32 $0xFFFFFFF8, v10;
	v27 =	vld.idx.msk [tilespmem:v15+s12+$0x0], $0xffff  }
0x338: {  	v8 =	vadd.s32 v1, v8;
	v28 =	vld.idx.msk [tilespmem:v15+s13+$0x0], $0xffff  }
0x339: {  	v13 =	vld.idx.msk [tilespmem:v14+s12+$0x0], $0xffff  }
0x33a: {  	v17 =	vor.u32 $0x6, v8;
	v15 =	vld.idx.msk [tilespmem:v14+s13+$0x0], $0xffff  }
.Ltmp12:
0x33b: {  	v11 =	vld.idx.msk [tilespmem:v19+s12+$0x0], $0xffff;
	(pc) =	sbr.rel @p0 .LBB2_26-.Ltmp12, $4  }
0x33c: {  	v23 =	vmul.f32 v9, v6;
	v18 =	vor.u32 $0x4, v8;
	v12 =	vmul.f32 v12, v16;
	v14 =	vld.idx.msk [tilespmem:v19+s13+$0x0], $0xffff  }
0x33d: {  	v20 =	vmul.f32 v21, v20;
	v16 =	vor.u32 $0x2, v8;
	v6 =	vld.idx.msk [tilespmem:v8+s12+$0x0], $0xffff  }
0x33e: {  	v23 =	vadd.f32 v23, v22;
	v22 =	vadd.f32 v12, v24;
	v24 =	vmul.f32 v28, v27;
	v9 =	vld.idx.msk [tilespmem:v8+s13+$0x0], $0xffff  }
0x33f: {  	s20 =	sadd.s32 $0xFFFFFFFF, s20;
	v21 =	vmul.f32 v26, v25;
	v19 =	vor.u32 $0x1, v8;
	v12 =	vld.idx.msk [tilespmem:v17+s12+$0x0], $0xffff  }
0x340: {  	_ =	sdelay $0x3  }
0x341: {  	v10 =	vld.idx.msk [tilespmem:v17+s13+$0x0], $0xffff  }
0x342: {  	v17 =	vld.idx.msk [tilespmem:v18+s12+$0x0], $0xffff  }
0x343: {  	v25 =	vor.u32 $0x3, v8;
	v18 =	vld.idx.msk [tilespmem:v18+s13+$0x0], $0xffff  }
0x344: {  	v26 =	vld.idx.msk [tilespmem:v16+s12+$0x0], $0xffff  }
0x345: {  	v16 =	vld.idx.msk [tilespmem:v16+s13+$0x0], $0xffff;
	v27 =	vor.u32 $0x5, v8  }
0x346: {  	v28 =	vld.idx.msk [tilespmem:v19+s12+$0x0], $0xffff  }
0x347: {  	v20 =	vadd.f32 v20, v23;
	v19 =	vld.idx.msk [tilespmem:v19+s13+$0x0], $0xffff;
	v8 =	vor.u32 $0x7, v8  }
0x348: {  	v22 =	vadd.f32 v24, v22;
	v13 =	vmul.f32 v15, v13;
	v15 =	vld.idx.msk [tilespmem:v25+s12+$0x0], $0xffff  }
0x349: {  	v5 =	vmul.f32 v7, v5;
	v7 =	vadd.f32 v21, v20;
	v20 =	vld.idx.msk [tilespmem:v25+s13+$0x0], $0xffff  }
0x34a: {  	v11 =	vmul.f32 v14, v11;
	v13 =	vadd.f32 v13, v22;
	v14 =	vld.idx.msk [tilespmem:v27+s12+$0x0], $0xffff  }
0x34b: {  	v6 =	vmul.f32 v9, v6;
	v5 =	vadd.f32 v5, v7;
	v7 =	vld.idx.msk [tilespmem:v27+s13+$0x0], $0xffff  }
0x34c: {  	v11 =	vadd.f32 v11, v13;
	v13 =	vld.idx.msk [tilespmem:v8+s12+$0x0], $0xffff;
	v9 =	vmul.f32 v19, v28  }
0x34d: {  	v8 =	vld.idx.msk [tilespmem:v8+s13+$0x0], $0xffff;
	v16 =	vmul.f32 v16, v26;
	v5 =	vadd.f32 v6, v5  }
0x34e: {  	v6 =	vadd.f32 v9, v11;
	v9 =	vmul.f32 v20, v15  }
0x34f: {  	v11 =	vmul.f32 v18, v17;
	v5 =	vadd.f32 v16, v5  }
0x350: {  	v7 =	vmul.f32 v7, v14;
	v6 =	vadd.f32 v9, v6  }
0x351: {  	v5 =	vadd.f32 v11, v5  }
0x352: {  	v9 =	vmul.f32 v10, v12;
	v6 =	vadd.f32 v7, v6;
	v7 =	vmul.f32 v8, v13;
	_ =	sdelay $0x1  }
0x353: {  	v5 =	vadd.f32 v9, v5;
	v6 =	vadd.f32 v7, v6;
	_ =	sdelay $0x1  }
0x354: {  	v5 =	vadd.f32 v6, v5;
	_ =	sdelay $0x1  }
0x355: {  	v5 =	vsub.f32 $0.0e+00, v5;
	_ =	sdelay $0x1  }
0x356: {  	v5 =	vmul.f32 $1.442695020e+00, v5;
	_ =	sdelay $0x1  }
0x357: {  	(erf) = vpow2.f32 v5;
	_ =	sdelay $0x8  }
0x358: {  	v5 =	vpop (erf)  }
0x359: {  	v5 =	vadd.f32 $1.000000000e+00, v5;
	_ =	sdelay $0x1  }
0x35a: {  	(erf) = vrcp.f32 v5;
	_ =	sdelay $0x3  }
0x35b: {  	v6 =	vimm.s32 $0x0  }
0x35c: {  	v5 =	vand.u32 $0xFFFFFFF8, v6  }
0x35d: {  	v8 =	vadd.s32 v2, v5;
	_ =	sdelay $0x1  }
0x35e: {  	v7 =	vor.u32 $0x6, v8  }
0x35f: {  	v5 =	vpop (erf)  }
0x360: {  	v9 =	vor.u32 $0x4, v8;
	[tilespmem:$0x115D0] =	vst v5  }
0x361: {  	v12 =	vld.idx.msk [tilespmem:v8+s12+$0x0], $0xffff  }
0x362: {  	v10 =	vor.u32 $0x2, v8;
	v14 =	vld.idx.msk [tilespmem:v8+s13+$0x0], $0xffff  }
0x363: {  	v5 =	vld.idx.msk [tilespmem:v7+s12+$0x0], $0xffff  }
0x364: {  	v11 =	vor.u32 $0x1, v8;
	v7 =	vld.idx.msk [tilespmem:v7+s13+$0x0], $0xffff  }
0x365: {  	v21 =	vld.idx.msk [tilespmem:v9+s12+$0x0], $0xffff  }
0x366: {  	v13 =	vor.u32 $0x3, v8;
	v25 =	vld.idx.msk [tilespmem:v9+s13+$0x0], $0xffff  }
0x367: {  	v9 =	vld.idx.msk [tilespmem:v10+s12+$0x0], $0xffff  }
0x368: {  	v15 =	vor.u32 $0x5, v8;
	v19 =	vld.idx.msk [tilespmem:v10+s13+$0x0], $0xffff  }
0x369: {  	v16 =	vld.idx.msk [tilespmem:v11+s12+$0x0], $0xffff  }
0x36a: {  	v20 =	vor.u32 $0x7, v8;
	v18 =	vld.idx.msk [tilespmem:v11+s13+$0x0], $0xffff;
	v10 =	vadd.s32 $0x8, v6  }
0x36b: {  	v24 =	vld.idx.msk [tilespmem:v13+s12+$0x0], $0xffff;
	v6 =	vand.u32 $0xFFFFFFF8, v10  }
0x36c: {  	v26 =	vld.idx.msk [tilespmem:v13+s13+$0x0], $0xffff;
	v8 =	vadd.s32 v2, v6  }
0x36d: {  	v13 =	vld.idx.msk [tilespmem:v15+s12+$0x0], $0xffff  }
0x36e: {  	v15 =	vld.idx.msk [tilespmem:v15+s13+$0x0], $0xffff;
	v17 =	vor.u32 $0x6, v8  }
0x36f: {  	v11 =	vld.idx.msk [tilespmem:v20+s12+$0x0], $0xffff  }
0x370: {  	v12 =	vmul.f32 v14, v12;
	v22 =	vmul.f32 v18, v16;
	v14 =	vld.idx.msk [tilespmem:v20+s13+$0x0], $0xffff;
	v18 =	vor.u32 $0x4, v8  }
0x371: {  	v27 =	vimm.f32 $0.0e+00;
	v16 =	vor.u32 $0x2, v8;
	v20 =	vmul.f32 v19, v9;
	v6 =	vld.idx.msk [tilespmem:v8+s12+$0x0], $0xffff  }
0x372: {  	v24 =	vmul.f32 v26, v24;
	v9 =	vld.idx.msk [tilespmem:v8+s13+$0x0], $0xffff;
	v23 =	vadd.f32 v12, v27;
	v22 =	vadd.f32 v22, v27  }
0x373: {  	s20 =	simm.s32 $0xE;
	v19 =	vor.u32 $0x1, v8;
	v21 =	vmul.f32 v25, v21;
	v12 =	vld.idx.msk [tilespmem:v17+s12+$0x0], $0xffff  }
.LBB2_28:
0x374: {  	p0 =	sne.s32 s20, $0x1;
	v17 =	vld.idx.msk [tilespmem:v17+s13+$0x0], $0xffff;
	v20 =	vadd.f32 v20, v23;
	v22 =	vadd.f32 v24, v22;
	v13 =	vmul.f32 v15, v13  }
0x375: {  	v15 =	vor.u32 $0x3, v8;
	v5 =	vmul.f32 v7, v5;
	v25 =	vld.idx.msk [tilespmem:v18+s12+$0x0], $0xffff  }
0x376: {  	v11 =	vmul.f32 v14, v11;
	v26 =	vld.idx.msk [tilespmem:v18+s13+$0x0], $0xffff;
	v7 =	vadd.f32 v21, v20;
	v13 =	vadd.f32 v13, v22  }
0x377: {  	v20 =	vld.idx.msk [tilespmem:v16+s12+$0x0], $0xffff  }
0x378: {  	v14 =	vor.u32 $0x5, v8;
	v21 =	vld.idx.msk [tilespmem:v16+s13+$0x0], $0xffff;
	v22 =	vadd.f32 v5, v7;
	v24 =	vadd.f32 v11, v13  }
0x379: {  	v5 =	vmov v12;
	v16 =	vld.idx.msk [tilespmem:v19+s12+$0x0], $0xffff  }
0x37a: {  	v10 =	vadd.s32 $0x8, v10;
	v12 =	vld.idx.msk [tilespmem:v19+s13+$0x0], $0xffff;
	v19 =	vor.u32 $0x7, v8;
	v7 =	vmov v17  }
0x37b: {  	v8 =	vand.u32 $0xFFFFFFF8, v10;
	v27 =	vld.idx.msk [tilespmem:v15+s12+$0x0], $0xffff  }
0x37c: {  	v8 =	vadd.s32 v2, v8;
	v28 =	vld.idx.msk [tilespmem:v15+s13+$0x0], $0xffff  }
0x37d: {  	v13 =	vld.idx.msk [tilespmem:v14+s12+$0x0], $0xffff  }
0x37e: {  	v17 =	vor.u32 $0x6, v8;
	v15 =	vld.idx.msk [tilespmem:v14+s13+$0x0], $0xffff  }
.Ltmp13:
0x37f: {  	v11 =	vld.idx.msk [tilespmem:v19+s12+$0x0], $0xffff;
	(pc) =	sbr.rel @p0 .LBB2_28-.Ltmp13, $4  }
0x380: {  	v23 =	vmul.f32 v9, v6;
	v18 =	vor.u32 $0x4, v8;
	v12 =	vmul.f32 v12, v16;
	v14 =	vld.idx.msk [tilespmem:v19+s13+$0x0], $0xffff  }
0x381: {  	v20 =	vmul.f32 v21, v20;
	v16 =	vor.u32 $0x2, v8;
	v6 =	vld.idx.msk [tilespmem:v8+s12+$0x0], $0xffff  }
0x382: {  	v23 =	vadd.f32 v23, v22;
	v22 =	vadd.f32 v12, v24;
	v24 =	vmul.f32 v28, v27;
	v9 =	vld.idx.msk [tilespmem:v8+s13+$0x0], $0xffff  }
0x383: {  	s20 =	sadd.s32 $0xFFFFFFFF, s20;
	v21 =	vmul.f32 v26, v25;
	v19 =	vor.u32 $0x1, v8;
	v12 =	vld.idx.msk [tilespmem:v17+s12+$0x0], $0xffff  }
0x384: {  	_ =	sdelay $0x3  }
0x385: {  	v10 =	vld.idx.msk [tilespmem:v17+s13+$0x0], $0xffff  }
0x386: {  	v17 =	vld.idx.msk [tilespmem:v18+s12+$0x0], $0xffff  }
0x387: {  	v25 =	vor.u32 $0x3, v8;
	v18 =	vld.idx.msk [tilespmem:v18+s13+$0x0], $0xffff  }
0x388: {  	v26 =	vld.idx.msk [tilespmem:v16+s12+$0x0], $0xffff  }
0x389: {  	v16 =	vld.idx.msk [tilespmem:v16+s13+$0x0], $0xffff;
	v27 =	vor.u32 $0x5, v8  }
0x38a: {  	v28 =	vld.idx.msk [tilespmem:v19+s12+$0x0], $0xffff  }
0x38b: {  	v20 =	vadd.f32 v20, v23;
	v19 =	vld.idx.msk [tilespmem:v19+s13+$0x0], $0xffff;
	v8 =	vor.u32 $0x7, v8  }
0x38c: {  	v22 =	vadd.f32 v24, v22;
	v13 =	vmul.f32 v15, v13;
	v15 =	vld.idx.msk [tilespmem:v25+s12+$0x0], $0xffff  }
0x38d: {  	v5 =	vmul.f32 v7, v5;
	v7 =	vadd.f32 v21, v20;
	v20 =	vld.idx.msk [tilespmem:v25+s13+$0x0], $0xffff  }
0x38e: {  	v11 =	vmul.f32 v14, v11;
	v13 =	vadd.f32 v13, v22;
	v14 =	vld.idx.msk [tilespmem:v27+s12+$0x0], $0xffff  }
0x38f: {  	v6 =	vmul.f32 v9, v6;
	v5 =	vadd.f32 v5, v7;
	v7 =	vld.idx.msk [tilespmem:v27+s13+$0x0], $0xffff  }
0x390: {  	v11 =	vadd.f32 v11, v13;
	v13 =	vld.idx.msk [tilespmem:v8+s12+$0x0], $0xffff;
	v9 =	vmul.f32 v19, v28  }
0x391: {  	v8 =	vld.idx.msk [tilespmem:v8+s13+$0x0], $0xffff;
	v16 =	vmul.f32 v16, v26;
	v5 =	vadd.f32 v6, v5  }
0x392: {  	v6 =	vadd.f32 v9, v11;
	v9 =	vmul.f32 v20, v15  }
0x393: {  	v11 =	vmul.f32 v18, v17;
	v5 =	vadd.f32 v16, v5  }
0x394: {  	v7 =	vmul.f32 v7, v14;
	v6 =	vadd.f32 v9, v6  }
0x395: {  	v5 =	vadd.f32 v11, v5  }
0x396: {  	v9 =	vmul.f32 v10, v12;
	v6 =	vadd.f32 v7, v6;
	v7 =	vmul.f32 v8, v13;
	_ =	sdelay $0x1  }
0x397: {  	v5 =	vadd.f32 v9, v5;
	v6 =	vadd.f32 v7, v6;
	_ =	sdelay $0x1  }
0x398: {  	v5 =	vadd.f32 v6, v5;
	_ =	sdelay $0x1  }
0x399: {  	v5 =	vsub.f32 $0.0e+00, v5;
	_ =	sdelay $0x1  }
0x39a: {  	v5 =	vmul.f32 $1.442695020e+00, v5;
	_ =	sdelay $0x1  }
0x39b: {  	(erf) = vpow2.f32 v5;
	_ =	sdelay $0x8  }
0x39c: {  	v5 =	vpop (erf)  }
0x39d: {  	v5 =	vadd.f32 $1.000000000e+00, v5;
	_ =	sdelay $0x1  }
0x39e: {  	(erf) = vrcp.f32 v5;
	_ =	sdelay $0x3  }
0x39f: {  	v6 =	vimm.s32 $0x0  }
0x3a0: {  	v5 =	vand.u32 $0xFFFFFFF8, v6  }
0x3a1: {  	v8 =	vadd.s32 v3, v5;
	_ =	sdelay $0x1  }
0x3a2: {  	v7 =	vor.u32 $0x6, v8  }
0x3a3: {  	v5 =	vpop (erf)  }
0x3a4: {  	v9 =	vor.u32 $0x4, v8;
	[tilespmem:$0x115E0] =	vst v5  }
0x3a5: {  	v12 =	vld.idx.msk [tilespmem:v8+s12+$0x0], $0xffff  }
0x3a6: {  	v10 =	vor.u32 $0x2, v8;
	v14 =	vld.idx.msk [tilespmem:v8+s13+$0x0], $0xffff  }
0x3a7: {  	v5 =	vld.idx.msk [tilespmem:v7+s12+$0x0], $0xffff  }
0x3a8: {  	v11 =	vor.u32 $0x1, v8;
	v7 =	vld.idx.msk [tilespmem:v7+s13+$0x0], $0xffff  }
0x3a9: {  	v21 =	vld.idx.msk [tilespmem:v9+s12+$0x0], $0xffff  }
0x3aa: {  	v13 =	vor.u32 $0x3, v8;
	v25 =	vld.idx.msk [tilespmem:v9+s13+$0x0], $0xffff  }
0x3ab: {  	v9 =	vld.idx.msk [tilespmem:v10+s12+$0x0], $0xffff  }
0x3ac: {  	v15 =	vor.u32 $0x5, v8;
	v19 =	vld.idx.msk [tilespmem:v10+s13+$0x0], $0xffff  }
0x3ad: {  	v16 =	vld.idx.msk [tilespmem:v11+s12+$0x0], $0xffff  }
0x3ae: {  	v20 =	vor.u32 $0x7, v8;
	v18 =	vld.idx.msk [tilespmem:v11+s13+$0x0], $0xffff;
	v10 =	vadd.s32 $0x8, v6  }
0x3af: {  	v24 =	vld.idx.msk [tilespmem:v13+s12+$0x0], $0xffff;
	v6 =	vand.u32 $0xFFFFFFF8, v10  }
0x3b0: {  	v26 =	vld.idx.msk [tilespmem:v13+s13+$0x0], $0xffff;
	v8 =	vadd.s32 v3, v6  }
0x3b1: {  	v13 =	vld.idx.msk [tilespmem:v15+s12+$0x0], $0xffff  }
0x3b2: {  	v15 =	vld.idx.msk [tilespmem:v15+s13+$0x0], $0xffff;
	v17 =	vor.u32 $0x6, v8  }
0x3b3: {  	v11 =	vld.idx.msk [tilespmem:v20+s12+$0x0], $0xffff  }
0x3b4: {  	v12 =	vmul.f32 v14, v12;
	v22 =	vmul.f32 v18, v16;
	v14 =	vld.idx.msk [tilespmem:v20+s13+$0x0], $0xffff;
	v18 =	vor.u32 $0x4, v8  }
0x3b5: {  	v27 =	vimm.f32 $0.0e+00;
	v16 =	vor.u32 $0x2, v8;
	v20 =	vmul.f32 v19, v9;
	v6 =	vld.idx.msk [tilespmem:v8+s12+$0x0], $0xffff  }
0x3b6: {  	v24 =	vmul.f32 v26, v24;
	v9 =	vld.idx.msk [tilespmem:v8+s13+$0x0], $0xffff;
	v23 =	vadd.f32 v12, v27;
	v22 =	vadd.f32 v22, v27  }
0x3b7: {  	s20 =	simm.s32 $0xE;
	v19 =	vor.u32 $0x1, v8;
	v21 =	vmul.f32 v25, v21;
	v12 =	vld.idx.msk [tilespmem:v17+s12+$0x0], $0xffff  }
.LBB2_30:
0x3b8: {  	p0 =	sne.s32 s20, $0x1;
	v17 =	vld.idx.msk [tilespmem:v17+s13+$0x0], $0xffff;
	v20 =	vadd.f32 v20, v23;
	v22 =	vadd.f32 v24, v22;
	v13 =	vmul.f32 v15, v13  }
0x3b9: {  	v15 =	vor.u32 $0x3, v8;
	v5 =	vmul.f32 v7, v5;
	v25 =	vld.idx.msk [tilespmem:v18+s12+$0x0], $0xffff  }
0x3ba: {  	v11 =	vmul.f32 v14, v11;
	v26 =	vld.idx.msk [tilespmem:v18+s13+$0x0], $0xffff;
	v7 =	vadd.f32 v21, v20;
	v13 =	vadd.f32 v13, v22  }
0x3bb: {  	v20 =	vld.idx.msk [tilespmem:v16+s12+$0x0], $0xffff  }
0x3bc: {  	v14 =	vor.u32 $0x5, v8;
	v21 =	vld.idx.msk [tilespmem:v16+s13+$0x0], $0xffff;
	v22 =	vadd.f32 v5, v7;
	v24 =	vadd.f32 v11, v13  }
0x3bd: {  	v5 =	vmov v12;
	v16 =	vld.idx.msk [tilespmem:v19+s12+$0x0], $0xffff  }
0x3be: {  	v10 =	vadd.s32 $0x8, v10;
	v12 =	vld.idx.msk [tilespmem:v19+s13+$0x0], $0xffff;
	v19 =	vor.u32 $0x7, v8;
	v7 =	vmov v17  }
0x3bf: {  	v8 =	vand.u32 $0xFFFFFFF8, v10;
	v27 =	vld.idx.msk [tilespmem:v15+s12+$0x0], $0xffff  }
0x3c0: {  	v8 =	vadd.s32 v3, v8;
	v28 =	vld.idx.msk [tilespmem:v15+s13+$0x0], $0xffff  }
0x3c1: {  	v13 =	vld.idx.msk [tilespmem:v14+s12+$0x0], $0xffff  }
0x3c2: {  	v17 =	vor.u32 $0x6, v8;
	v15 =	vld.idx.msk [tilespmem:v14+s13+$0x0], $0xffff  }
.Ltmp14:
0x3c3: {  	v11 =	vld.idx.msk [tilespmem:v19+s12+$0x0], $0xffff;
	(pc) =	sbr.rel @p0 .LBB2_30-.Ltmp14, $4  }
0x3c4: {  	v23 =	vmul.f32 v9, v6;
	v18 =	vor.u32 $0x4, v8;
	v12 =	vmul.f32 v12, v16;
	v14 =	vld.idx.msk [tilespmem:v19+s13+$0x0], $0xffff  }
0x3c5: {  	v20 =	vmul.f32 v21, v20;
	v16 =	vor.u32 $0x2, v8;
	v6 =	vld.idx.msk [tilespmem:v8+s12+$0x0], $0xffff  }
0x3c6: {  	v23 =	vadd.f32 v23, v22;
	v22 =	vadd.f32 v12, v24;
	v24 =	vmul.f32 v28, v27;
	v9 =	vld.idx.msk [tilespmem:v8+s13+$0x0], $0xffff  }
0x3c7: {  	s20 =	sadd.s32 $0xFFFFFFFF, s20;
	v21 =	vmul.f32 v26, v25;
	v19 =	vor.u32 $0x1, v8;
	v12 =	vld.idx.msk [tilespmem:v17+s12+$0x0], $0xffff  }
0x3c8: {  	_ =	sdelay $0x3  }
0x3c9: {  	v10 =	vld.idx.msk [tilespmem:v17+s13+$0x0], $0xffff  }
0x3ca: {  	v17 =	vld.idx.msk [tilespmem:v18+s12+$0x0], $0xffff  }
0x3cb: {  	v25 =	vor.u32 $0x3, v8;
	v18 =	vld.idx.msk [tilespmem:v18+s13+$0x0], $0xffff  }
0x3cc: {  	v26 =	vld.idx.msk [tilespmem:v16+s12+$0x0], $0xffff  }
0x3cd: {  	v16 =	vld.idx.msk [tilespmem:v16+s13+$0x0], $0xffff;
	v27 =	vor.u32 $0x5, v8  }
0x3ce: {  	v28 =	vld.idx.msk [tilespmem:v19+s12+$0x0], $0xffff  }
0x3cf: {  	v20 =	vadd.f32 v20, v23;
	v19 =	vld.idx.msk [tilespmem:v19+s13+$0x0], $0xffff;
	v8 =	vor.u32 $0x7, v8  }
0x3d0: {  	v22 =	vadd.f32 v24, v22;
	v13 =	vmul.f32 v15, v13;
	v15 =	vld.idx.msk [tilespmem:v25+s12+$0x0], $0xffff  }
0x3d1: {  	v5 =	vmul.f32 v7, v5;
	v7 =	vadd.f32 v21, v20;
	v20 =	vld.idx.msk [tilespmem:v25+s13+$0x0], $0xffff  }
0x3d2: {  	v11 =	vmul.f32 v14, v11;
	v13 =	vadd.f32 v13, v22;
	v14 =	vld.idx.msk [tilespmem:v27+s12+$0x0], $0xffff  }
0x3d3: {  	v6 =	vmul.f32 v9, v6;
	v5 =	vadd.f32 v5, v7;
	v7 =	vld.idx.msk [tilespmem:v27+s13+$0x0], $0xffff  }
0x3d4: {  	v11 =	vadd.f32 v11, v13;
	v13 =	vld.idx.msk [tilespmem:v8+s12+$0x0], $0xffff;
	v9 =	vmul.f32 v19, v28  }
0x3d5: {  	v8 =	vld.idx.msk [tilespmem:v8+s13+$0x0], $0xffff;
	v16 =	vmul.f32 v16, v26;
	v5 =	vadd.f32 v6, v5  }
0x3d6: {  	v6 =	vadd.f32 v9, v11;
	v9 =	vmul.f32 v20, v15  }
0x3d7: {  	v11 =	vmul.f32 v18, v17;
	v5 =	vadd.f32 v16, v5  }
0x3d8: {  	v7 =	vmul.f32 v7, v14;
	v6 =	vadd.f32 v9, v6  }
0x3d9: {  	v5 =	vadd.f32 v11, v5  }
0x3da: {  	v9 =	vmul.f32 v10, v12;
	v6 =	vadd.f32 v7, v6;
	v7 =	vmul.f32 v8, v13;
	_ =	sdelay $0x1  }
0x3db: {  	v5 =	vadd.f32 v9, v5;
	v6 =	vadd.f32 v7, v6;
	_ =	sdelay $0x1  }
0x3dc: {  	v5 =	vadd.f32 v6, v5;
	_ =	sdelay $0x1  }
0x3dd: {  	v5 =	vsub.f32 $0.0e+00, v5;
	_ =	sdelay $0x1  }
0x3de: {  	v5 =	vmul.f32 $1.442695020e+00, v5;
	_ =	sdelay $0x1  }
0x3df: {  	(erf) = vpow2.f32 v5;
	_ =	sdelay $0x8  }
0x3e0: {  	v5 =	vpop (erf)  }
0x3e1: {  	v5 =	vadd.f32 $1.000000000e+00, v5;
	_ =	sdelay $0x1  }
0x3e2: {  	(erf) = vrcp.f32 v5;
	_ =	sdelay $0x3  }
0x3e3: {  	v6 =	vimm.s32 $0x0  }
0x3e4: {  	v5 =	vand.u32 $0xFFFFFFF8, v6  }
0x3e5: {  	v8 =	vadd.s32 v4, v5;
	_ =	sdelay $0x1  }
0x3e6: {  	v7 =	vor.u32 $0x6, v8  }
0x3e7: {  	v5 =	vpop (erf)  }
0x3e8: {  	v9 =	vor.u32 $0x4, v8;
	[tilespmem:$0x115F0] =	vst v5  }
0x3e9: {  	v12 =	vld.idx.msk [tilespmem:v8+s12+$0x0], $0xffff  }
0x3ea: {  	v10 =	vor.u32 $0x2, v8;
	v14 =	vld.idx.msk [tilespmem:v8+s13+$0x0], $0xffff  }
0x3eb: {  	v5 =	vld.idx.msk [tilespmem:v7+s12+$0x0], $0xffff  }
0x3ec: {  	v11 =	vor.u32 $0x1, v8;
	v7 =	vld.idx.msk [tilespmem:v7+s13+$0x0], $0xffff  }
0x3ed: {  	v21 =	vld.idx.msk [tilespmem:v9+s12+$0x0], $0xffff  }
0x3ee: {  	v13 =	vor.u32 $0x3, v8;
	v25 =	vld.idx.msk [tilespmem:v9+s13+$0x0], $0xffff  }
0x3ef: {  	v9 =	vld.idx.msk [tilespmem:v10+s12+$0x0], $0xffff  }
0x3f0: {  	v15 =	vor.u32 $0x5, v8;
	v19 =	vld.idx.msk [tilespmem:v10+s13+$0x0], $0xffff  }
0x3f1: {  	v16 =	vld.idx.msk [tilespmem:v11+s12+$0x0], $0xffff  }
0x3f2: {  	v20 =	vor.u32 $0x7, v8;
	v18 =	vld.idx.msk [tilespmem:v11+s13+$0x0], $0xffff;
	v10 =	vadd.s32 $0x8, v6  }
0x3f3: {  	v24 =	vld.idx.msk [tilespmem:v13+s12+$0x0], $0xffff;
	v6 =	vand.u32 $0xFFFFFFF8, v10  }
0x3f4: {  	v26 =	vld.idx.msk [tilespmem:v13+s13+$0x0], $0xffff;
	v8 =	vadd.s32 v4, v6  }
0x3f5: {  	v13 =	vld.idx.msk [tilespmem:v15+s12+$0x0], $0xffff  }
0x3f6: {  	v15 =	vld.idx.msk [tilespmem:v15+s13+$0x0], $0xffff;
	v17 =	vor.u32 $0x6, v8  }
0x3f7: {  	v11 =	vld.idx.msk [tilespmem:v20+s12+$0x0], $0xffff  }
0x3f8: {  	v12 =	vmul.f32 v14, v12;
	v22 =	vmul.f32 v18, v16;
	v14 =	vld.idx.msk [tilespmem:v20+s13+$0x0], $0xffff;
	v18 =	vor.u32 $0x4, v8  }
0x3f9: {  	v27 =	vimm.f32 $0.0e+00;
	v16 =	vor.u32 $0x2, v8;
	v20 =	vmul.f32 v19, v9;
	v6 =	vld.idx.msk [tilespmem:v8+s12+$0x0], $0xffff  }
0x3fa: {  	v24 =	vmul.f32 v26, v24;
	v9 =	vld.idx.msk [tilespmem:v8+s13+$0x0], $0xffff;
	v23 =	vadd.f32 v12, v27;
	v22 =	vadd.f32 v22, v27  }
0x3fb: {  	s20 =	simm.s32 $0xE;
	v19 =	vor.u32 $0x1, v8;
	v21 =	vmul.f32 v25, v21;
	v12 =	vld.idx.msk [tilespmem:v17+s12+$0x0], $0xffff  }
.LBB2_32:
0x3fc: {  	p0 =	sne.s32 s20, $0x1;
	v17 =	vld.idx.msk [tilespmem:v17+s13+$0x0], $0xffff;
	v20 =	vadd.f32 v20, v23;
	v22 =	vadd.f32 v24, v22;
	v13 =	vmul.f32 v15, v13  }
0x3fd: {  	v15 =	vor.u32 $0x3, v8;
	v5 =	vmul.f32 v7, v5;
	v25 =	vld.idx.msk [tilespmem:v18+s12+$0x0], $0xffff  }
0x3fe: {  	v11 =	vmul.f32 v14, v11;
	v26 =	vld.idx.msk [tilespmem:v18+s13+$0x0], $0xffff;
	v7 =	vadd.f32 v21, v20;
	v13 =	vadd.f32 v13, v22  }
0x3ff: {  	v20 =	vld.idx.msk [tilespmem:v16+s12+$0x0], $0xffff  }
0x400: {  	v14 =	vor.u32 $0x5, v8;
	v21 =	vld.idx.msk [tilespmem:v16+s13+$0x0], $0xffff;
	v22 =	vadd.f32 v5, v7;
	v24 =	vadd.f32 v11, v13  }
0x401: {  	v5 =	vmov v12;
	v16 =	vld.idx.msk [tilespmem:v19+s12+$0x0], $0xffff  }
0x402: {  	v10 =	vadd.s32 $0x8, v10;
	v12 =	vld.idx.msk [tilespmem:v19+s13+$0x0], $0xffff;
	v19 =	vor.u32 $0x7, v8;
	v7 =	vmov v17  }
0x403: {  	v8 =	vand.u32 $0xFFFFFFF8, v10;
	v27 =	vld.idx.msk [tilespmem:v15+s12+$0x0], $0xffff  }
0x404: {  	v8 =	vadd.s32 v4, v8;
	v28 =	vld.idx.msk [tilespmem:v15+s13+$0x0], $0xffff  }
0x405: {  	v13 =	vld.idx.msk [tilespmem:v14+s12+$0x0], $0xffff  }
0x406: {  	v17 =	vor.u32 $0x6, v8;
	v15 =	vld.idx.msk [tilespmem:v14+s13+$0x0], $0xffff  }
.Ltmp15:
0x407: {  	v11 =	vld.idx.msk [tilespmem:v19+s12+$0x0], $0xffff;
	(pc) =	sbr.rel @p0 .LBB2_32-.Ltmp15, $4  }
0x408: {  	v23 =	vmul.f32 v9, v6;
	v18 =	vor.u32 $0x4, v8;
	v12 =	vmul.f32 v12, v16;
	v14 =	vld.idx.msk [tilespmem:v19+s13+$0x0], $0xffff  }
0x409: {  	v20 =	vmul.f32 v21, v20;
	v16 =	vor.u32 $0x2, v8;
	v6 =	vld.idx.msk [tilespmem:v8+s12+$0x0], $0xffff  }
0x40a: {  	v23 =	vadd.f32 v23, v22;
	v22 =	vadd.f32 v12, v24;
	v24 =	vmul.f32 v28, v27;
	v9 =	vld.idx.msk [tilespmem:v8+s13+$0x0], $0xffff  }
0x40b: {  	s20 =	sadd.s32 $0xFFFFFFFF, s20;
	v21 =	vmul.f32 v26, v25;
	v19 =	vor.u32 $0x1, v8;
	v12 =	vld.idx.msk [tilespmem:v17+s12+$0x0], $0xffff  }
0x40c: {  	_ =	sdelay $0x3  }
0x40d: {  	v10 =	vld.idx.msk [tilespmem:v17+s13+$0x0], $0xffff  }
0x40e: {  	v51 =	vld.idx.msk [tilespmem:v18+s12+$0x0], $0xffff  }
0x40f: {  	v25 =	vor.u32 $0x3, v8;
	v52 =	vld.idx.msk [tilespmem:v18+s13+$0x0], $0xffff  }
0x410: {  	v26 =	vld.idx.msk [tilespmem:v16+s12+$0x0], $0xffff  }
0x411: {  	v53 =	vld.idx.msk [tilespmem:v16+s13+$0x0], $0xffff;
	v27 =	vor.u32 $0x5, v8  }
0x412: {  	v28 =	vld.idx.msk [tilespmem:v19+s12+$0x0], $0xffff  }
0x413: {  	v20 =	vadd.f32 v20, v23;
	v54 =	vld.idx.msk [tilespmem:v19+s13+$0x0], $0xffff;
	v55 =	vor.u32 $0x7, v8  }
0x414: {  	v22 =	vadd.f32 v24, v22;
	v13 =	vmul.f32 v15, v13;
	v56 =	vld.idx.msk [tilespmem:v25+s12+$0x0], $0xffff  }
0x415: {  	v5 =	vmul.f32 v7, v5;
	v7 =	vadd.f32 v21, v20;
	v57 =	vld.idx.msk [tilespmem:v25+s13+$0x0], $0xffff  }
0x416: {  	v11 =	vmul.f32 v14, v11;
	v13 =	vadd.f32 v13, v22;
	v58 =	vld.idx.msk [tilespmem:v27+s12+$0x0], $0xffff  }
0x417: {  	v5 =	vadd.f32 v5, v7;
	v7 =	vld.idx.msk [tilespmem:v27+s13+$0x0], $0xffff  }
0x418: {  	v6 =	vmul.f32 v9, v6;
	v11 =	vadd.f32 v11, v13;
	v59 =	vld.idx.msk [tilespmem:v55+s12+$0x0], $0xffff;
	v60 =	vmul.f32 v54, v28  }
0x419: {  	v8 =	vld.idx.msk [tilespmem:v55+s13+$0x0], $0xffff;
	v16 =	vmul.f32 v53, v26  }
0x41a: {  	v5 =	vadd.f32 v6, v5;
	v6 =	vadd.f32 v60, v11;
	v61 =	vmul.f32 v57, v56  }
0x41b: {  	v62 =	vmul.f32 v52, v51  }
0x41c: {  	v5 =	vadd.f32 v16, v5;
	v7 =	vmul.f32 v7, v58;
	v6 =	vadd.f32 v61, v6  }
0x41d: {  	v63 =	vmul.f32 v10, v12  }
0x41e: {  	v5 =	vadd.f32 v62, v5;
	v6 =	vadd.f32 v7, v6;
	v7 =	vmul.f32 v8, v59;
	_ =	sdelay $0x1  }
0x41f: {  	v5 =	vadd.f32 v63, v5;
	v6 =	vadd.f32 v7, v6;
	_ =	sdelay $0x1  }
0x420: {  	v5 =	vadd.f32 v6, v5;
	_ =	sdelay $0x1  }
0x421: {  	v5 =	vsub.f32 $0.0e+00, v5;
	_ =	sdelay $0x1  }
0x422: {  	v5 =	vmul.f32 $1.442695020e+00, v5;
	_ =	sdelay $0x1  }
0x423: {  	(erf) = vpow2.f32 v5;
	_ =	sdelay $0x8  }
0x424: {  	v5 =	vpop (erf)  }
0x425: {  	v5 =	vadd.f32 $1.000000000e+00, v5;
	_ =	sdelay $0x1  }
0x426: {  	(erf) = vrcp.f32 v5;
	_ =	sdelay $0x7  }
0x427: {  	s19 =	sadd.s32 $0x1, s19  }
0x428: {  	p0 =	sne.s32 s19, s8;
	v5 =	vpop (erf)  }
.Ltmp16:
0x429: {  	[tilespmem:$0x11600] =	vst v5;
	(pc) =	sbr.rel @p0 .LBB2_1-.Ltmp16, $4  }
0x42a: {  	[hbm4b:s7+s4] =	stream.linear.scatter [tilespmem:s18], [sflag:$0x3], $0x2710, $0x38;
	[tilespmem:$0x11680] =	vst v63  }
0x42b: {  	_ =	swait.ge [sflag:s9], $0x2710  }
0x42c: {  	[sflag:s9] =	ssyncset.done $0x0  }
0x42d: {  	[sflag:s9] =	ssyncadd.s32 $0xFFFFD8F0  }
0x42e: {  	_ =	sfence.sel $0x180000  }
0x42f: {  	[bflag:$0x0] =	sbarrier.arrive $0xFFFF  }
0x430: {  	p0 =	sne.s32 s3, $0x0;
	_ =	strace $0x90000047  }
0x431: {  	s0 =	sadd.s32 @!p0 $0x100000, s1;
	[bflag:$0x2] =	sbarrier.arrive $0xFFFF  }
0x432: {  	[sflag:s0] =	ssyncadd.tile.s32 @!p0 $0x1;
	_ =	shalt  }
.Lfunc_end2:
_tile_overlayer_lowered:
.L_overlay_start_2:
0x433: {  	(tag) =	ssettag $0x2  }
0x434: {  	s0 =	rddreg [dreg:$0x0];
	s2 =	stileid.u32  }
0x435: {  	s1 =	rddreg [dreg:$0x1];
	p0 =	sne.s32 s2, $0x0  }
0x436: {  	s3 =	rddreg [dreg:$0x2];
	[bflag:$0x3] =	sbarrier.arrive $0xFFFF;
	s2 =	simm.s32 @!p0 $0x1C03  }
0x437: {  	[timem:s3], [sflag:s2] =	dma.local @!p0 [hbm:s0], s1  }
0x438: {  	s0 =	simm.s32 @!p0 $0x3  }
0x439: {  	_ =	swait.ge @!p0 [sflag:s0], s1  }
0x43a: {  	s1 =	ssub.s32 @!p0 $0x0, s1;
	[sflag:s0] =	ssyncset.done @!p0 $0x0  }
0x43b: {  	[sflag:s0] =	ssyncadd.s32 @!p0 s1  }
0x43c: {  	[bflag:$0x3] =	sbarrier.arrive $0xFFFF  }
0x43d: {  	_ =	shalt  }

</sc_bundles>
